<compile_context>
chip_gen: v7x
topology: tpu7x:2x2x1
jax: 0.10.2.dev20260603
libtpu: 0.0.44.dev20260713+nightly
codegen_flags: <defaults>
</compile_context>

<pallas_src>
import functools

import jax
import jax.numpy as jnp
from jax import lax
from jax.experimental import pallas as pl
from jax.experimental.pallas import tpu as pltpu
from jax.experimental.pallas import tpu_sc as plsc

_NC = 2
_NS = 16
_L = 16
_NW = _NC * _NS
_C = 128


def _sc_body(n, d, nch, zr, x_hbm, src_hbm, dst_hbm, w_hbm, out_hbm,
             xs, acc, rows_a, rows_b, srcb_a, srcb_b, dstb_a, dstb_b,
             wb_a, wb_b, semg_a, semg_b, sems_a, sems_b,
             semsrc_a, semsrc_b, semdw_a, semdw_b):
    cid = lax.axis_index("c")
    sid = lax.axis_index("s")
    wid = cid * _NS + sid
    half = d // 2

    def load_src(k, srcb, sem):
        pltpu.async_copy(src_hbm.at[wid, k, 0], srcb, sem)

    def wait_src(srcb, sem):
        pltpu.make_async_copy(src_hbm.at[wid, 0, 0], srcb, sem).wait()

    def load_dw(k, dstb, wb, sem):
        pltpu.async_copy(dst_hbm.at[wid, k, 0], dstb, sem)
        pltpu.async_copy(w_hbm.at[wid, k, 0], wb, sem)

    def wait_dw(dstb, wb, sem):
        pltpu.make_async_copy(dst_hbm.at[wid, 0, 0], dstb, sem).wait()
        pltpu.make_async_copy(w_hbm.at[wid, 0, 0], wb, sem).wait()

    def gather(srcb, rows, sem):
        pltpu.async_copy(xs.at[srcb], rows, sem)

    def gather_wait(srcb, rows, sem):
        pltpu.make_async_copy(xs.at[srcb], rows, sem).wait()

    def scatter(dstb, rows, sem):
        pltpu.async_copy(rows, acc.at[dstb], sem, add=True)

    def scatter_wait(dstb, rows, sem):
        pltpu.make_async_copy(rows, acc.at[dstb], sem).wait()

    def scale(wb, rows):
        def body(i, carry):
            ws = plsc.load_gather(wb, [jnp.full((_L,), i, jnp.int32)])
            for j in range(half // _L):
                rows[i, pl.ds(j * _L, _L)] = rows[i, pl.ds(j * _L, _L)] * ws
            return carry
        lax.fori_loop(0, _C, body, 0)

    zc = 80
    nzch = n // zc
    nrch = n // zr

    def zrow(r, carry):
        for j in range(half // _L):
            rows_a[r, pl.ds(j * _L, _L)] = jnp.zeros((_L,), jnp.float32)
        return carry
    lax.fori_loop(0, zc, zrow, 0)

    for h in range(2):
        for q in range((nzch + _NS - 1) // _NS):
            idx = sid + _NS * q

            @pl.when(idx < nzch)
            def _():
                pltpu.sync_copy(x_hbm.at[h, pl.ds(idx * zc, zc)],
                                xs.at[pl.ds(idx * zc, zc)])
                pltpu.sync_copy(rows_a.at[pl.ds(0, zc)],
                                acc.at[pl.ds(idx * zc, zc)])
        plsc.subcore_barrier()

        load_src(0, srcb_a, semsrc_a)
        load_dw(0, dstb_a, wb_a, semdw_a)
        load_src(1, srcb_b, semsrc_b)
        load_dw(1, dstb_b, wb_b, semdw_b)
        wait_src(srcb_a, semsrc_a)
        gather(srcb_a, rows_a, semg_a)
        wait_src(srcb_b, semsrc_b)
        gather(srcb_b, rows_b, semg_b)

        def step(p, carry):
            ka = 2 * p
            gather_wait(srcb_a, rows_a, semg_a)
            load_src(ka + 2, srcb_a, semsrc_a)
            wait_dw(dstb_a, wb_a, semdw_a)
            scale(wb_a, rows_a)
            scatter(dstb_a, rows_a, sems_a)

            gather_wait(srcb_b, rows_b, semg_b)
            load_src(ka + 3, srcb_b, semsrc_b)
            wait_dw(dstb_b, wb_b, semdw_b)
            scale(wb_b, rows_b)
            scatter(dstb_b, rows_b, sems_b)

            scatter_wait(dstb_a, rows_a, sems_a)
            load_dw(ka + 2, dstb_a, wb_a, semdw_a)
            wait_src(srcb_a, semsrc_a)
            gather(srcb_a, rows_a, semg_a)

            scatter_wait(dstb_b, rows_b, sems_b)
            load_dw(ka + 3, dstb_b, wb_b, semdw_b)
            wait_src(srcb_b, semsrc_b)
            gather(srcb_b, rows_b, semg_b)
            return carry
        lax.fori_loop(0, nch // 2 - 1, step, 0)

        gather_wait(srcb_a, rows_a, semg_a)
        wait_dw(dstb_a, wb_a, semdw_a)
        scale(wb_a, rows_a)
        scatter(dstb_a, rows_a, sems_a)
        gather_wait(srcb_b, rows_b, semg_b)
        wait_dw(dstb_b, wb_b, semdw_b)
        scale(wb_b, rows_b)
        scatter(dstb_b, rows_b, sems_b)
        scatter_wait(dstb_a, rows_a, sems_a)
        scatter_wait(dstb_b, rows_b, sems_b)
        plsc.subcore_barrier()

        for q in range((nrch + _NS - 1) // _NS):
            idx = sid + _NS * q

            @pl.when(idx < nrch)
            def _():
                r0 = idx * zr
                pltpu.sync_copy(acc.at[pl.ds(r0, zr)],
                                out_hbm.at[cid, h, pl.ds(r0, zr)])

        if h == 0:
            lax.fori_loop(0, zc, zrow, 0)
            plsc.subcore_barrier()


def _combine_body(p_ref, o_ref):
    half = o_ref.shape[-1] // 2
    o_ref[:, :half] = p_ref[0, 0] + p_ref[1, 0]
    o_ref[:, half:] = p_ref[0, 1] + p_ref[1, 1]


@jax.jit
def kernel(input, edge_index, edge_weight):
    n, d = input.shape
    e = edge_index.shape[1]
    assert e % _NW == 0 and d % (2 * _L) == 0 and n % 80 == 0
    e_t = e // _NW
    nch = -(-e_t // _C)
    nch += nch % 2
    e_pad = nch * _C
    half = d // 2

    pad = ((0, 0), (0, e_pad - e_t))
    shape4 = (_NW, nch, 1, _C)
    src = jnp.pad(edge_index[1].reshape(_NW, e_t), pad).reshape(shape4)
    dst = jnp.pad(edge_index[0].reshape(_NW, e_t), pad).reshape(shape4)
    w = jnp.pad(edge_weight.reshape(_NW, e_t), pad).reshape(shape4)
    x2 = jnp.stack([input[:, :half], input[:, half:]])

    zr = 200
    assert n % zr == 0 and zr % 8 == 0

    mesh = plsc.VectorSubcoreMesh(core_axis_name="c", subcore_axis_name="s",
                                  num_cores=_NC, num_subcores=_NS)
    partial = pl.kernel(
        functools.partial(_sc_body, n, d, nch, zr),
        out_type=jax.ShapeDtypeStruct((_NC, 2, n, half), jnp.float32),
        mesh=mesh,
        compiler_params=pltpu.CompilerParams(needs_layout_passes=False,
                                             use_tc_tiling_on_sc=False),
        scratch_types=[
            pltpu.MemorySpace.VMEM_SHARED((n, half), jnp.float32),
            pltpu.MemorySpace.VMEM_SHARED((n, half), jnp.float32),
            pltpu.VMEM((_C, half), jnp.float32),
            pltpu.VMEM((_C, half), jnp.float32),
            pltpu.VMEM((_C,), jnp.int32),
            pltpu.VMEM((_C,), jnp.int32),
            pltpu.VMEM((_C,), jnp.int32),
            pltpu.VMEM((_C,), jnp.int32),
            pltpu.VMEM((_C,), jnp.float32),
            pltpu.VMEM((_C,), jnp.float32),
            pltpu.SemaphoreType.DMA,
            pltpu.SemaphoreType.DMA,
            pltpu.SemaphoreType.DMA,
            pltpu.SemaphoreType.DMA,
            pltpu.SemaphoreType.DMA,
            pltpu.SemaphoreType.DMA,
            pltpu.SemaphoreType.DMA,
            pltpu.SemaphoreType.DMA,
        ],
    )(x2, src, dst, w)

    r = 2000
    return pl.pallas_call(
        _combine_body,
        grid=(n // r,),
        in_specs=[pl.BlockSpec((2, 2, r, half), lambda i: (0, 0, i, 0))],
        out_specs=pl.BlockSpec((r, d), lambda i: (i, 0)),
        out_shape=jax.ShapeDtypeStruct((n, d), jnp.float32),
    )(partial)

# --- scband reference (transcript-rebuilt; emitter-appended) ---
"""Pipeline reference for scband-propagation-67963562492185 (READ-ONLY COPY).

The authoritative reference and input builder live on the scoring server;
editing this copy changes nothing except your own understanding.
"""

import jax, jax.numpy as jnp
import numpy as np

N = 10000
E = 320000
D = 128


def setup_inputs(seed: int = 0) -> dict:
    key = jax.random.key(seed)
    k1, k2, k3 = jax.random.split(key, 3)
    x = jax.random.normal(k1, (N, D), dtype=jnp.float32)
    edge_index = jax.random.randint(k2, (2, E), 0, N, dtype=jnp.int32)
    edge_weight = jax.random.uniform(k3, (E,), dtype=jnp.float32)
    return {"input": x, "edge_index": edge_index, "edge_weight": edge_weight}


def reference(input, edge_index, edge_weight):
    # torch.sparse.mm(adj, input) where adj is an NxN sparse COO matrix.
    # adj is represented as (edge_index, edge_weight):
    #   adj[dst, src] = edge_weight  ->  out[dst] += edge_weight * input[src]
    src = edge_index[1]
    dst = edge_index[0]
    messages = jnp.take(input, src, axis=0) * edge_weight[:, None]
    out = jnp.zeros_like(input).at[dst].add(messages)
    return out

if __name__ == "__main__":
    import jax
    _d = setup_inputs()
    print(jax.jit(kernel)(*tuple(_d.values())))

</pallas_src>

<mosaic_0001>
#map = affine_map<(d0, d1) -> (0, 0, 0)>
#map1 = affine_map<(d0, d1) -> (0, 0, 0, 0)>
module attributes {stable_mosaic.version = 14 : i64} {
  func.func @_sc_body(%arg0: i32, %arg1: i32, %arg2: memref<2x10000x64xf32, #tpu.memory_space<hbm>>, %arg3: memref<32x80x1x128xi32, #tpu.memory_space<hbm>>, %arg4: memref<32x80x1x128xi32, #tpu.memory_space<hbm>>, %arg5: memref<32x80x1x128xf32, #tpu.memory_space<hbm>>, %arg6: memref<2x2x10000x64xf32, #tpu.memory_space<hbm>>, %arg7: memref<10000x64xf32, #tpu.memory_space<vmem_shared>>, %arg8: memref<10000x64xf32, #tpu.memory_space<vmem_shared>>, %arg9: memref<128x64xf32, #tpu.memory_space<vmem>>, %arg10: memref<128x64xf32, #tpu.memory_space<vmem>>, %arg11: memref<128xi32, #tpu.memory_space<vmem>>, %arg12: memref<128xi32, #tpu.memory_space<vmem>>, %arg13: memref<128xi32, #tpu.memory_space<vmem>>, %arg14: memref<128xi32, #tpu.memory_space<vmem>>, %arg15: memref<128xf32, #tpu.memory_space<vmem>>, %arg16: memref<128xf32, #tpu.memory_space<vmem>>, %arg17: memref<!tpu.dma_semaphore, #tpu.memory_space<semaphore_mem>>, %arg18: memref<!tpu.dma_semaphore, #tpu.memory_space<semaphore_mem>>, %arg19: memref<!tpu.dma_semaphore, #tpu.memory_space<semaphore_mem>>, %arg20: memref<!tpu.dma_semaphore, #tpu.memory_space<semaphore_mem>>, %arg21: memref<!tpu.dma_semaphore, #tpu.memory_space<semaphore_mem>>, %arg22: memref<!tpu.dma_semaphore, #tpu.memory_space<semaphore_mem>>, %arg23: memref<!tpu.dma_semaphore, #tpu.memory_space<semaphore_mem>>, %arg24: memref<!tpu.dma_semaphore, #tpu.memory_space<semaphore_mem>>) attributes {dimension_semantics = [#tpu.dimension_semantics<core_parallel>, #tpu.dimension_semantics<subcore_parallel>], iteration_bounds = array<i64: 2, 16>, scalar_prefetch = 0 : i64, scratch_operands = 18 : i64, tpu.core_type = #tpu.core_type<sc_vector_subcore>, window_params = [{transform_indices = #map}, {transform_indices = #map1}, {transform_indices = #map1}, {transform_indices = #map1}, {transform_indices = #map1}]} {
    %mul3A = arith.constant 16 : i32
    %mul3A_0 = arith.muli %arg0, %mul3A : i32
    %add3A = arith.addi %mul3A_0, %arg1 : i32
    %scan3A = arith.constant 0 : i32
    %scan3A_1 = arith.constant 0 : i32
    %scan3A_2 = arith.constant 80 : i32
    %scan3A_3 = arith.addi %scan3A_1, %scan3A_2 : i32
    %scan3A_4 = arith.constant 1 : i32
    scf.for %scan3A_455 = %scan3A_1 to %scan3A_3 step %scan3A_4  : i32 {
      %broadcast_in_dim3A = arith.constant 0.000000e+00 : f32
      %broadcast_in_dim3A_456 = vector.broadcast %broadcast_in_dim3A : f32 to vector<16xf32>
      %swap3A = arith.index_cast %scan3A_455 : i32 to index
      %swap3A_457 = arith.constant 0 : index
      %swap3A_458 = tpu.vector_load %arg9[%swap3A, %swap3A_457] {strides = array<i32>} : memref<128x64xf32, #tpu.memory_space<vmem>>, vector<16xf32>,
      tpu.vector_store %arg9[%swap3A, %swap3A_457], %broadcast_in_dim3A_456 {strides = array<i32>} : memref<128x64xf32, #tpu.memory_space<vmem>>, vector<16xf32>,
      %broadcast_in_dim3A_459 = arith.constant 0.000000e+00 : f32
      %broadcast_in_dim3A_460 = vector.broadcast %broadcast_in_dim3A_459 : f32 to vector<16xf32>
      %swap3A_461 = arith.index_cast %scan3A_455 : i32 to index
      %swap3A_462 = arith.constant 16 : index
      %swap3A_463 = tpu.vector_load %arg9[%swap3A_461, %swap3A_462] {strides = array<i32>} : memref<128x64xf32, #tpu.memory_space<vmem>>, vector<16xf32>,
      tpu.vector_store %arg9[%swap3A_461, %swap3A_462], %broadcast_in_dim3A_460 {strides = array<i32>} : memref<128x64xf32, #tpu.memory_space<vmem>>, vector<16xf32>,
      %broadcast_in_dim3A_464 = arith.constant 0.000000e+00 : f32
      %broadcast_in_dim3A_465 = vector.broadcast %broadcast_in_dim3A_464 : f32 to vector<16xf32>
      %swap3A_466 = arith.index_cast %scan3A_455 : i32 to index
      %swap3A_467 = arith.constant 32 : index
      %swap3A_468 = tpu.vector_load %arg9[%swap3A_466, %swap3A_467] {strides = array<i32>} : memref<128x64xf32, #tpu.memory_space<vmem>>, vector<16xf32>,
      tpu.vector_store %arg9[%swap3A_466, %swap3A_467], %broadcast_in_dim3A_465 {strides = array<i32>} : memref<128x64xf32, #tpu.memory_space<vmem>>, vector<16xf32>,
      %broadcast_in_dim3A_469 = arith.constant 0.000000e+00 : f32
      %broadcast_in_dim3A_470 = vector.broadcast %broadcast_in_dim3A_469 : f32 to vector<16xf32>
      %swap3A_471 = arith.index_cast %scan3A_455 : i32 to index
      %swap3A_472 = arith.constant 48 : index
      %swap3A_473 = tpu.vector_load %arg9[%swap3A_471, %swap3A_472] {strides = array<i32>} : memref<128x64xf32, #tpu.memory_space<vmem>>, vector<16xf32>,
      tpu.vector_store %arg9[%swap3A_471, %swap3A_472], %broadcast_in_dim3A_470 {strides = array<i32>} : memref<128x64xf32, #tpu.memory_space<vmem>>, vector<16xf32>,
    }
    %scan3A_5 = arith.constant 80 : i32
    %add3A_6 = arith.constant 0 : i32
    %add3A_7 = arith.addi %arg1, %add3A_6 : i32
    %lt3A = arith.constant 125 : i32
    %lt3A_8 = arith.cmpi slt, %add3A_7, %lt3A : i32
    %convert_element_type3A = arith.extui %lt3A_8 : i1 to i32
    %cond3A = arith.constant 0 : i32
    %cond3A_9 = arith.cmpi ne, %convert_element_type3A, %cond3A : i32
    scf.if %cond3A_9 {
      %mul3A_455 = arith.constant 80 : i32
      %mul3A_456 = arith.muli %add3A_7, %mul3A_455 : i32
      %mul3A_457 = arith.constant 80 : i32
      %mul3A_458 = arith.muli %add3A_7, %mul3A_457 : i32
      %run_scoped3A = arith.constant 0 : i32
      "tpu.region"() ({
        %run_scoped3A_461 = tpu.sem_alloc : memref<!tpu.dma_semaphore, #tpu.memory_space<semaphore_mem>>
        %dma_start3A_462 = arith.constant 0 : i32
        %dma_start3A_463 = tpu.memref_slice %arg7[%mul3A_458, %dma_start3A_462] : memref<10000x64xf32, #tpu.memory_space<vmem_shared>> -> memref<80x64xf32, #tpu.memory_space<vmem_shared>>
        %dma_start3A_464 = arith.constant 0 : i32
        %dma_start3A_465 = tpu.memref_slice %arg2[%run_scoped3A, %mul3A_456, %dma_start3A_464] : memref<2x10000x64xf32, #tpu.memory_space<hbm>> -> memref<1x80x64xf32, #tpu.memory_space<hbm>>
        %dma_start3A_466 = tpu.memref_squeeze %dma_start3A_465 : memref<1x80x64xf32, #tpu.memory_space<hbm>> -> memref<80x64xf32, #tpu.memory_space<hbm>>
        tpu.enqueue_dma source(%dma_start3A_466 : memref<80x64xf32, #tpu.memory_space<hbm>>) target(%dma_start3A_463 : memref<80x64xf32, #tpu.memory_space<vmem_shared>>) target_semaphore(%run_scoped3A_461 : memref<!tpu.dma_semaphore, #tpu.memory_space<semaphore_mem>>)
        %dma_wait3A_467 = arith.constant 0 : i32
        %dma_wait3A_468 = tpu.memref_slice %arg7[%mul3A_458, %dma_wait3A_467] : memref<10000x64xf32, #tpu.memory_space<vmem_shared>> -> memref<80x64xf32, #tpu.memory_space<vmem_shared>>
        %dma_wait3A_469 = arith.constant 0 : i32
        %dma_wait3A_470 = tpu.memref_slice %arg2[%run_scoped3A, %mul3A_456, %dma_wait3A_469] : memref<2x10000x64xf32, #tpu.memory_space<hbm>> -> memref<1x80x64xf32, #tpu.memory_space<hbm>>
        %dma_wait3A_471 = tpu.memref_squeeze %dma_wait3A_470 : memref<1x80x64xf32, #tpu.memory_space<hbm>> -> memref<80x64xf32, #tpu.memory_space<hbm>>
        tpu.wait_dma2 semaphore(%run_scoped3A_461 : memref<!tpu.dma_semaphore, #tpu.memory_space<semaphore_mem>>) src(%dma_wait3A_471 : memref<80x64xf32, #tpu.memory_space<hbm>>) dst(%dma_wait3A_468 : memref<80x64xf32, #tpu.memory_space<vmem_shared>>)
        tpu.yield
      }) : () -> ()
      %mul3A_459 = arith.constant 80 : i32
      %mul3A_460 = arith.muli %add3A_7, %mul3A_459 : i32
      "tpu.region"() ({
        %run_scoped3A_461 = tpu.sem_alloc : memref<!tpu.dma_semaphore, #tpu.memory_space<semaphore_mem>>
        %dma_start3A_462 = arith.constant 0 : i32
        %dma_start3A_463 = arith.constant 0 : i32
        %dma_start3A_464 = tpu.memref_slice %arg9[%dma_start3A_462, %dma_start3A_463] : memref<128x64xf32, #tpu.memory_space<vmem>> -> memref<80x64xf32, #tpu.memory_space<vmem>>
        %dma_start3A_465 = arith.constant 0 : i32
        %dma_start3A_466 = tpu.memref_slice %arg8[%mul3A_460, %dma_start3A_465] : memref<10000x64xf32, #tpu.memory_space<vmem_shared>> -> memref<80x64xf32, #tpu.memory_space<vmem_shared>>
        %dma_start3A_467 = arith.constant 0 : i32
        %dma_start3A_468 = tpu.memref_slice %arg8[%mul3A_460, %dma_start3A_467] : memref<10000x64xf32, #tpu.memory_space<vmem_shared>> -> memref<80x64xf32, #tpu.memory_space<vmem_shared>>
        %dma_start3A_469 = arith.constant 0 : i32
        %dma_start3A_470 = arith.constant 0 : i32
        %dma_start3A_471 = tpu.memref_slice %arg9[%dma_start3A_469, %dma_start3A_470] : memref<128x64xf32, #tpu.memory_space<vmem>> -> memref<80x64xf32, #tpu.memory_space<vmem>>
        tpu.enqueue_dma source(%dma_start3A_471 : memref<80x64xf32, #tpu.memory_space<vmem>>) target(%dma_start3A_468 : memref<80x64xf32, #tpu.memory_space<vmem_shared>>) target_semaphore(%run_scoped3A_461 : memref<!tpu.dma_semaphore, #tpu.memory_space<semaphore_mem>>)
        %dma_wait3A_472 = arith.constant 0 : i32
        %dma_wait3A_473 = arith.constant 0 : i32
        %dma_wait3A_474 = tpu.memref_slice %arg9[%dma_wait3A_472, %dma_wait3A_473] : memref<128x64xf32, #tpu.memory_space<vmem>> -> memref<80x64xf32, #tpu.memory_space<vmem>>
        %dma_wait3A_475 = arith.constant 0 : i32
        %dma_wait3A_476 = tpu.memref_slice %arg8[%mul3A_460, %dma_wait3A_475] : memref<10000x64xf32, #tpu.memory_space<vmem_shared>> -> memref<80x64xf32, #tpu.memory_space<vmem_shared>>
        %dma_wait3A_477 = arith.constant 0 : i32
        %dma_wait3A_478 = tpu.memref_slice %arg8[%mul3A_460, %dma_wait3A_477] : memref<10000x64xf32, #tpu.memory_space<vmem_shared>> -> memref<80x64xf32, #tpu.memory_space<vmem_shared>>
        %dma_wait3A_479 = arith.constant 0 : i32
        %dma_wait3A_480 = arith.constant 0 : i32
        %dma_wait3A_481 = tpu.memref_slice %arg9[%dma_wait3A_479, %dma_wait3A_480] : memref<128x64xf32, #tpu.memory_space<vmem>> -> memref<80x64xf32, #tpu.memory_space<vmem>>
        tpu.wait_dma2 semaphore(%run_scoped3A_461 : memref<!tpu.dma_semaphore, #tpu.memory_space<semaphore_mem>>) src(%dma_wait3A_481 : memref<80x64xf32, #tpu.memory_space<vmem>>) dst(%dma_wait3A_478 : memref<80x64xf32, #tpu.memory_space<vmem_shared>>)
        tpu.yield
      }) : () -> ()
    } else {
    }
    %add3A_10 = arith.constant 16 : i32
    %add3A_11 = arith.addi %arg1, %add3A_10 : i32
    %lt3A_12 = arith.constant 125 : i32
    %lt3A_13 = arith.cmpi slt, %add3A_11, %lt3A_12 : i32
    %convert_element_type3A_14 = arith.extui %lt3A_13 : i1 to i32
    %cond3A_15 = arith.constant 0 : i32
    %cond3A_16 = arith.cmpi ne, %convert_element_type3A_14, %cond3A_15 : i32
    scf.if %cond3A_16 {
      %mul3A_455 = arith.constant 80 : i32
      %mul3A_456 = arith.muli %add3A_11, %mul3A_455 : i32
      %mul3A_457 = arith.constant 80 : i32
      %mul3A_458 = arith.muli %add3A_11, %mul3A_457 : i32
      %run_scoped3A = arith.constant 0 : i32
      "tpu.region"() ({
        %run_scoped3A_461 = tpu.sem_alloc : memref<!tpu.dma_semaphore, #tpu.memory_space<semaphore_mem>>
        %dma_start3A_462 = arith.constant 0 : i32
        %dma_start3A_463 = tpu.memref_slice %arg7[%mul3A_458, %dma_start3A_462] : memref<10000x64xf32, #tpu.memory_space<vmem_shared>> -> memref<80x64xf32, #tpu.memory_space<vmem_shared>>
        %dma_start3A_464 = arith.constant 0 : i32
        %dma_start3A_465 = tpu.memref_slice %arg2[%run_scoped3A, %mul3A_456, %dma_start3A_464] : memref<2x10000x64xf32, #tpu.memory_space<hbm>> -> memref<1x80x64xf32, #tpu.memory_space<hbm>>
        %dma_start3A_466 = tpu.memref_squeeze %dma_start3A_465 : memref<1x80x64xf32, #tpu.memory_space<hbm>> -> memref<80x64xf32, #tpu.memory_space<hbm>>
        tpu.enqueue_dma source(%dma_start3A_466 : memref<80x64xf32, #tpu.memory_space<hbm>>) target(%dma_start3A_463 : memref<80x64xf32, #tpu.memory_space<vmem_shared>>) target_semaphore(%run_scoped3A_461 : memref<!tpu.dma_semaphore, #tpu.memory_space<semaphore_mem>>)
        %dma_wait3A_467 = arith.constant 0 : i32
        %dma_wait3A_468 = tpu.memref_slice %arg7[%mul3A_458, %dma_wait3A_467] : memref<10000x64xf32, #tpu.memory_space<vmem_shared>> -> memref<80x64xf32, #tpu.memory_space<vmem_shared>>
        %dma_wait3A_469 = arith.constant 0 : i32
        %dma_wait3A_470 = tpu.memref_slice %arg2[%run_scoped3A, %mul3A_456, %dma_wait3A_469] : memref<2x10000x64xf32, #tpu.memory_space<hbm>> -> memref<1x80x64xf32, #tpu.memory_space<hbm>>
        %dma_wait3A_471 = tpu.memref_squeeze %dma_wait3A_470 : memref<1x80x64xf32, #tpu.memory_space<hbm>> -> memref<80x64xf32, #tpu.memory_space<hbm>>
        tpu.wait_dma2 semaphore(%run_scoped3A_461 : memref<!tpu.dma_semaphore, #tpu.memory_space<semaphore_mem>>) src(%dma_wait3A_471 : memref<80x64xf32, #tpu.memory_space<hbm>>) dst(%dma_wait3A_468 : memref<80x64xf32, #tpu.memory_space<vmem_shared>>)
        tpu.yield
      }) : () -> ()
      %mul3A_459 = arith.constant 80 : i32
      %mul3A_460 = arith.muli %add3A_11, %mul3A_459 : i32
      "tpu.region"() ({
        %run_scoped3A_461 = tpu.sem_alloc : memref<!tpu.dma_semaphore, #tpu.memory_space<semaphore_mem>>
        %dma_start3A_462 = arith.constant 0 : i32
        %dma_start3A_463 = arith.constant 0 : i32
        %dma_start3A_464 = tpu.memref_slice %arg9[%dma_start3A_462, %dma_start3A_463] : memref<128x64xf32, #tpu.memory_space<vmem>> -> memref<80x64xf32, #tpu.memory_space<vmem>>
        %dma_start3A_465 = arith.constant 0 : i32
        %dma_start3A_466 = tpu.memref_slice %arg8[%mul3A_460, %dma_start3A_465] : memref<10000x64xf32, #tpu.memory_space<vmem_shared>> -> memref<80x64xf32, #tpu.memory_space<vmem_shared>>
        %dma_start3A_467 = arith.constant 0 : i32
        %dma_start3A_468 = tpu.memref_slice %arg8[%mul3A_460, %dma_start3A_467] : memref<10000x64xf32, #tpu.memory_space<vmem_shared>> -> memref<80x64xf32, #tpu.memory_space<vmem_shared>>
        %dma_start3A_469 = arith.constant 0 : i32
        %dma_start3A_470 = arith.constant 0 : i32
        %dma_start3A_471 = tpu.memref_slice %arg9[%dma_start3A_469, %dma_start3A_470] : memref<128x64xf32, #tpu.memory_space<vmem>> -> memref<80x64xf32, #tpu.memory_space<vmem>>
        tpu.enqueue_dma source(%dma_start3A_471 : memref<80x64xf32, #tpu.memory_space<vmem>>) target(%dma_start3A_468 : memref<80x64xf32, #tpu.memory_space<vmem_shared>>) target_semaphore(%run_scoped3A_461 : memref<!tpu.dma_semaphore, #tpu.memory_space<semaphore_mem>>)
        %dma_wait3A_472 = arith.constant 0 : i32
        %dma_wait3A_473 = arith.constant 0 : i32
        %dma_wait3A_474 = tpu.memref_slice %arg9[%dma_wait3A_472, %dma_wait3A_473] : memref<128x64xf32, #tpu.memory_space<vmem>> -> memref<80x64xf32, #tpu.memory_space<vmem>>
        %dma_wait3A_475 = arith.constant 0 : i32
        %dma_wait3A_476 = tpu.memref_slice %arg8[%mul3A_460, %dma_wait3A_475] : memref<10000x64xf32, #tpu.memory_space<vmem_shared>> -> memref<80x64xf32, #tpu.memory_space<vmem_shared>>
        %dma_wait3A_477 = arith.constant 0 : i32
        %dma_wait3A_478 = tpu.memref_slice %arg8[%mul3A_460, %dma_wait3A_477] : memref<10000x64xf32, #tpu.memory_space<vmem_shared>> -> memref<80x64xf32, #tpu.memory_space<vmem_shared>>
        %dma_wait3A_479 = arith.constant 0 : i32
        %dma_wait3A_480 = arith.constant 0 : i32
        %dma_wait3A_481 = tpu.memref_slice %arg9[%dma_wait3A_479, %dma_wait3A_480] : memref<128x64xf32, #tpu.memory_space<vmem>> -> memref<80x64xf32, #tpu.memory_space<vmem>>
        tpu.wait_dma2 semaphore(%run_scoped3A_461 : memref<!tpu.dma_semaphore, #tpu.memory_space<semaphore_mem>>) src(%dma_wait3A_481 : memref<80x64xf32, #tpu.memory_space<vmem>>) dst(%dma_wait3A_478 : memref<80x64xf32, #tpu.memory_space<vmem_shared>>)
        tpu.yield
      }) : () -> ()
    } else {
    }
    %add3A_17 = arith.constant 32 : i32
    %add3A_18 = arith.addi %arg1, %add3A_17 : i32
    %lt3A_19 = arith.constant 125 : i32
    %lt3A_20 = arith.cmpi slt, %add3A_18, %lt3A_19 : i32
    %convert_element_type3A_21 = arith.extui %lt3A_20 : i1 to i32
    %cond3A_22 = arith.constant 0 : i32
    %cond3A_23 = arith.cmpi ne, %convert_element_type3A_21, %cond3A_22 : i32
    scf.if %cond3A_23 {
      %mul3A_455 = arith.constant 80 : i32
      %mul3A_456 = arith.muli %add3A_18, %mul3A_455 : i32
      %mul3A_457 = arith.constant 80 : i32
      %mul3A_458 = arith.muli %add3A_18, %mul3A_457 : i32
      %run_scoped3A = arith.constant 0 : i32
      "tpu.region"() ({
        %run_scoped3A_461 = tpu.sem_alloc : memref<!tpu.dma_semaphore, #tpu.memory_space<semaphore_mem>>
        %dma_start3A_462 = arith.constant 0 : i32
        %dma_start3A_463 = tpu.memref_slice %arg7[%mul3A_458, %dma_start3A_462] : memref<10000x64xf32, #tpu.memory_space<vmem_shared>> -> memref<80x64xf32, #tpu.memory_space<vmem_shared>>
        %dma_start3A_464 = arith.constant 0 : i32
        %dma_start3A_465 = tpu.memref_slice %arg2[%run_scoped3A, %mul3A_456, %dma_start3A_464] : memref<2x10000x64xf32, #tpu.memory_space<hbm>> -> memref<1x80x64xf32, #tpu.memory_space<hbm>>
        %dma_start3A_466 = tpu.memref_squeeze %dma_start3A_465 : memref<1x80x64xf32, #tpu.memory_space<hbm>> -> memref<80x64xf32, #tpu.memory_space<hbm>>
        tpu.enqueue_dma source(%dma_start3A_466 : memref<80x64xf32, #tpu.memory_space<hbm>>) target(%dma_start3A_463 : memref<80x64xf32, #tpu.memory_space<vmem_shared>>) target_semaphore(%run_scoped3A_461 : memref<!tpu.dma_semaphore, #tpu.memory_space<semaphore_mem>>)
        %dma_wait3A_467 = arith.constant 0 : i32
        %dma_wait3A_468 = tpu.memref_slice %arg7[%mul3A_458, %dma_wait3A_467] : memref<10000x64xf32, #tpu.memory_space<vmem_shared>> -> memref<80x64xf32, #tpu.memory_space<vmem_shared>>
        %dma_wait3A_469 = arith.constant 0 : i32
        %dma_wait3A_470 = tpu.memref_slice %arg2[%run_scoped3A, %mul3A_456, %dma_wait3A_469] : memref<2x10000x64xf32, #tpu.memory_space<hbm>> -> memref<1x80x64xf32, #tpu.memory_space<hbm>>
        %dma_wait3A_471 = tpu.memref_squeeze %dma_wait3A_470 : memref<1x80x64xf32, #tpu.memory_space<hbm>> -> memref<80x64xf32, #tpu.memory_space<hbm>>
        tpu.wait_dma2 semaphore(%run_scoped3A_461 : memref<!tpu.dma_semaphore, #tpu.memory_space<semaphore_mem>>) src(%dma_wait3A_471 : memref<80x64xf32, #tpu.memory_space<hbm>>) dst(%dma_wait3A_468 : memref<80x64xf32, #tpu.memory_space<vmem_shared>>)
        tpu.yield
      }) : () -> ()
      %mul3A_459 = arith.constant 80 : i32
      %mul3A_460 = arith.muli %add3A_18, %mul3A_459 : i32
      "tpu.region"() ({
        %run_scoped3A_461 = tpu.sem_alloc : memref<!tpu.dma_semaphore, #tpu.memory_space<semaphore_mem>>
        %dma_start3A_462 = arith.constant 0 : i32
        %dma_start3A_463 = arith.constant 0 : i32
        %dma_start3A_464 = tpu.memref_slice %arg9[%dma_start3A_462, %dma_start3A_463] : memref<128x64xf32, #tpu.memory_space<vmem>> -> memref<80x64xf32, #tpu.memory_space<vmem>>
        %dma_start3A_465 = arith.constant 0 : i32
        %dma_start3A_466 = tpu.memref_slice %arg8[%mul3A_460, %dma_start3A_465] : memref<10000x64xf32, #tpu.memory_space<vmem_shared>> -> memref<80x64xf32, #tpu.memory_space<vmem_shared>>
        %dma_start3A_467 = arith.constant 0 : i32
        %dma_start3A_468 = tpu.memref_slice %arg8[%mul3A_460, %dma_start3A_467] : memref<10000x64xf32, #tpu.memory_space<vmem_shared>> -> memref<80x64xf32, #tpu.memory_space<vmem_shared>>
        %dma_start3A_469 = arith.constant 0 : i32
        %dma_start3A_470 = arith.constant 0 : i32
        %dma_start3A_471 = tpu.memref_slice %arg9[%dma_start3A_469, %dma_start3A_470] : memref<128x64xf32, #tpu.memory_space<vmem>> -> memref<80x64xf32, #tpu.memory_space<vmem>>
        tpu.enqueue_dma source(%dma_start3A_471 : memref<80x64xf32, #tpu.memory_space<vmem>>) target(%dma_start3A_468 : memref<80x64xf32, #tpu.memory_space<vmem_shared>>) target_semaphore(%run_scoped3A_461 : memref<!tpu.dma_semaphore, #tpu.memory_space<semaphore_mem>>)
        %dma_wait3A_472 = arith.constant 0 : i32
        %dma_wait3A_473 = arith.constant 0 : i32
        %dma_wait3A_474 = tpu.memref_slice %arg9[%dma_wait3A_472, %dma_wait3A_473] : memref<128x64xf32, #tpu.memory_space<vmem>> -> memref<80x64xf32, #tpu.memory_space<vmem>>
        %dma_wait3A_475 = arith.constant 0 : i32
        %dma_wait3A_476 = tpu.memref_slice %arg8[%mul3A_460, %dma_wait3A_475] : memref<10000x64xf32, #tpu.memory_space<vmem_shared>> -> memref<80x64xf32, #tpu.memory_space<vmem_shared>>
        %dma_wait3A_477 = arith.constant 0 : i32
        %dma_wait3A_478 = tpu.memref_slice %arg8[%mul3A_460, %dma_wait3A_477] : memref<10000x64xf32, #tpu.memory_space<vmem_shared>> -> memref<80x64xf32, #tpu.memory_space<vmem_shared>>
        %dma_wait3A_479 = arith.constant 0 : i32
        %dma_wait3A_480 = arith.constant 0 : i32
        %dma_wait3A_481 = tpu.memref_slice %arg9[%dma_wait3A_479, %dma_wait3A_480] : memref<128x64xf32, #tpu.memory_space<vmem>> -> memref<80x64xf32, #tpu.memory_space<vmem>>
        tpu.wait_dma2 semaphore(%run_scoped3A_461 : memref<!tpu.dma_semaphore, #tpu.memory_space<semaphore_mem>>) src(%dma_wait3A_481 : memref<80x64xf32, #tpu.memory_space<vmem>>) dst(%dma_wait3A_478 : memref<80x64xf32, #tpu.memory_space<vmem_shared>>)
        tpu.yield
      }) : () -> ()
    } else {
    }
    %add3A_24 = arith.constant 48 : i32
    %add3A_25 = arith.addi %arg1, %add3A_24 : i32
    %lt3A_26 = arith.constant 125 : i32
    %lt3A_27 = arith.cmpi slt, %add3A_25, %lt3A_26 : i32
    %convert_element_type3A_28 = arith.extui %lt3A_27 : i1 to i32
    %cond3A_29 = arith.constant 0 : i32
    %cond3A_30 = arith.cmpi ne, %convert_element_type3A_28, %cond3A_29 : i32
    scf.if %cond3A_30 {
      %mul3A_455 = arith.constant 80 : i32
      %mul3A_456 = arith.muli %add3A_25, %mul3A_455 : i32
      %mul3A_457 = arith.constant 80 : i32
      %mul3A_458 = arith.muli %add3A_25, %mul3A_457 : i32
      %run_scoped3A = arith.constant 0 : i32
      "tpu.region"() ({
        %run_scoped3A_461 = tpu.sem_alloc : memref<!tpu.dma_semaphore, #tpu.memory_space<semaphore_mem>>
        %dma_start3A_462 = arith.constant 0 : i32
        %dma_start3A_463 = tpu.memref_slice %arg7[%mul3A_458, %dma_start3A_462] : memref<10000x64xf32, #tpu.memory_space<vmem_shared>> -> memref<80x64xf32, #tpu.memory_space<vmem_shared>>
        %dma_start3A_464 = arith.constant 0 : i32
        %dma_start3A_465 = tpu.memref_slice %arg2[%run_scoped3A, %mul3A_456, %dma_start3A_464] : memref<2x10000x64xf32, #tpu.memory_space<hbm>> -> memref<1x80x64xf32, #tpu.memory_space<hbm>>
        %dma_start3A_466 = tpu.memref_squeeze %dma_start3A_465 : memref<1x80x64xf32, #tpu.memory_space<hbm>> -> memref<80x64xf32, #tpu.memory_space<hbm>>
        tpu.enqueue_dma source(%dma_start3A_466 : memref<80x64xf32, #tpu.memory_space<hbm>>) target(%dma_start3A_463 : memref<80x64xf32, #tpu.memory_space<vmem_shared>>) target_semaphore(%run_scoped3A_461 : memref<!tpu.dma_semaphore, #tpu.memory_space<semaphore_mem>>)
        %dma_wait3A_467 = arith.constant 0 : i32
        %dma_wait3A_468 = tpu.memref_slice %arg7[%mul3A_458, %dma_wait3A_467] : memref<10000x64xf32, #tpu.memory_space<vmem_shared>> -> memref<80x64xf32, #tpu.memory_space<vmem_shared>>
        %dma_wait3A_469 = arith.constant 0 : i32
        %dma_wait3A_470 = tpu.memref_slice %arg2[%run_scoped3A, %mul3A_456, %dma_wait3A_469] : memref<2x10000x64xf32, #tpu.memory_space<hbm>> -> memref<1x80x64xf32, #tpu.memory_space<hbm>>
        %dma_wait3A_471 = tpu.memref_squeeze %dma_wait3A_470 : memref<1x80x64xf32, #tpu.memory_space<hbm>> -> memref<80x64xf32, #tpu.memory_space<hbm>>
        tpu.wait_dma2 semaphore(%run_scoped3A_461 : memref<!tpu.dma_semaphore, #tpu.memory_space<semaphore_mem>>) src(%dma_wait3A_471 : memref<80x64xf32, #tpu.memory_space<hbm>>) dst(%dma_wait3A_468 : memref<80x64xf32, #tpu.memory_space<vmem_shared>>)
        tpu.yield
      }) : () -> ()
      %mul3A_459 = arith.constant 80 : i32
      %mul3A_460 = arith.muli %add3A_25, %mul3A_459 : i32
      "tpu.region"() ({
        %run_scoped3A_461 = tpu.sem_alloc : memref<!tpu.dma_semaphore, #tpu.memory_space<semaphore_mem>>
        %dma_start3A_462 = arith.constant 0 : i32
        %dma_start3A_463 = arith.constant 0 : i32
        %dma_start3A_464 = tpu.memref_slice %arg9[%dma_start3A_462, %dma_start3A_463] : memref<128x64xf32, #tpu.memory_space<vmem>> -> memref<80x64xf32, #tpu.memory_space<vmem>>
        %dma_start3A_465 = arith.constant 0 : i32
        %dma_start3A_466 = tpu.memref_slice %arg8[%mul3A_460, %dma_start3A_465] : memref<10000x64xf32, #tpu.memory_space<vmem_shared>> -> memref<80x64xf32, #tpu.memory_space<vmem_shared>>
        %dma_start3A_467 = arith.constant 0 : i32
        %dma_start3A_468 = tpu.memref_slice %arg8[%mul3A_460, %dma_start3A_467] : memref<10000x64xf32, #tpu.memory_space<vmem_shared>> -> memref<80x64xf32, #tpu.memory_space<vmem_shared>>
        %dma_start3A_469 = arith.constant 0 : i32
        %dma_start3A_470 = arith.constant 0 : i32
        %dma_start3A_471 = tpu.memref_slice %arg9[%dma_start3A_469, %dma_start3A_470] : memref<128x64xf32, #tpu.memory_space<vmem>> -> memref<80x64xf32, #tpu.memory_space<vmem>>
        tpu.enqueue_dma source(%dma_start3A_471 : memref<80x64xf32, #tpu.memory_space<vmem>>) target(%dma_start3A_468 : memref<80x64xf32, #tpu.memory_space<vmem_shared>>) target_semaphore(%run_scoped3A_461 : memref<!tpu.dma_semaphore, #tpu.memory_space<semaphore_mem>>)
        %dma_wait3A_472 = arith.constant 0 : i32
        %dma_wait3A_473 = arith.constant 0 : i32
        %dma_wait3A_474 = tpu.memref_slice %arg9[%dma_wait3A_472, %dma_wait3A_473] : memref<128x64xf32, #tpu.memory_space<vmem>> -> memref<80x64xf32, #tpu.memory_space<vmem>>
        %dma_wait3A_475 = arith.constant 0 : i32
        %dma_wait3A_476 = tpu.memref_slice %arg8[%mul3A_460, %dma_wait3A_475] : memref<10000x64xf32, #tpu.memory_space<vmem_shared>> -> memref<80x64xf32, #tpu.memory_space<vmem_shared>>
        %dma_wait3A_477 = arith.constant 0 : i32
        %dma_wait3A_478 = tpu.memref_slice %arg8[%mul3A_460, %dma_wait3A_477] : memref<10000x64xf32, #tpu.memory_space<vmem_shared>> -> memref<80x64xf32, #tpu.memory_space<vmem_shared>>
        %dma_wait3A_479 = arith.constant 0 : i32
        %dma_wait3A_480 = arith.constant 0 : i32
        %dma_wait3A_481 = tpu.memref_slice %arg9[%dma_wait3A_479, %dma_wait3A_480] : memref<128x64xf32, #tpu.memory_space<vmem>> -> memref<80x64xf32, #tpu.memory_space<vmem>>
        tpu.wait_dma2 semaphore(%run_scoped3A_461 : memref<!tpu.dma_semaphore, #tpu.memory_space<semaphore_mem>>) src(%dma_wait3A_481 : memref<80x64xf32, #tpu.memory_space<vmem>>) dst(%dma_wait3A_478 : memref<80x64xf32, #tpu.memory_space<vmem_shared>>)
        tpu.yield
      }) : () -> ()
    } else {
    }
    %add3A_31 = arith.constant 64 : i32
    %add3A_32 = arith.addi %arg1, %add3A_31 : i32
    %lt3A_33 = arith.constant 125 : i32
    %lt3A_34 = arith.cmpi slt, %add3A_32, %lt3A_33 : i32
    %convert_element_type3A_35 = arith.extui %lt3A_34 : i1 to i32
    %cond3A_36 = arith.constant 0 : i32
    %cond3A_37 = arith.cmpi ne, %convert_element_type3A_35, %cond3A_36 : i32
    scf.if %cond3A_37 {
      %mul3A_455 = arith.constant 80 : i32
      %mul3A_456 = arith.muli %add3A_32, %mul3A_455 : i32
      %mul3A_457 = arith.constant 80 : i32
      %mul3A_458 = arith.muli %add3A_32, %mul3A_457 : i32
      %run_scoped3A = arith.constant 0 : i32
      "tpu.region"() ({
        %run_scoped3A_461 = tpu.sem_alloc : memref<!tpu.dma_semaphore, #tpu.memory_space<semaphore_mem>>
        %dma_start3A_462 = arith.constant 0 : i32
        %dma_start3A_463 = tpu.memref_slice %arg7[%mul3A_458, %dma_start3A_462] : memref<10000x64xf32, #tpu.memory_space<vmem_shared>> -> memref<80x64xf32, #tpu.memory_space<vmem_shared>>
        %dma_start3A_464 = arith.constant 0 : i32
        %dma_start3A_465 = tpu.memref_slice %arg2[%run_scoped3A, %mul3A_456, %dma_start3A_464] : memref<2x10000x64xf32, #tpu.memory_space<hbm>> -> memref<1x80x64xf32, #tpu.memory_space<hbm>>
        %dma_start3A_466 = tpu.memref_squeeze %dma_start3A_465 : memref<1x80x64xf32, #tpu.memory_space<hbm>> -> memref<80x64xf32, #tpu.memory_space<hbm>>
        tpu.enqueue_dma source(%dma_start3A_466 : memref<80x64xf32, #tpu.memory_space<hbm>>) target(%dma_start3A_463 : memref<80x64xf32, #tpu.memory_space<vmem_shared>>) target_semaphore(%run_scoped3A_461 : memref<!tpu.dma_semaphore, #tpu.memory_space<semaphore_mem>>)
        %dma_wait3A_467 = arith.constant 0 : i32
        %dma_wait3A_468 = tpu.memref_slice %arg7[%mul3A_458, %dma_wait3A_467] : memref<10000x64xf32, #tpu.memory_space<vmem_shared>> -> memref<80x64xf32, #tpu.memory_space<vmem_shared>>
        %dma_wait3A_469 = arith.constant 0 : i32
        %dma_wait3A_470 = tpu.memref_slice %arg2[%run_scoped3A, %mul3A_456, %dma_wait3A_469] : memref<2x10000x64xf32, #tpu.memory_space<hbm>> -> memref<1x80x64xf32, #tpu.memory_space<hbm>>
        %dma_wait3A_471 = tpu.memref_squeeze %dma_wait3A_470 : memref<1x80x64xf32, #tpu.memory_space<hbm>> -> memref<80x64xf32, #tpu.memory_space<hbm>>
        tpu.wait_dma2 semaphore(%run_scoped3A_461 : memref<!tpu.dma_semaphore, #tpu.memory_space<semaphore_mem>>) src(%dma_wait3A_471 : memref<80x64xf32, #tpu.memory_space<hbm>>) dst(%dma_wait3A_468 : memref<80x64xf32, #tpu.memory_space<vmem_shared>>)
        tpu.yield
      }) : () -> ()
      %mul3A_459 = arith.constant 80 : i32
      %mul3A_460 = arith.muli %add3A_32, %mul3A_459 : i32
      "tpu.region"() ({
        %run_scoped3A_461 = tpu.sem_alloc : memref<!tpu.dma_semaphore, #tpu.memory_space<semaphore_mem>>
        %dma_start3A_462 = arith.constant 0 : i32
        %dma_start3A_463 = arith.constant 0 : i32
        %dma_start3A_464 = tpu.memref_slice %arg9[%dma_start3A_462, %dma_start3A_463] : memref<128x64xf32, #tpu.memory_space<vmem>> -> memref<80x64xf32, #tpu.memory_space<vmem>>
        %dma_start3A_465 = arith.constant 0 : i32
        %dma_start3A_466 = tpu.memref_slice %arg8[%mul3A_460, %dma_start3A_465] : memref<10000x64xf32, #tpu.memory_space<vmem_shared>> -> memref<80x64xf32, #tpu.memory_space<vmem_shared>>
        %dma_start3A_467 = arith.constant 0 : i32
        %dma_start3A_468 = tpu.memref_slice %arg8[%mul3A_460, %dma_start3A_467] : memref<10000x64xf32, #tpu.memory_space<vmem_shared>> -> memref<80x64xf32, #tpu.memory_space<vmem_shared>>
        %dma_start3A_469 = arith.constant 0 : i32
        %dma_start3A_470 = arith.constant 0 : i32
        %dma_start3A_471 = tpu.memref_slice %arg9[%dma_start3A_469, %dma_start3A_470] : memref<128x64xf32, #tpu.memory_space<vmem>> -> memref<80x64xf32, #tpu.memory_space<vmem>>
        tpu.enqueue_dma source(%dma_start3A_471 : memref<80x64xf32, #tpu.memory_space<vmem>>) target(%dma_start3A_468 : memref<80x64xf32, #tpu.memory_space<vmem_shared>>) target_semaphore(%run_scoped3A_461 : memref<!tpu.dma_semaphore, #tpu.memory_space<semaphore_mem>>)
        %dma_wait3A_472 = arith.constant 0 : i32
        %dma_wait3A_473 = arith.constant 0 : i32
        %dma_wait3A_474 = tpu.memref_slice %arg9[%dma_wait3A_472, %dma_wait3A_473] : memref<128x64xf32, #tpu.memory_space<vmem>> -> memref<80x64xf32, #tpu.memory_space<vmem>>
        %dma_wait3A_475 = arith.constant 0 : i32
        %dma_wait3A_476 = tpu.memref_slice %arg8[%mul3A_460, %dma_wait3A_475] : memref<10000x64xf32, #tpu.memory_space<vmem_shared>> -> memref<80x64xf32, #tpu.memory_space<vmem_shared>>
        %dma_wait3A_477 = arith.constant 0 : i32
        %dma_wait3A_478 = tpu.memref_slice %arg8[%mul3A_460, %dma_wait3A_477] : memref<10000x64xf32, #tpu.memory_space<vmem_shared>> -> memref<80x64xf32, #tpu.memory_space<vmem_shared>>
        %dma_wait3A_479 = arith.constant 0 : i32
        %dma_wait3A_480 = arith.constant 0 : i32
        %dma_wait3A_481 = tpu.memref_slice %arg9[%dma_wait3A_479, %dma_wait3A_480] : memref<128x64xf32, #tpu.memory_space<vmem>> -> memref<80x64xf32, #tpu.memory_space<vmem>>
        tpu.wait_dma2 semaphore(%run_scoped3A_461 : memref<!tpu.dma_semaphore, #tpu.memory_space<semaphore_mem>>) src(%dma_wait3A_481 : memref<80x64xf32, #tpu.memory_space<vmem>>) dst(%dma_wait3A_478 : memref<80x64xf32, #tpu.memory_space<vmem_shared>>)
        tpu.yield
      }) : () -> ()
    } else {
    }
    %add3A_38 = arith.constant 80 : i32
    %add3A_39 = arith.addi %arg1, %add3A_38 : i32
    %lt3A_40 = arith.constant 125 : i32
    %lt3A_41 = arith.cmpi slt, %add3A_39, %lt3A_40 : i32
    %convert_element_type3A_42 = arith.extui %lt3A_41 : i1 to i32
    %cond3A_43 = arith.constant 0 : i32
    %cond3A_44 = arith.cmpi ne, %convert_element_type3A_42, %cond3A_43 : i32
    scf.if %cond3A_44 {
      %mul3A_455 = arith.constant 80 : i32
      %mul3A_456 = arith.muli %add3A_39, %mul3A_455 : i32
      %mul3A_457 = arith.constant 80 : i32
      %mul3A_458 = arith.muli %add3A_39, %mul3A_457 : i32
      %run_scoped3A = arith.constant 0 : i32
      "tpu.region"() ({
        %run_scoped3A_461 = tpu.sem_alloc : memref<!tpu.dma_semaphore, #tpu.memory_space<semaphore_mem>>
        %dma_start3A_462 = arith.constant 0 : i32
        %dma_start3A_463 = tpu.memref_slice %arg7[%mul3A_458, %dma_start3A_462] : memref<10000x64xf32, #tpu.memory_space<vmem_shared>> -> memref<80x64xf32, #tpu.memory_space<vmem_shared>>
        %dma_start3A_464 = arith.constant 0 : i32
        %dma_start3A_465 = tpu.memref_slice %arg2[%run_scoped3A, %mul3A_456, %dma_start3A_464] : memref<2x10000x64xf32, #tpu.memory_space<hbm>> -> memref<1x80x64xf32, #tpu.memory_space<hbm>>
        %dma_start3A_466 = tpu.memref_squeeze %dma_start3A_465 : memref<1x80x64xf32, #tpu.memory_space<hbm>> -> memref<80x64xf32, #tpu.memory_space<hbm>>
        tpu.enqueue_dma source(%dma_start3A_466 : memref<80x64xf32, #tpu.memory_space<hbm>>) target(%dma_start3A_463 : memref<80x64xf32, #tpu.memory_space<vmem_shared>>) target_semaphore(%run_scoped3A_461 : memref<!tpu.dma_semaphore, #tpu.memory_space<semaphore_mem>>)
        %dma_wait3A_467 = arith.constant 0 : i32
        %dma_wait3A_468 = tpu.memref_slice %arg7[%mul3A_458, %dma_wait3A_467] : memref<10000x64xf32, #tpu.memory_space<vmem_shared>> -> memref<80x64xf32, #tpu.memory_space<vmem_shared>>
        %dma_wait3A_469 = arith.constant 0 : i32
        %dma_wait3A_470 = tpu.memref_slice %arg2[%run_scoped3A, %mul3A_456, %dma_wait3A_469] : memref<2x10000x64xf32, #tpu.memory_space<hbm>> -> memref<1x80x64xf32, #tpu.memory_space<hbm>>
        %dma_wait3A_471 = tpu.memref_squeeze %dma_wait3A_470 : memref<1x80x64xf32, #tpu.memory_space<hbm>> -> memref<80x64xf32, #tpu.memory_space<hbm>>
        tpu.wait_dma2 semaphore(%run_scoped3A_461 : memref<!tpu.dma_semaphore, #tpu.memory_space<semaphore_mem>>) src(%dma_wait3A_471 : memref<80x64xf32, #tpu.memory_space<hbm>>) dst(%dma_wait3A_468 : memref<80x64xf32, #tpu.memory_space<vmem_shared>>)
        tpu.yield
      }) : () -> ()
      %mul3A_459 = arith.constant 80 : i32
      %mul3A_460 = arith.muli %add3A_39, %mul3A_459 : i32
      "tpu.region"() ({
        %run_scoped3A_461 = tpu.sem_alloc : memref<!tpu.dma_semaphore, #tpu.memory_space<semaphore_mem>>
        %dma_start3A_462 = arith.constant 0 : i32
        %dma_start3A_463 = arith.constant 0 : i32
        %dma_start3A_464 = tpu.memref_slice %arg9[%dma_start3A_462, %dma_start3A_463] : memref<128x64xf32, #tpu.memory_space<vmem>> -> memref<80x64xf32, #tpu.memory_space<vmem>>
        %dma_start3A_465 = arith.constant 0 : i32
        %dma_start3A_466 = tpu.memref_slice %arg8[%mul3A_460, %dma_start3A_465] : memref<10000x64xf32, #tpu.memory_space<vmem_shared>> -> memref<80x64xf32, #tpu.memory_space<vmem_shared>>
        %dma_start3A_467 = arith.constant 0 : i32
        %dma_start3A_468 = tpu.memref_slice %arg8[%mul3A_460, %dma_start3A_467] : memref<10000x64xf32, #tpu.memory_space<vmem_shared>> -> memref<80x64xf32, #tpu.memory_space<vmem_shared>>
        %dma_start3A_469 = arith.constant 0 : i32
        %dma_start3A_470 = arith.constant 0 : i32
        %dma_start3A_471 = tpu.memref_slice %arg9[%dma_start3A_469, %dma_start3A_470] : memref<128x64xf32, #tpu.memory_space<vmem>> -> memref<80x64xf32, #tpu.memory_space<vmem>>
        tpu.enqueue_dma source(%dma_start3A_471 : memref<80x64xf32, #tpu.memory_space<vmem>>) target(%dma_start3A_468 : memref<80x64xf32, #tpu.memory_space<vmem_shared>>) target_semaphore(%run_scoped3A_461 : memref<!tpu.dma_semaphore, #tpu.memory_space<semaphore_mem>>)
        %dma_wait3A_472 = arith.constant 0 : i32
        %dma_wait3A_473 = arith.constant 0 : i32
        %dma_wait3A_474 = tpu.memref_slice %arg9[%dma_wait3A_472, %dma_wait3A_473] : memref<128x64xf32, #tpu.memory_space<vmem>> -> memref<80x64xf32, #tpu.memory_space<vmem>>
        %dma_wait3A_475 = arith.constant 0 : i32
        %dma_wait3A_476 = tpu.memref_slice %arg8[%mul3A_460, %dma_wait3A_475] : memref<10000x64xf32, #tpu.memory_space<vmem_shared>> -> memref<80x64xf32, #tpu.memory_space<vmem_shared>>
        %dma_wait3A_477 = arith.constant 0 : i32
        %dma_wait3A_478 = tpu.memref_slice %arg8[%mul3A_460, %dma_wait3A_477] : memref<10000x64xf32, #tpu.memory_space<vmem_shared>> -> memref<80x64xf32, #tpu.memory_space<vmem_shared>>
        %dma_wait3A_479 = arith.constant 0 : i32
        %dma_wait3A_480 = arith.constant 0 : i32
        %dma_wait3A_481 = tpu.memref_slice %arg9[%dma_wait3A_479, %dma_wait3A_480] : memref<128x64xf32, #tpu.memory_space<vmem>> -> memref<80x64xf32, #tpu.memory_space<vmem>>
        tpu.wait_dma2 semaphore(%run_scoped3A_461 : memref<!tpu.dma_semaphore, #tpu.memory_space<semaphore_mem>>) src(%dma_wait3A_481 : memref<80x64xf32, #tpu.memory_space<vmem>>) dst(%dma_wait3A_478 : memref<80x64xf32, #tpu.memory_space<vmem_shared>>)
        tpu.yield
      }) : () -> ()
    } else {
    }
    %add3A_45 = arith.constant 96 : i32
    %add3A_46 = arith.addi %arg1, %add3A_45 : i32
    %lt3A_47 = arith.constant 125 : i32
    %lt3A_48 = arith.cmpi slt, %add3A_46, %lt3A_47 : i32
    %convert_element_type3A_49 = arith.extui %lt3A_48 : i1 to i32
    %cond3A_50 = arith.constant 0 : i32
    %cond3A_51 = arith.cmpi ne, %convert_element_type3A_49, %cond3A_50 : i32
    scf.if %cond3A_51 {
      %mul3A_455 = arith.constant 80 : i32
      %mul3A_456 = arith.muli %add3A_46, %mul3A_455 : i32
      %mul3A_457 = arith.constant 80 : i32
      %mul3A_458 = arith.muli %add3A_46, %mul3A_457 : i32
      %run_scoped3A = arith.constant 0 : i32
      "tpu.region"() ({
        %run_scoped3A_461 = tpu.sem_alloc : memref<!tpu.dma_semaphore, #tpu.memory_space<semaphore_mem>>
        %dma_start3A_462 = arith.constant 0 : i32
        %dma_start3A_463 = tpu.memref_slice %arg7[%mul3A_458, %dma_start3A_462] : memref<10000x64xf32, #tpu.memory_space<vmem_shared>> -> memref<80x64xf32, #tpu.memory_space<vmem_shared>>
        %dma_start3A_464 = arith.constant 0 : i32
        %dma_start3A_465 = tpu.memref_slice %arg2[%run_scoped3A, %mul3A_456, %dma_start3A_464] : memref<2x10000x64xf32, #tpu.memory_space<hbm>> -> memref<1x80x64xf32, #tpu.memory_space<hbm>>
        %dma_start3A_466 = tpu.memref_squeeze %dma_start3A_465 : memref<1x80x64xf32, #tpu.memory_space<hbm>> -> memref<80x64xf32, #tpu.memory_space<hbm>>
        tpu.enqueue_dma source(%dma_start3A_466 : memref<80x64xf32, #tpu.memory_space<hbm>>) target(%dma_start3A_463 : memref<80x64xf32, #tpu.memory_space<vmem_shared>>) target_semaphore(%run_scoped3A_461 : memref<!tpu.dma_semaphore, #tpu.memory_space<semaphore_mem>>)
        %dma_wait3A_467 = arith.constant 0 : i32
        %dma_wait3A_468 = tpu.memref_slice %arg7[%mul3A_458, %dma_wait3A_467] : memref<10000x64xf32, #tpu.memory_space<vmem_shared>> -> memref<80x64xf32, #tpu.memory_space<vmem_shared>>
        %dma_wait3A_469 = arith.constant 0 : i32
        %dma_wait3A_470 = tpu.memref_slice %arg2[%run_scoped3A, %mul3A_456, %dma_wait3A_469] : memref<2x10000x64xf32, #tpu.memory_space<hbm>> -> memref<1x80x64xf32, #tpu.memory_space<hbm>>
        %dma_wait3A_471 = tpu.memref_squeeze %dma_wait3A_470 : memref<1x80x64xf32, #tpu.memory_space<hbm>> -> memref<80x64xf32, #tpu.memory_space<hbm>>
        tpu.wait_dma2 semaphore(%run_scoped3A_461 : memref<!tpu.dma_semaphore, #tpu.memory_space<semaphore_mem>>) src(%dma_wait3A_471 : memref<80x64xf32, #tpu.memory_space<hbm>>) dst(%dma_wait3A_468 : memref<80x64xf32, #tpu.memory_space<vmem_shared>>)
        tpu.yield
      }) : () -> ()
      %mul3A_459 = arith.constant 80 : i32
      %mul3A_460 = arith.muli %add3A_46, %mul3A_459 : i32
      "tpu.region"() ({
        %run_scoped3A_461 = tpu.sem_alloc : memref<!tpu.dma_semaphore, #tpu.memory_space<semaphore_mem>>
        %dma_start3A_462 = arith.constant 0 : i32
        %dma_start3A_463 = arith.constant 0 : i32
        %dma_start3A_464 = tpu.memref_slice %arg9[%dma_start3A_462, %dma_start3A_463] : memref<128x64xf32, #tpu.memory_space<vmem>> -> memref<80x64xf32, #tpu.memory_space<vmem>>
        %dma_start3A_465 = arith.constant 0 : i32
        %dma_start3A_466 = tpu.memref_slice %arg8[%mul3A_460, %dma_start3A_465] : memref<10000x64xf32, #tpu.memory_space<vmem_shared>> -> memref<80x64xf32, #tpu.memory_space<vmem_shared>>
        %dma_start3A_467 = arith.constant 0 : i32
        %dma_start3A_468 = tpu.memref_slice %arg8[%mul3A_460, %dma_start3A_467] : memref<10000x64xf32, #tpu.memory_space<vmem_shared>> -> memref<80x64xf32, #tpu.memory_space<vmem_shared>>
        %dma_start3A_469 = arith.constant 0 : i32
        %dma_start3A_470 = arith.constant 0 : i32
        %dma_start3A_471 = tpu.memref_slice %arg9[%dma_start3A_469, %dma_start3A_470] : memref<128x64xf32, #tpu.memory_space<vmem>> -> memref<80x64xf32, #tpu.memory_space<vmem>>
        tpu.enqueue_dma source(%dma_start3A_471 : memref<80x64xf32, #tpu.memory_space<vmem>>) target(%dma_start3A_468 : memref<80x64xf32, #tpu.memory_space<vmem_shared>>) target_semaphore(%run_scoped3A_461 : memref<!tpu.dma_semaphore, #tpu.memory_space<semaphore_mem>>)
        %dma_wait3A_472 = arith.constant 0 : i32
        %dma_wait3A_473 = arith.constant 0 : i32
        %dma_wait3A_474 = tpu.memref_slice %arg9[%dma_wait3A_472, %dma_wait3A_473] : memref<128x64xf32, #tpu.memory_space<vmem>> -> memref<80x64xf32, #tpu.memory_space<vmem>>
        %dma_wait3A_475 = arith.constant 0 : i32
        %dma_wait3A_476 = tpu.memref_slice %arg8[%mul3A_460, %dma_wait3A_475] : memref<10000x64xf32, #tpu.memory_space<vmem_shared>> -> memref<80x64xf32, #tpu.memory_space<vmem_shared>>
        %dma_wait3A_477 = arith.constant 0 : i32
        %dma_wait3A_478 = tpu.memref_slice %arg8[%mul3A_460, %dma_wait3A_477] : memref<10000x64xf32, #tpu.memory_space<vmem_shared>> -> memref<80x64xf32, #tpu.memory_space<vmem_shared>>
        %dma_wait3A_479 = arith.constant 0 : i32
        %dma_wait3A_480 = arith.constant 0 : i32
        %dma_wait3A_481 = tpu.memref_slice %arg9[%dma_wait3A_479, %dma_wait3A_480] : memref<128x64xf32, #tpu.memory_space<vmem>> -> memref<80x64xf32, #tpu.memory_space<vmem>>
        tpu.wait_dma2 semaphore(%run_scoped3A_461 : memref<!tpu.dma_semaphore, #tpu.memory_space<semaphore_mem>>) src(%dma_wait3A_481 : memref<80x64xf32, #tpu.memory_space<vmem>>) dst(%dma_wait3A_478 : memref<80x64xf32, #tpu.memory_space<vmem_shared>>)
        tpu.yield
      }) : () -> ()
    } else {
    }
    %add3A_52 = arith.constant 112 : i32
    %add3A_53 = arith.addi %arg1, %add3A_52 : i32
    %lt3A_54 = arith.constant 125 : i32
    %lt3A_55 = arith.cmpi slt, %add3A_53, %lt3A_54 : i32
    %convert_element_type3A_56 = arith.extui %lt3A_55 : i1 to i32
    %cond3A_57 = arith.constant 0 : i32
    %cond3A_58 = arith.cmpi ne, %convert_element_type3A_56, %cond3A_57 : i32
    scf.if %cond3A_58 {
      %mul3A_455 = arith.constant 80 : i32
      %mul3A_456 = arith.muli %add3A_53, %mul3A_455 : i32
      %mul3A_457 = arith.constant 80 : i32
      %mul3A_458 = arith.muli %add3A_53, %mul3A_457 : i32
      %run_scoped3A = arith.constant 0 : i32
      "tpu.region"() ({
        %run_scoped3A_461 = tpu.sem_alloc : memref<!tpu.dma_semaphore, #tpu.memory_space<semaphore_mem>>
        %dma_start3A_462 = arith.constant 0 : i32
        %dma_start3A_463 = tpu.memref_slice %arg7[%mul3A_458, %dma_start3A_462] : memref<10000x64xf32, #tpu.memory_space<vmem_shared>> -> memref<80x64xf32, #tpu.memory_space<vmem_shared>>
        %dma_start3A_464 = arith.constant 0 : i32
        %dma_start3A_465 = tpu.memref_slice %arg2[%run_scoped3A, %mul3A_456, %dma_start3A_464] : memref<2x10000x64xf32, #tpu.memory_space<hbm>> -> memref<1x80x64xf32, #tpu.memory_space<hbm>>
        %dma_start3A_466 = tpu.memref_squeeze %dma_start3A_465 : memref<1x80x64xf32, #tpu.memory_space<hbm>> -> memref<80x64xf32, #tpu.memory_space<hbm>>
        tpu.enqueue_dma source(%dma_start3A_466 : memref<80x64xf32, #tpu.memory_space<hbm>>) target(%dma_start3A_463 : memref<80x64xf32, #tpu.memory_space<vmem_shared>>) target_semaphore(%run_scoped3A_461 : memref<!tpu.dma_semaphore, #tpu.memory_space<semaphore_mem>>)
        %dma_wait3A_467 = arith.constant 0 : i32
        %dma_wait3A_468 = tpu.memref_slice %arg7[%mul3A_458, %dma_wait3A_467] : memref<10000x64xf32, #tpu.memory_space<vmem_shared>> -> memref<80x64xf32, #tpu.memory_space<vmem_shared>>
        %dma_wait3A_469 = arith.constant 0 : i32
        %dma_wait3A_470 = tpu.memref_slice %arg2[%run_scoped3A, %mul3A_456, %dma_wait3A_469] : memref<2x10000x64xf32, #tpu.memory_space<hbm>> -> memref<1x80x64xf32, #tpu.memory_space<hbm>>
        %dma_wait3A_471 = tpu.memref_squeeze %dma_wait3A_470 : memref<1x80x64xf32, #tpu.memory_space<hbm>> -> memref<80x64xf32, #tpu.memory_space<hbm>>
        tpu.wait_dma2 semaphore(%run_scoped3A_461 : memref<!tpu.dma_semaphore, #tpu.memory_space<semaphore_mem>>) src(%dma_wait3A_471 : memref<80x64xf32, #tpu.memory_space<hbm>>) dst(%dma_wait3A_468 : memref<80x64xf32, #tpu.memory_space<vmem_shared>>)
        tpu.yield
      }) : () -> ()
      %mul3A_459 = arith.constant 80 : i32
      %mul3A_460 = arith.muli %add3A_53, %mul3A_459 : i32
      "tpu.region"() ({
        %run_scoped3A_461 = tpu.sem_alloc : memref<!tpu.dma_semaphore, #tpu.memory_space<semaphore_mem>>
        %dma_start3A_462 = arith.constant 0 : i32
        %dma_start3A_463 = arith.constant 0 : i32
        %dma_start3A_464 = tpu.memref_slice %arg9[%dma_start3A_462, %dma_start3A_463] : memref<128x64xf32, #tpu.memory_space<vmem>> -> memref<80x64xf32, #tpu.memory_space<vmem>>
        %dma_start3A_465 = arith.constant 0 : i32
        %dma_start3A_466 = tpu.memref_slice %arg8[%mul3A_460, %dma_start3A_465] : memref<10000x64xf32, #tpu.memory_space<vmem_shared>> -> memref<80x64xf32, #tpu.memory_space<vmem_shared>>
        %dma_start3A_467 = arith.constant 0 : i32
        %dma_start3A_468 = tpu.memref_slice %arg8[%mul3A_460, %dma_start3A_467] : memref<10000x64xf32, #tpu.memory_space<vmem_shared>> -> memref<80x64xf32, #tpu.memory_space<vmem_shared>>
        %dma_start3A_469 = arith.constant 0 : i32
        %dma_start3A_470 = arith.constant 0 : i32
        %dma_start3A_471 = tpu.memref_slice %arg9[%dma_start3A_469, %dma_start3A_470] : memref<128x64xf32, #tpu.memory_space<vmem>> -> memref<80x64xf32, #tpu.memory_space<vmem>>
        tpu.enqueue_dma source(%dma_start3A_471 : memref<80x64xf32, #tpu.memory_space<vmem>>) target(%dma_start3A_468 : memref<80x64xf32, #tpu.memory_space<vmem_shared>>) target_semaphore(%run_scoped3A_461 : memref<!tpu.dma_semaphore, #tpu.memory_space<semaphore_mem>>)
        %dma_wait3A_472 = arith.constant 0 : i32
        %dma_wait3A_473 = arith.constant 0 : i32
        %dma_wait3A_474 = tpu.memref_slice %arg9[%dma_wait3A_472, %dma_wait3A_473] : memref<128x64xf32, #tpu.memory_space<vmem>> -> memref<80x64xf32, #tpu.memory_space<vmem>>
        %dma_wait3A_475 = arith.constant 0 : i32
        %dma_wait3A_476 = tpu.memref_slice %arg8[%mul3A_460, %dma_wait3A_475] : memref<10000x64xf32, #tpu.memory_space<vmem_shared>> -> memref<80x64xf32, #tpu.memory_space<vmem_shared>>
        %dma_wait3A_477 = arith.constant 0 : i32
        %dma_wait3A_478 = tpu.memref_slice %arg8[%mul3A_460, %dma_wait3A_477] : memref<10000x64xf32, #tpu.memory_space<vmem_shared>> -> memref<80x64xf32, #tpu.memory_space<vmem_shared>>
        %dma_wait3A_479 = arith.constant 0 : i32
        %dma_wait3A_480 = arith.constant 0 : i32
        %dma_wait3A_481 = tpu.memref_slice %arg9[%dma_wait3A_479, %dma_wait3A_480] : memref<128x64xf32, #tpu.memory_space<vmem>> -> memref<80x64xf32, #tpu.memory_space<vmem>>
        tpu.wait_dma2 semaphore(%run_scoped3A_461 : memref<!tpu.dma_semaphore, #tpu.memory_space<semaphore_mem>>) src(%dma_wait3A_481 : memref<80x64xf32, #tpu.memory_space<vmem>>) dst(%dma_wait3A_478 : memref<80x64xf32, #tpu.memory_space<vmem_shared>>)
        tpu.yield
      }) : () -> ()
    } else {
    }
    %barrier3A = arith.constant 0 : index
    tpu.barrier barrier_id(%barrier3A)
    %dma_start3A = arith.constant 0 : i32
    %dma_start3A_59 = arith.constant 0 : i32
    %dma_start3A_60 = arith.constant 0 : i32
    %dma_start3A_61 = tpu.memref_slice %arg3[%add3A, %dma_start3A, %dma_start3A_59, %dma_start3A_60] : memref<32x80x1x128xi32, #tpu.memory_space<hbm>> -> memref<1x1x1x128xi32, #tpu.memory_space<hbm>>
    %dma_start3A_62 = tpu.memref_squeeze %dma_start3A_61 : memref<1x1x1x128xi32, #tpu.memory_space<hbm>> -> memref<128xi32, #tpu.memory_space<hbm>>
    %dma_start3A_63 = arith.constant 0 : i32
    %dma_start3A_64 = tpu.memref_slice %arg3[%add3A, %dma_start3A, %dma_start3A_59, %dma_start3A_63] : memref<32x80x1x128xi32, #tpu.memory_space<hbm>> -> memref<1x1x1x128xi32, #tpu.memory_space<hbm>>
    %dma_start3A_65 = tpu.memref_squeeze %dma_start3A_64 : memref<1x1x1x128xi32, #tpu.memory_space<hbm>> -> memref<128xi32, #tpu.memory_space<hbm>>
    tpu.enqueue_dma source(%dma_start3A_65 : memref<128xi32, #tpu.memory_space<hbm>>) target(%arg11 : memref<128xi32, #tpu.memory_space<vmem>>) target_semaphore(%arg21 : memref<!tpu.dma_semaphore, #tpu.memory_space<semaphore_mem>>)
    %dma_start3A_66 = arith.constant 0 : i32
    %dma_start3A_67 = arith.constant 0 : i32
    %dma_start3A_68 = arith.constant 0 : i32
    %dma_start3A_69 = tpu.memref_slice %arg4[%add3A, %dma_start3A_66, %dma_start3A_67, %dma_start3A_68] : memref<32x80x1x128xi32, #tpu.memory_space<hbm>> -> memref<1x1x1x128xi32, #tpu.memory_space<hbm>>
    %dma_start3A_70 = tpu.memref_squeeze %dma_start3A_69 : memref<1x1x1x128xi32, #tpu.memory_space<hbm>> -> memref<128xi32, #tpu.memory_space<hbm>>
    %dma_start3A_71 = arith.constant 0 : i32
    %dma_start3A_72 = tpu.memref_slice %arg4[%add3A, %dma_start3A_66, %dma_start3A_67, %dma_start3A_71] : memref<32x80x1x128xi32, #tpu.memory_space<hbm>> -> memref<1x1x1x128xi32, #tpu.memory_space<hbm>>
    %dma_start3A_73 = tpu.memref_squeeze %dma_start3A_72 : memref<1x1x1x128xi32, #tpu.memory_space<hbm>> -> memref<128xi32, #tpu.memory_space<hbm>>
    tpu.enqueue_dma source(%dma_start3A_73 : memref<128xi32, #tpu.memory_space<hbm>>) target(%arg13 : memref<128xi32, #tpu.memory_space<vmem>>) target_semaphore(%arg23 : memref<!tpu.dma_semaphore, #tpu.memory_space<semaphore_mem>>)
    %dma_start3A_74 = arith.constant 0 : i32
    %dma_start3A_75 = arith.constant 0 : i32
    %dma_start3A_76 = arith.constant 0 : i32
    %dma_start3A_77 = tpu.memref_slice %arg5[%add3A, %dma_start3A_74, %dma_start3A_75, %dma_start3A_76] : memref<32x80x1x128xf32, #tpu.memory_space<hbm>> -> memref<1x1x1x128xf32, #tpu.memory_space<hbm>>
    %dma_start3A_78 = tpu.memref_squeeze %dma_start3A_77 : memref<1x1x1x128xf32, #tpu.memory_space<hbm>> -> memref<128xf32, #tpu.memory_space<hbm>>
    %dma_start3A_79 = arith.constant 0 : i32
    %dma_start3A_80 = tpu.memref_slice %arg5[%add3A, %dma_start3A_74, %dma_start3A_75, %dma_start3A_79] : memref<32x80x1x128xf32, #tpu.memory_space<hbm>> -> memref<1x1x1x128xf32, #tpu.memory_space<hbm>>
    %dma_start3A_81 = tpu.memref_squeeze %dma_start3A_80 : memref<1x1x1x128xf32, #tpu.memory_space<hbm>> -> memref<128xf32, #tpu.memory_space<hbm>>
    tpu.enqueue_dma source(%dma_start3A_81 : memref<128xf32, #tpu.memory_space<hbm>>) target(%arg15 : memref<128xf32, #tpu.memory_space<vmem>>) target_semaphore(%arg23 : memref<!tpu.dma_semaphore, #tpu.memory_space<semaphore_mem>>)
    %dma_start3A_82 = arith.constant 1 : i32
    %dma_start3A_83 = arith.constant 0 : i32
    %dma_start3A_84 = arith.constant 0 : i32
    %dma_start3A_85 = tpu.memref_slice %arg3[%add3A, %dma_start3A_82, %dma_start3A_83, %dma_start3A_84] : memref<32x80x1x128xi32, #tpu.memory_space<hbm>> -> memref<1x1x1x128xi32, #tpu.memory_space<hbm>>
    %dma_start3A_86 = tpu.memref_squeeze %dma_start3A_85 : memref<1x1x1x128xi32, #tpu.memory_space<hbm>> -> memref<128xi32, #tpu.memory_space<hbm>>
    %dma_start3A_87 = arith.constant 0 : i32
    %dma_start3A_88 = tpu.memref_slice %arg3[%add3A, %dma_start3A_82, %dma_start3A_83, %dma_start3A_87] : memref<32x80x1x128xi32, #tpu.memory_space<hbm>> -> memref<1x1x1x128xi32, #tpu.memory_space<hbm>>
    %dma_start3A_89 = tpu.memref_squeeze %dma_start3A_88 : memref<1x1x1x128xi32, #tpu.memory_space<hbm>> -> memref<128xi32, #tpu.memory_space<hbm>>
    tpu.enqueue_dma source(%dma_start3A_89 : memref<128xi32, #tpu.memory_space<hbm>>) target(%arg12 : memref<128xi32, #tpu.memory_space<vmem>>) target_semaphore(%arg22 : memref<!tpu.dma_semaphore, #tpu.memory_space<semaphore_mem>>)
    %dma_start3A_90 = arith.constant 1 : i32
    %dma_start3A_91 = arith.constant 0 : i32
    %dma_start3A_92 = arith.constant 0 : i32
    %dma_start3A_93 = tpu.memref_slice %arg4[%add3A, %dma_start3A_90, %dma_start3A_91, %dma_start3A_92] : memref<32x80x1x128xi32, #tpu.memory_space<hbm>> -> memref<1x1x1x128xi32, #tpu.memory_space<hbm>>
    %dma_start3A_94 = tpu.memref_squeeze %dma_start3A_93 : memref<1x1x1x128xi32, #tpu.memory_space<hbm>> -> memref<128xi32, #tpu.memory_space<hbm>>
    %dma_start3A_95 = arith.constant 0 : i32
    %dma_start3A_96 = tpu.memref_slice %arg4[%add3A, %dma_start3A_90, %dma_start3A_91, %dma_start3A_95] : memref<32x80x1x128xi32, #tpu.memory_space<hbm>> -> memref<1x1x1x128xi32, #tpu.memory_space<hbm>>
    %dma_start3A_97 = tpu.memref_squeeze %dma_start3A_96 : memref<1x1x1x128xi32, #tpu.memory_space<hbm>> -> memref<128xi32, #tpu.memory_space<hbm>>
    tpu.enqueue_dma source(%dma_start3A_97 : memref<128xi32, #tpu.memory_space<hbm>>) target(%arg14 : memref<128xi32, #tpu.memory_space<vmem>>) target_semaphore(%arg24 : memref<!tpu.dma_semaphore, #tpu.memory_space<semaphore_mem>>)
    %dma_start3A_98 = arith.constant 1 : i32
    %dma_start3A_99 = arith.constant 0 : i32
    %dma_start3A_100 = arith.constant 0 : i32
    %dma_start3A_101 = tpu.memref_slice %arg5[%add3A, %dma_start3A_98, %dma_start3A_99, %dma_start3A_100] : memref<32x80x1x128xf32, #tpu.memory_space<hbm>> -> memref<1x1x1x128xf32, #tpu.memory_space<hbm>>
    %dma_start3A_102 = tpu.memref_squeeze %dma_start3A_101 : memref<1x1x1x128xf32, #tpu.memory_space<hbm>> -> memref<128xf32, #tpu.memory_space<hbm>>
    %dma_start3A_103 = arith.constant 0 : i32
    %dma_start3A_104 = tpu.memref_slice %arg5[%add3A, %dma_start3A_98, %dma_start3A_99, %dma_start3A_103] : memref<32x80x1x128xf32, #tpu.memory_space<hbm>> -> memref<1x1x1x128xf32, #tpu.memory_space<hbm>>
    %dma_start3A_105 = tpu.memref_squeeze %dma_start3A_104 : memref<1x1x1x128xf32, #tpu.memory_space<hbm>> -> memref<128xf32, #tpu.memory_space<hbm>>
    tpu.enqueue_dma source(%dma_start3A_105 : memref<128xf32, #tpu.memory_space<hbm>>) target(%arg16 : memref<128xf32, #tpu.memory_space<vmem>>) target_semaphore(%arg24 : memref<!tpu.dma_semaphore, #tpu.memory_space<semaphore_mem>>)
    %dma_wait3A = arith.constant 0 : i32
    %dma_wait3A_106 = arith.constant 0 : i32
    %dma_wait3A_107 = arith.constant 0 : i32
    %dma_wait3A_108 = tpu.memref_slice %arg3[%add3A, %dma_wait3A, %dma_wait3A_106, %dma_wait3A_107] : memref<32x80x1x128xi32, #tpu.memory_space<hbm>> -> memref<1x1x1x128xi32, #tpu.memory_space<hbm>>
    %dma_wait3A_109 = tpu.memref_squeeze %dma_wait3A_108 : memref<1x1x1x128xi32, #tpu.memory_space<hbm>> -> memref<128xi32, #tpu.memory_space<hbm>>
    %dma_wait3A_110 = arith.constant 0 : i32
    %dma_wait3A_111 = tpu.memref_slice %arg3[%add3A, %dma_wait3A, %dma_wait3A_106, %dma_wait3A_110] : memref<32x80x1x128xi32, #tpu.memory_space<hbm>> -> memref<1x1x1x128xi32, #tpu.memory_space<hbm>>
    %dma_wait3A_112 = tpu.memref_squeeze %dma_wait3A_111 : memref<1x1x1x128xi32, #tpu.memory_space<hbm>> -> memref<128xi32, #tpu.memory_space<hbm>>
    tpu.wait_dma2 semaphore(%arg21 : memref<!tpu.dma_semaphore, #tpu.memory_space<semaphore_mem>>) src(%dma_wait3A_112 : memref<128xi32, #tpu.memory_space<hbm>>) dst(%arg11 : memref<128xi32, #tpu.memory_space<vmem>>)
    %dma_start3A_113 = arith.constant 0 : i32
    %dma_start3A_114 = arith.constant 0 : i32
    %dma_start3A_115 = tpu.memref_slice %arg7[%dma_start3A_113, %dma_start3A_114] : memref<10000x64xf32, #tpu.memory_space<vmem_shared>> -> memref<10000x64xf32, #tpu.memory_space<vmem_shared>>
    tpu.enqueue_indirect_dma source(%dma_start3A_115 : memref<10000x64xf32, #tpu.memory_space<vmem_shared>>) target(%arg9 : memref<128x64xf32, #tpu.memory_space<vmem>>) offsets(%arg11 : memref<128xi32, #tpu.memory_space<vmem>>) semaphore(%arg17 : memref<!tpu.dma_semaphore, #tpu.memory_space<semaphore_mem>>)
    %dma_wait3A_116 = arith.constant 0 : i32
    %dma_wait3A_117 = arith.constant 0 : i32
    %dma_wait3A_118 = arith.constant 0 : i32
    %dma_wait3A_119 = tpu.memref_slice %arg3[%add3A, %dma_wait3A_116, %dma_wait3A_117, %dma_wait3A_118] : memref<32x80x1x128xi32, #tpu.memory_space<hbm>> -> memref<1x1x1x128xi32, #tpu.memory_space<hbm>>
    %dma_wait3A_120 = tpu.memref_squeeze %dma_wait3A_119 : memref<1x1x1x128xi32, #tpu.memory_space<hbm>> -> memref<128xi32, #tpu.memory_space<hbm>>
    %dma_wait3A_121 = arith.constant 0 : i32
    %dma_wait3A_122 = tpu.memref_slice %arg3[%add3A, %dma_wait3A_116, %dma_wait3A_117, %dma_wait3A_121] : memref<32x80x1x128xi32, #tpu.memory_space<hbm>> -> memref<1x1x1x128xi32, #tpu.memory_space<hbm>>
    %dma_wait3A_123 = tpu.memref_squeeze %dma_wait3A_122 : memref<1x1x1x128xi32, #tpu.memory_space<hbm>> -> memref<128xi32, #tpu.memory_space<hbm>>
    tpu.wait_dma2 semaphore(%arg22 : memref<!tpu.dma_semaphore, #tpu.memory_space<semaphore_mem>>) src(%dma_wait3A_123 : memref<128xi32, #tpu.memory_space<hbm>>) dst(%arg12 : memref<128xi32, #tpu.memory_space<vmem>>)
    %dma_start3A_124 = arith.constant 0 : i32
    %dma_start3A_125 = arith.constant 0 : i32
    %dma_start3A_126 = tpu.memref_slice %arg7[%dma_start3A_124, %dma_start3A_125] : memref<10000x64xf32, #tpu.memory_space<vmem_shared>> -> memref<10000x64xf32, #tpu.memory_space<vmem_shared>>
    tpu.enqueue_indirect_dma source(%dma_start3A_126 : memref<10000x64xf32, #tpu.memory_space<vmem_shared>>) target(%arg10 : memref<128x64xf32, #tpu.memory_space<vmem>>) offsets(%arg12 : memref<128xi32, #tpu.memory_space<vmem>>) semaphore(%arg18 : memref<!tpu.dma_semaphore, #tpu.memory_space<semaphore_mem>>)
    %scan3A_127 = arith.constant 0 : i32
    %scan3A_128 = arith.constant 0 : i32
    %scan3A_129 = arith.constant 39 : i32
    %scan3A_130 = arith.addi %scan3A_128, %scan3A_129 : i32
    %scan3A_131 = arith.constant 1 : i32
    scf.for %scan3A_455 = %scan3A_128 to %scan3A_130 step %scan3A_131  : i32 {
      %mul3A_456 = arith.constant 2 : i32
      %mul3A_457 = arith.muli %mul3A_456, %scan3A_455 : i32
      %dma_wait3A_458 = arith.constant 0 : i32
      %dma_wait3A_459 = arith.constant 0 : i32
      %dma_wait3A_460 = tpu.memref_slice %arg7[%dma_wait3A_458, %dma_wait3A_459] : memref<10000x64xf32, #tpu.memory_space<vmem_shared>> -> memref<10000x64xf32, #tpu.memory_space<vmem_shared>>
      tpu.wait_indirect_dma semaphore(%arg17 : memref<!tpu.dma_semaphore, #tpu.memory_space<semaphore_mem>>) src(%dma_wait3A_460 : memref<10000x64xf32, #tpu.memory_space<vmem_shared>>) dst(%arg9 : memref<128x64xf32, #tpu.memory_space<vmem>>)
      %add3A_461 = arith.constant 2 : i32
      %add3A_462 = arith.addi %mul3A_457, %add3A_461 : i32
      %dma_start3A_463 = arith.constant 0 : i32
      %dma_start3A_464 = arith.constant 0 : i32
      %dma_start3A_465 = tpu.memref_slice %arg3[%add3A, %add3A_462, %dma_start3A_463, %dma_start3A_464] : memref<32x80x1x128xi32, #tpu.memory_space<hbm>> -> memref<1x1x1x128xi32, #tpu.memory_space<hbm>>
      %dma_start3A_466 = tpu.memref_squeeze %dma_start3A_465 : memref<1x1x1x128xi32, #tpu.memory_space<hbm>> -> memref<128xi32, #tpu.memory_space<hbm>>
      %dma_start3A_467 = arith.constant 0 : i32
      %dma_start3A_468 = tpu.memref_slice %arg3[%add3A, %add3A_462, %dma_start3A_463, %dma_start3A_467] : memref<32x80x1x128xi32, #tpu.memory_space<hbm>> -> memref<1x1x1x128xi32, #tpu.memory_space<hbm>>
      %dma_start3A_469 = tpu.memref_squeeze %dma_start3A_468 : memref<1x1x1x128xi32, #tpu.memory_space<hbm>> -> memref<128xi32, #tpu.memory_space<hbm>>
      tpu.enqueue_dma source(%dma_start3A_469 : memref<128xi32, #tpu.memory_space<hbm>>) target(%arg11 : memref<128xi32, #tpu.memory_space<vmem>>) target_semaphore(%arg21 : memref<!tpu.dma_semaphore, #tpu.memory_space<semaphore_mem>>)
      %dma_wait3A_470 = arith.constant 0 : i32
      %dma_wait3A_471 = arith.constant 0 : i32
      %dma_wait3A_472 = arith.constant 0 : i32
      %dma_wait3A_473 = tpu.memref_slice %arg4[%add3A, %dma_wait3A_470, %dma_wait3A_471, %dma_wait3A_472] : memref<32x80x1x128xi32, #tpu.memory_space<hbm>> -> memref<1x1x1x128xi32, #tpu.memory_space<hbm>>
      %dma_wait3A_474 = tpu.memref_squeeze %dma_wait3A_473 : memref<1x1x1x128xi32, #tpu.memory_space<hbm>> -> memref<128xi32, #tpu.memory_space<hbm>>
      %dma_wait3A_475 = arith.constant 0 : i32
      %dma_wait3A_476 = tpu.memref_slice %arg4[%add3A, %dma_wait3A_470, %dma_wait3A_471, %dma_wait3A_475] : memref<32x80x1x128xi32, #tpu.memory_space<hbm>> -> memref<1x1x1x128xi32, #tpu.memory_space<hbm>>
      %dma_wait3A_477 = tpu.memref_squeeze %dma_wait3A_476 : memref<1x1x1x128xi32, #tpu.memory_space<hbm>> -> memref<128xi32, #tpu.memory_space<hbm>>
      tpu.wait_dma2 semaphore(%arg23 : memref<!tpu.dma_semaphore, #tpu.memory_space<semaphore_mem>>) src(%dma_wait3A_477 : memref<128xi32, #tpu.memory_space<hbm>>) dst(%arg13 : memref<128xi32, #tpu.memory_space<vmem>>)
      %dma_wait3A_478 = arith.constant 0 : i32
      %dma_wait3A_479 = arith.constant 0 : i32
      %dma_wait3A_480 = arith.constant 0 : i32
      %dma_wait3A_481 = tpu.memref_slice %arg5[%add3A, %dma_wait3A_478, %dma_wait3A_479, %dma_wait3A_480] : memref<32x80x1x128xf32, #tpu.memory_space<hbm>> -> memref<1x1x1x128xf32, #tpu.memory_space<hbm>>
      %dma_wait3A_482 = tpu.memref_squeeze %dma_wait3A_481 : memref<1x1x1x128xf32, #tpu.memory_space<hbm>> -> memref<128xf32, #tpu.memory_space<hbm>>
      %dma_wait3A_483 = arith.constant 0 : i32
      %dma_wait3A_484 = tpu.memref_slice %arg5[%add3A, %dma_wait3A_478, %dma_wait3A_479, %dma_wait3A_483] : memref<32x80x1x128xf32, #tpu.memory_space<hbm>> -> memref<1x1x1x128xf32, #tpu.memory_space<hbm>>
      %dma_wait3A_485 = tpu.memref_squeeze %dma_wait3A_484 : memref<1x1x1x128xf32, #tpu.memory_space<hbm>> -> memref<128xf32, #tpu.memory_space<hbm>>
      tpu.wait_dma2 semaphore(%arg23 : memref<!tpu.dma_semaphore, #tpu.memory_space<semaphore_mem>>) src(%dma_wait3A_485 : memref<128xf32, #tpu.memory_space<hbm>>) dst(%arg15 : memref<128xf32, #tpu.memory_space<vmem>>)
      %scan3A_486 = arith.constant 0 : i32
      %scan3A_487 = arith.constant 0 : i32
      %scan3A_488 = arith.constant 128 : i32
      %scan3A_489 = arith.addi %scan3A_487, %scan3A_488 : i32
      %scan3A_490 = arith.constant 1 : i32
      scf.for %scan3A_592 = %scan3A_487 to %scan3A_489 step %scan3A_490  : i32 {
        %broadcast_in_dim3A = vector.broadcast %scan3A_592 : i32 to vector<16xi32>
        %gather3A = tpu.vector_load_idx %arg15[%broadcast_in_dim3A] : memref<128xf32, #tpu.memory_space<vmem>>[vector<16xi32>], vector<16xf32>,
        %get3A = arith.index_cast %scan3A_592 : i32 to index
        %get3A_593 = arith.constant 0 : index
        %get3A_594 = tpu.vector_load %arg9[%get3A, %get3A_593] {strides = array<i32>} : memref<128x64xf32, #tpu.memory_space<vmem>>, vector<16xf32>,
        %mul3A_595 = arith.mulf %get3A_594, %gather3A : vector<16xf32>
        %swap3A = arith.index_cast %scan3A_592 : i32 to index
        %swap3A_596 = arith.constant 0 : index
        %swap3A_597 = tpu.vector_load %arg9[%swap3A, %swap3A_596] {strides = array<i32>} : memref<128x64xf32, #tpu.memory_space<vmem>>, vector<16xf32>,
        tpu.vector_store %arg9[%swap3A, %swap3A_596], %mul3A_595 {strides = array<i32>} : memref<128x64xf32, #tpu.memory_space<vmem>>, vector<16xf32>,
        %get3A_598 = arith.index_cast %scan3A_592 : i32 to index
        %get3A_599 = arith.constant 16 : index
        %get3A_600 = tpu.vector_load %arg9[%get3A_598, %get3A_599] {strides = array<i32>} : memref<128x64xf32, #tpu.memory_space<vmem>>, vector<16xf32>,
        %mul3A_601 = arith.mulf %get3A_600, %gather3A : vector<16xf32>
        %swap3A_602 = arith.index_cast %scan3A_592 : i32 to index
        %swap3A_603 = arith.constant 16 : index
        %swap3A_604 = tpu.vector_load %arg9[%swap3A_602, %swap3A_603] {strides = array<i32>} : memref<128x64xf32, #tpu.memory_space<vmem>>, vector<16xf32>,
        tpu.vector_store %arg9[%swap3A_602, %swap3A_603], %mul3A_601 {strides = array<i32>} : memref<128x64xf32, #tpu.memory_space<vmem>>, vector<16xf32>,
        %get3A_605 = arith.index_cast %scan3A_592 : i32 to index
        %get3A_606 = arith.constant 32 : index
        %get3A_607 = tpu.vector_load %arg9[%get3A_605, %get3A_606] {strides = array<i32>} : memref<128x64xf32, #tpu.memory_space<vmem>>, vector<16xf32>,
        %mul3A_608 = arith.mulf %get3A_607, %gather3A : vector<16xf32>
        %swap3A_609 = arith.index_cast %scan3A_592 : i32 to index
        %swap3A_610 = arith.constant 32 : index
        %swap3A_611 = tpu.vector_load %arg9[%swap3A_609, %swap3A_610] {strides = array<i32>} : memref<128x64xf32, #tpu.memory_space<vmem>>, vector<16xf32>,
        tpu.vector_store %arg9[%swap3A_609, %swap3A_610], %mul3A_608 {strides = array<i32>} : memref<128x64xf32, #tpu.memory_space<vmem>>, vector<16xf32>,
        %get3A_612 = arith.index_cast %scan3A_592 : i32 to index
        %get3A_613 = arith.constant 48 : index
        %get3A_614 = tpu.vector_load %arg9[%get3A_612, %get3A_613] {strides = array<i32>} : memref<128x64xf32, #tpu.memory_space<vmem>>, vector<16xf32>,
        %mul3A_615 = arith.mulf %get3A_614, %gather3A : vector<16xf32>
        %swap3A_616 = arith.index_cast %scan3A_592 : i32 to index
        %swap3A_617 = arith.constant 48 : index
        %swap3A_618 = tpu.vector_load %arg9[%swap3A_616, %swap3A_617] {strides = array<i32>} : memref<128x64xf32, #tpu.memory_space<vmem>>, vector<16xf32>,
        tpu.vector_store %arg9[%swap3A_616, %swap3A_617], %mul3A_615 {strides = array<i32>} : memref<128x64xf32, #tpu.memory_space<vmem>>, vector<16xf32>,
      }
      %scan3A_491 = arith.constant 128 : i32
      %dma_start3A_492 = arith.constant 0 : i32
      %dma_start3A_493 = arith.constant 0 : i32
      %dma_start3A_494 = tpu.memref_slice %arg8[%dma_start3A_492, %dma_start3A_493] : memref<10000x64xf32, #tpu.memory_space<vmem_shared>> -> memref<10000x64xf32, #tpu.memory_space<vmem_shared>>
      tpu.enqueue_indirect_dma source(%arg9 : memref<128x64xf32, #tpu.memory_space<vmem>>) target(%dma_start3A_494 : memref<10000x64xf32, #tpu.memory_space<vmem_shared>>) offsets(%arg13 : memref<128xi32, #tpu.memory_space<vmem>>) semaphore(%arg19 : memref<!tpu.dma_semaphore, #tpu.memory_space<semaphore_mem>>) {add = true}
      %dma_wait3A_495 = arith.constant 0 : i32
      %dma_wait3A_496 = arith.constant 0 : i32
      %dma_wait3A_497 = tpu.memref_slice %arg7[%dma_wait3A_495, %dma_wait3A_496] : memref<10000x64xf32, #tpu.memory_space<vmem_shared>> -> memref<10000x64xf32, #tpu.memory_space<vmem_shared>>
      tpu.wait_indirect_dma semaphore(%arg18 : memref<!tpu.dma_semaphore, #tpu.memory_space<semaphore_mem>>) src(%dma_wait3A_497 : memref<10000x64xf32, #tpu.memory_space<vmem_shared>>) dst(%arg10 : memref<128x64xf32, #tpu.memory_space<vmem>>)
      %add3A_498 = arith.constant 3 : i32
      %add3A_499 = arith.addi %mul3A_457, %add3A_498 : i32
      %dma_start3A_500 = arith.constant 0 : i32
      %dma_start3A_501 = arith.constant 0 : i32
      %dma_start3A_502 = tpu.memref_slice %arg3[%add3A, %add3A_499, %dma_start3A_500, %dma_start3A_501] : memref<32x80x1x128xi32, #tpu.memory_space<hbm>> -> memref<1x1x1x128xi32, #tpu.memory_space<hbm>>
      %dma_start3A_503 = tpu.memref_squeeze %dma_start3A_502 : memref<1x1x1x128xi32, #tpu.memory_space<hbm>> -> memref<128xi32, #tpu.memory_space<hbm>>
      %dma_start3A_504 = arith.constant 0 : i32
      %dma_start3A_505 = tpu.memref_slice %arg3[%add3A, %add3A_499, %dma_start3A_500, %dma_start3A_504] : memref<32x80x1x128xi32, #tpu.memory_space<hbm>> -> memref<1x1x1x128xi32, #tpu.memory_space<hbm>>
      %dma_start3A_506 = tpu.memref_squeeze %dma_start3A_505 : memref<1x1x1x128xi32, #tpu.memory_space<hbm>> -> memref<128xi32, #tpu.memory_space<hbm>>
      tpu.enqueue_dma source(%dma_start3A_506 : memref<128xi32, #tpu.memory_space<hbm>>) target(%arg12 : memref<128xi32, #tpu.memory_space<vmem>>) target_semaphore(%arg22 : memref<!tpu.dma_semaphore, #tpu.memory_space<semaphore_mem>>)
      %dma_wait3A_507 = arith.constant 0 : i32
      %dma_wait3A_508 = arith.constant 0 : i32
      %dma_wait3A_509 = arith.constant 0 : i32
      %dma_wait3A_510 = tpu.memref_slice %arg4[%add3A, %dma_wait3A_507, %dma_wait3A_508, %dma_wait3A_509] : memref<32x80x1x128xi32, #tpu.memory_space<hbm>> -> memref<1x1x1x128xi32, #tpu.memory_space<hbm>>
      %dma_wait3A_511 = tpu.memref_squeeze %dma_wait3A_510 : memref<1x1x1x128xi32, #tpu.memory_space<hbm>> -> memref<128xi32, #tpu.memory_space<hbm>>
      %dma_wait3A_512 = arith.constant 0 : i32
      %dma_wait3A_513 = tpu.memref_slice %arg4[%add3A, %dma_wait3A_507, %dma_wait3A_508, %dma_wait3A_512] : memref<32x80x1x128xi32, #tpu.memory_space<hbm>> -> memref<1x1x1x128xi32, #tpu.memory_space<hbm>>
      %dma_wait3A_514 = tpu.memref_squeeze %dma_wait3A_513 : memref<1x1x1x128xi32, #tpu.memory_space<hbm>> -> memref<128xi32, #tpu.memory_space<hbm>>
      tpu.wait_dma2 semaphore(%arg24 : memref<!tpu.dma_semaphore, #tpu.memory_space<semaphore_mem>>) src(%dma_wait3A_514 : memref<128xi32, #tpu.memory_space<hbm>>) dst(%arg14 : memref<128xi32, #tpu.memory_space<vmem>>)
      %dma_wait3A_515 = arith.constant 0 : i32
      %dma_wait3A_516 = arith.constant 0 : i32
      %dma_wait3A_517 = arith.constant 0 : i32
      %dma_wait3A_518 = tpu.memref_slice %arg5[%add3A, %dma_wait3A_515, %dma_wait3A_516, %dma_wait3A_517] : memref<32x80x1x128xf32, #tpu.memory_space<hbm>> -> memref<1x1x1x128xf32, #tpu.memory_space<hbm>>
      %dma_wait3A_519 = tpu.memref_squeeze %dma_wait3A_518 : memref<1x1x1x128xf32, #tpu.memory_space<hbm>> -> memref<128xf32, #tpu.memory_space<hbm>>
      %dma_wait3A_520 = arith.constant 0 : i32
      %dma_wait3A_521 = tpu.memref_slice %arg5[%add3A, %dma_wait3A_515, %dma_wait3A_516, %dma_wait3A_520] : memref<32x80x1x128xf32, #tpu.memory_space<hbm>> -> memref<1x1x1x128xf32, #tpu.memory_space<hbm>>
      %dma_wait3A_522 = tpu.memref_squeeze %dma_wait3A_521 : memref<1x1x1x128xf32, #tpu.memory_space<hbm>> -> memref<128xf32, #tpu.memory_space<hbm>>
      tpu.wait_dma2 semaphore(%arg24 : memref<!tpu.dma_semaphore, #tpu.memory_space<semaphore_mem>>) src(%dma_wait3A_522 : memref<128xf32, #tpu.memory_space<hbm>>) dst(%arg16 : memref<128xf32, #tpu.memory_space<vmem>>)
      %scan3A_523 = arith.constant 0 : i32
      %scan3A_524 = arith.constant 0 : i32
      %scan3A_525 = arith.constant 128 : i32
      %scan3A_526 = arith.addi %scan3A_524, %scan3A_525 : i32
      %scan3A_527 = arith.constant 1 : i32
      scf.for %scan3A_592 = %scan3A_524 to %scan3A_526 step %scan3A_527  : i32 {
        %broadcast_in_dim3A = vector.broadcast %scan3A_592 : i32 to vector<16xi32>
        %gather3A = tpu.vector_load_idx %arg16[%broadcast_in_dim3A] : memref<128xf32, #tpu.memory_space<vmem>>[vector<16xi32>], vector<16xf32>,
        %get3A = arith.index_cast %scan3A_592 : i32 to index
        %get3A_593 = arith.constant 0 : index
        %get3A_594 = tpu.vector_load %arg10[%get3A, %get3A_593] {strides = array<i32>} : memref<128x64xf32, #tpu.memory_space<vmem>>, vector<16xf32>,
        %mul3A_595 = arith.mulf %get3A_594, %gather3A : vector<16xf32>
        %swap3A = arith.index_cast %scan3A_592 : i32 to index
        %swap3A_596 = arith.constant 0 : index
        %swap3A_597 = tpu.vector_load %arg10[%swap3A, %swap3A_596] {strides = array<i32>} : memref<128x64xf32, #tpu.memory_space<vmem>>, vector<16xf32>,
        tpu.vector_store %arg10[%swap3A, %swap3A_596], %mul3A_595 {strides = array<i32>} : memref<128x64xf32, #tpu.memory_space<vmem>>, vector<16xf32>,
        %get3A_598 = arith.index_cast %scan3A_592 : i32 to index
        %get3A_599 = arith.constant 16 : index
        %get3A_600 = tpu.vector_load %arg10[%get3A_598, %get3A_599] {strides = array<i32>} : memref<128x64xf32, #tpu.memory_space<vmem>>, vector<16xf32>,
        %mul3A_601 = arith.mulf %get3A_600, %gather3A : vector<16xf32>
        %swap3A_602 = arith.index_cast %scan3A_592 : i32 to index
        %swap3A_603 = arith.constant 16 : index
        %swap3A_604 = tpu.vector_load %arg10[%swap3A_602, %swap3A_603] {strides = array<i32>} : memref<128x64xf32, #tpu.memory_space<vmem>>, vector<16xf32>,
        tpu.vector_store %arg10[%swap3A_602, %swap3A_603], %mul3A_601 {strides = array<i32>} : memref<128x64xf32, #tpu.memory_space<vmem>>, vector<16xf32>,
        %get3A_605 = arith.index_cast %scan3A_592 : i32 to index
        %get3A_606 = arith.constant 32 : index
        %get3A_607 = tpu.vector_load %arg10[%get3A_605, %get3A_606] {strides = array<i32>} : memref<128x64xf32, #tpu.memory_space<vmem>>, vector<16xf32>,
        %mul3A_608 = arith.mulf %get3A_607, %gather3A : vector<16xf32>
        %swap3A_609 = arith.index_cast %scan3A_592 : i32 to index
        %swap3A_610 = arith.constant 32 : index
        %swap3A_611 = tpu.vector_load %arg10[%swap3A_609, %swap3A_610] {strides = array<i32>} : memref<128x64xf32, #tpu.memory_space<vmem>>, vector<16xf32>,
        tpu.vector_store %arg10[%swap3A_609, %swap3A_610], %mul3A_608 {strides = array<i32>} : memref<128x64xf32, #tpu.memory_space<vmem>>, vector<16xf32>,
        %get3A_612 = arith.index_cast %scan3A_592 : i32 to index
        %get3A_613 = arith.constant 48 : index
        %get3A_614 = tpu.vector_load %arg10[%get3A_612, %get3A_613] {strides = array<i32>} : memref<128x64xf32, #tpu.memory_space<vmem>>, vector<16xf32>,
        %mul3A_615 = arith.mulf %get3A_614, %gather3A : vector<16xf32>
        %swap3A_616 = arith.index_cast %scan3A_592 : i32 to index
        %swap3A_617 = arith.constant 48 : index
        %swap3A_618 = tpu.vector_load %arg10[%swap3A_616, %swap3A_617] {strides = array<i32>} : memref<128x64xf32, #tpu.memory_space<vmem>>, vector<16xf32>,
        tpu.vector_store %arg10[%swap3A_616, %swap3A_617], %mul3A_615 {strides = array<i32>} : memref<128x64xf32, #tpu.memory_space<vmem>>, vector<16xf32>,
      }
      %scan3A_528 = arith.constant 128 : i32
      %dma_start3A_529 = arith.constant 0 : i32
      %dma_start3A_530 = arith.constant 0 : i32
      %dma_start3A_531 = tpu.memref_slice %arg8[%dma_start3A_529, %dma_start3A_530] : memref<10000x64xf32, #tpu.memory_space<vmem_shared>> -> memref<10000x64xf32, #tpu.memory_space<vmem_shared>>
      tpu.enqueue_indirect_dma source(%arg10 : memref<128x64xf32, #tpu.memory_space<vmem>>) target(%dma_start3A_531 : memref<10000x64xf32, #tpu.memory_space<vmem_shared>>) offsets(%arg14 : memref<128xi32, #tpu.memory_space<vmem>>) semaphore(%arg20 : memref<!tpu.dma_semaphore, #tpu.memory_space<semaphore_mem>>) {add = true}
      %dma_wait3A_532 = arith.constant 0 : i32
      %dma_wait3A_533 = arith.constant 0 : i32
      %dma_wait3A_534 = tpu.memref_slice %arg8[%dma_wait3A_532, %dma_wait3A_533] : memref<10000x64xf32, #tpu.memory_space<vmem_shared>> -> memref<10000x64xf32, #tpu.memory_space<vmem_shared>>
      tpu.wait_indirect_dma semaphore(%arg19 : memref<!tpu.dma_semaphore, #tpu.memory_space<semaphore_mem>>) src(%arg9 : memref<128x64xf32, #tpu.memory_space<vmem>>) dst(%dma_wait3A_534 : memref<10000x64xf32, #tpu.memory_space<vmem_shared>>)
      %add3A_535 = arith.constant 2 : i32
      %add3A_536 = arith.addi %mul3A_457, %add3A_535 : i32
      %dma_start3A_537 = arith.constant 0 : i32
      %dma_start3A_538 = arith.constant 0 : i32
      %dma_start3A_539 = tpu.memref_slice %arg4[%add3A, %add3A_536, %dma_start3A_537, %dma_start3A_538] : memref<32x80x1x128xi32, #tpu.memory_space<hbm>> -> memref<1x1x1x128xi32, #tpu.memory_space<hbm>>
      %dma_start3A_540 = tpu.memref_squeeze %dma_start3A_539 : memref<1x1x1x128xi32, #tpu.memory_space<hbm>> -> memref<128xi32, #tpu.memory_space<hbm>>
      %dma_start3A_541 = arith.constant 0 : i32
      %dma_start3A_542 = tpu.memref_slice %arg4[%add3A, %add3A_536, %dma_start3A_537, %dma_start3A_541] : memref<32x80x1x128xi32, #tpu.memory_space<hbm>> -> memref<1x1x1x128xi32, #tpu.memory_space<hbm>>
      %dma_start3A_543 = tpu.memref_squeeze %dma_start3A_542 : memref<1x1x1x128xi32, #tpu.memory_space<hbm>> -> memref<128xi32, #tpu.memory_space<hbm>>
      tpu.enqueue_dma source(%dma_start3A_543 : memref<128xi32, #tpu.memory_space<hbm>>) target(%arg13 : memref<128xi32, #tpu.memory_space<vmem>>) target_semaphore(%arg23 : memref<!tpu.dma_semaphore, #tpu.memory_space<semaphore_mem>>)
      %dma_start3A_544 = arith.constant 0 : i32
      %dma_start3A_545 = arith.constant 0 : i32
      %dma_start3A_546 = tpu.memref_slice %arg5[%add3A, %add3A_536, %dma_start3A_544, %dma_start3A_545] : memref<32x80x1x128xf32, #tpu.memory_space<hbm>> -> memref<1x1x1x128xf32, #tpu.memory_space<hbm>>
      %dma_start3A_547 = tpu.memref_squeeze %dma_start3A_546 : memref<1x1x1x128xf32, #tpu.memory_space<hbm>> -> memref<128xf32, #tpu.memory_space<hbm>>
      %dma_start3A_548 = arith.constant 0 : i32
      %dma_start3A_549 = tpu.memref_slice %arg5[%add3A, %add3A_536, %dma_start3A_544, %dma_start3A_548] : memref<32x80x1x128xf32, #tpu.memory_space<hbm>> -> memref<1x1x1x128xf32, #tpu.memory_space<hbm>>
      %dma_start3A_550 = tpu.memref_squeeze %dma_start3A_549 : memref<1x1x1x128xf32, #tpu.memory_space<hbm>> -> memref<128xf32, #tpu.memory_space<hbm>>
      tpu.enqueue_dma source(%dma_start3A_550 : memref<128xf32, #tpu.memory_space<hbm>>) target(%arg15 : memref<128xf32, #tpu.memory_space<vmem>>) target_semaphore(%arg23 : memref<!tpu.dma_semaphore, #tpu.memory_space<semaphore_mem>>)
      %dma_wait3A_551 = arith.constant 0 : i32
      %dma_wait3A_552 = arith.constant 0 : i32
      %dma_wait3A_553 = arith.constant 0 : i32
      %dma_wait3A_554 = tpu.memref_slice %arg3[%add3A, %dma_wait3A_551, %dma_wait3A_552, %dma_wait3A_553] : memref<32x80x1x128xi32, #tpu.memory_space<hbm>> -> memref<1x1x1x128xi32, #tpu.memory_space<hbm>>
      %dma_wait3A_555 = tpu.memref_squeeze %dma_wait3A_554 : memref<1x1x1x128xi32, #tpu.memory_space<hbm>> -> memref<128xi32, #tpu.memory_space<hbm>>
      %dma_wait3A_556 = arith.constant 0 : i32
      %dma_wait3A_557 = tpu.memref_slice %arg3[%add3A, %dma_wait3A_551, %dma_wait3A_552, %dma_wait3A_556] : memref<32x80x1x128xi32, #tpu.memory_space<hbm>> -> memref<1x1x1x128xi32, #tpu.memory_space<hbm>>
      %dma_wait3A_558 = tpu.memref_squeeze %dma_wait3A_557 : memref<1x1x1x128xi32, #tpu.memory_space<hbm>> -> memref<128xi32, #tpu.memory_space<hbm>>
      tpu.wait_dma2 semaphore(%arg21 : memref<!tpu.dma_semaphore, #tpu.memory_space<semaphore_mem>>) src(%dma_wait3A_558 : memref<128xi32, #tpu.memory_space<hbm>>) dst(%arg11 : memref<128xi32, #tpu.memory_space<vmem>>)
      %dma_start3A_559 = arith.constant 0 : i32
      %dma_start3A_560 = arith.constant 0 : i32
      %dma_start3A_561 = tpu.memref_slice %arg7[%dma_start3A_559, %dma_start3A_560] : memref<10000x64xf32, #tpu.memory_space<vmem_shared>> -> memref<10000x64xf32, #tpu.memory_space<vmem_shared>>
      tpu.enqueue_indirect_dma source(%dma_start3A_561 : memref<10000x64xf32, #tpu.memory_space<vmem_shared>>) target(%arg9 : memref<128x64xf32, #tpu.memory_space<vmem>>) offsets(%arg11 : memref<128xi32, #tpu.memory_space<vmem>>) semaphore(%arg17 : memref<!tpu.dma_semaphore, #tpu.memory_space<semaphore_mem>>)
      %dma_wait3A_562 = arith.constant 0 : i32
      %dma_wait3A_563 = arith.constant 0 : i32
      %dma_wait3A_564 = tpu.memref_slice %arg8[%dma_wait3A_562, %dma_wait3A_563] : memref<10000x64xf32, #tpu.memory_space<vmem_shared>> -> memref<10000x64xf32, #tpu.memory_space<vmem_shared>>
      tpu.wait_indirect_dma semaphore(%arg20 : memref<!tpu.dma_semaphore, #tpu.memory_space<semaphore_mem>>) src(%arg10 : memref<128x64xf32, #tpu.memory_space<vmem>>) dst(%dma_wait3A_564 : memref<10000x64xf32, #tpu.memory_space<vmem_shared>>)
      %add3A_565 = arith.constant 3 : i32
      %add3A_566 = arith.addi %mul3A_457, %add3A_565 : i32
      %dma_start3A_567 = arith.constant 0 : i32
      %dma_start3A_568 = arith.constant 0 : i32
      %dma_start3A_569 = tpu.memref_slice %arg4[%add3A, %add3A_566, %dma_start3A_567, %dma_start3A_568] : memref<32x80x1x128xi32, #tpu.memory_space<hbm>> -> memref<1x1x1x128xi32, #tpu.memory_space<hbm>>
      %dma_start3A_570 = tpu.memref_squeeze %dma_start3A_569 : memref<1x1x1x128xi32, #tpu.memory_space<hbm>> -> memref<128xi32, #tpu.memory_space<hbm>>
      %dma_start3A_571 = arith.constant 0 : i32
      %dma_start3A_572 = tpu.memref_slice %arg4[%add3A, %add3A_566, %dma_start3A_567, %dma_start3A_571] : memref<32x80x1x128xi32, #tpu.memory_space<hbm>> -> memref<1x1x1x128xi32, #tpu.memory_space<hbm>>
      %dma_start3A_573 = tpu.memref_squeeze %dma_start3A_572 : memref<1x1x1x128xi32, #tpu.memory_space<hbm>> -> memref<128xi32, #tpu.memory_space<hbm>>
      tpu.enqueue_dma source(%dma_start3A_573 : memref<128xi32, #tpu.memory_space<hbm>>) target(%arg14 : memref<128xi32, #tpu.memory_space<vmem>>) target_semaphore(%arg24 : memref<!tpu.dma_semaphore, #tpu.memory_space<semaphore_mem>>)
      %dma_start3A_574 = arith.constant 0 : i32
      %dma_start3A_575 = arith.constant 0 : i32
      %dma_start3A_576 = tpu.memref_slice %arg5[%add3A, %add3A_566, %dma_start3A_574, %dma_start3A_575] : memref<32x80x1x128xf32, #tpu.memory_space<hbm>> -> memref<1x1x1x128xf32, #tpu.memory_space<hbm>>
      %dma_start3A_577 = tpu.memref_squeeze %dma_start3A_576 : memref<1x1x1x128xf32, #tpu.memory_space<hbm>> -> memref<128xf32, #tpu.memory_space<hbm>>
      %dma_start3A_578 = arith.constant 0 : i32
      %dma_start3A_579 = tpu.memref_slice %arg5[%add3A, %add3A_566, %dma_start3A_574, %dma_start3A_578] : memref<32x80x1x128xf32, #tpu.memory_space<hbm>> -> memref<1x1x1x128xf32, #tpu.memory_space<hbm>>
      %dma_start3A_580 = tpu.memref_squeeze %dma_start3A_579 : memref<1x1x1x128xf32, #tpu.memory_space<hbm>> -> memref<128xf32, #tpu.memory_space<hbm>>
      tpu.enqueue_dma source(%dma_start3A_580 : memref<128xf32, #tpu.memory_space<hbm>>) target(%arg16 : memref<128xf32, #tpu.memory_space<vmem>>) target_semaphore(%arg24 : memref<!tpu.dma_semaphore, #tpu.memory_space<semaphore_mem>>)
      %dma_wait3A_581 = arith.constant 0 : i32
      %dma_wait3A_582 = arith.constant 0 : i32
      %dma_wait3A_583 = arith.constant 0 : i32
      %dma_wait3A_584 = tpu.memref_slice %arg3[%add3A, %dma_wait3A_581, %dma_wait3A_582, %dma_wait3A_583] : memref<32x80x1x128xi32, #tpu.memory_space<hbm>> -> memref<1x1x1x128xi32, #tpu.memory_space<hbm>>
      %dma_wait3A_585 = tpu.memref_squeeze %dma_wait3A_584 : memref<1x1x1x128xi32, #tpu.memory_space<hbm>> -> memref<128xi32, #tpu.memory_space<hbm>>
      %dma_wait3A_586 = arith.constant 0 : i32
      %dma_wait3A_587 = tpu.memref_slice %arg3[%add3A, %dma_wait3A_581, %dma_wait3A_582, %dma_wait3A_586] : memref<32x80x1x128xi32, #tpu.memory_space<hbm>> -> memref<1x1x1x128xi32, #tpu.memory_space<hbm>>
      %dma_wait3A_588 = tpu.memref_squeeze %dma_wait3A_587 : memref<1x1x1x128xi32, #tpu.memory_space<hbm>> -> memref<128xi32, #tpu.memory_space<hbm>>
      tpu.wait_dma2 semaphore(%arg22 : memref<!tpu.dma_semaphore, #tpu.memory_space<semaphore_mem>>) src(%dma_wait3A_588 : memref<128xi32, #tpu.memory_space<hbm>>) dst(%arg12 : memref<128xi32, #tpu.memory_space<vmem>>)
      %dma_start3A_589 = arith.constant 0 : i32
      %dma_start3A_590 = arith.constant 0 : i32
      %dma_start3A_591 = tpu.memref_slice %arg7[%dma_start3A_589, %dma_start3A_590] : memref<10000x64xf32, #tpu.memory_space<vmem_shared>> -> memref<10000x64xf32, #tpu.memory_space<vmem_shared>>
      tpu.enqueue_indirect_dma source(%dma_start3A_591 : memref<10000x64xf32, #tpu.memory_space<vmem_shared>>) target(%arg10 : memref<128x64xf32, #tpu.memory_space<vmem>>) offsets(%arg12 : memref<128xi32, #tpu.memory_space<vmem>>) semaphore(%arg18 : memref<!tpu.dma_semaphore, #tpu.memory_space<semaphore_mem>>)
    }
    %scan3A_132 = arith.constant 39 : i32
    %dma_wait3A_133 = arith.constant 0 : i32
    %dma_wait3A_134 = arith.constant 0 : i32
    %dma_wait3A_135 = tpu.memref_slice %arg7[%dma_wait3A_133, %dma_wait3A_134] : memref<10000x64xf32, #tpu.memory_space<vmem_shared>> -> memref<10000x64xf32, #tpu.memory_space<vmem_shared>>
    tpu.wait_indirect_dma semaphore(%arg17 : memref<!tpu.dma_semaphore, #tpu.memory_space<semaphore_mem>>) src(%dma_wait3A_135 : memref<10000x64xf32, #tpu.memory_space<vmem_shared>>) dst(%arg9 : memref<128x64xf32, #tpu.memory_space<vmem>>)
    %dma_wait3A_136 = arith.constant 0 : i32
    %dma_wait3A_137 = arith.constant 0 : i32
    %dma_wait3A_138 = arith.constant 0 : i32
    %dma_wait3A_139 = tpu.memref_slice %arg4[%add3A, %dma_wait3A_136, %dma_wait3A_137, %dma_wait3A_138] : memref<32x80x1x128xi32, #tpu.memory_space<hbm>> -> memref<1x1x1x128xi32, #tpu.memory_space<hbm>>
    %dma_wait3A_140 = tpu.memref_squeeze %dma_wait3A_139 : memref<1x1x1x128xi32, #tpu.memory_space<hbm>> -> memref<128xi32, #tpu.memory_space<hbm>>
    %dma_wait3A_141 = arith.constant 0 : i32
    %dma_wait3A_142 = tpu.memref_slice %arg4[%add3A, %dma_wait3A_136, %dma_wait3A_137, %dma_wait3A_141] : memref<32x80x1x128xi32, #tpu.memory_space<hbm>> -> memref<1x1x1x128xi32, #tpu.memory_space<hbm>>
    %dma_wait3A_143 = tpu.memref_squeeze %dma_wait3A_142 : memref<1x1x1x128xi32, #tpu.memory_space<hbm>> -> memref<128xi32, #tpu.memory_space<hbm>>
    tpu.wait_dma2 semaphore(%arg23 : memref<!tpu.dma_semaphore, #tpu.memory_space<semaphore_mem>>) src(%dma_wait3A_143 : memref<128xi32, #tpu.memory_space<hbm>>) dst(%arg13 : memref<128xi32, #tpu.memory_space<vmem>>)
    %dma_wait3A_144 = arith.constant 0 : i32
    %dma_wait3A_145 = arith.constant 0 : i32
    %dma_wait3A_146 = arith.constant 0 : i32
    %dma_wait3A_147 = tpu.memref_slice %arg5[%add3A, %dma_wait3A_144, %dma_wait3A_145, %dma_wait3A_146] : memref<32x80x1x128xf32, #tpu.memory_space<hbm>> -> memref<1x1x1x128xf32, #tpu.memory_space<hbm>>
    %dma_wait3A_148 = tpu.memref_squeeze %dma_wait3A_147 : memref<1x1x1x128xf32, #tpu.memory_space<hbm>> -> memref<128xf32, #tpu.memory_space<hbm>>
    %dma_wait3A_149 = arith.constant 0 : i32
    %dma_wait3A_150 = tpu.memref_slice %arg5[%add3A, %dma_wait3A_144, %dma_wait3A_145, %dma_wait3A_149] : memref<32x80x1x128xf32, #tpu.memory_space<hbm>> -> memref<1x1x1x128xf32, #tpu.memory_space<hbm>>
    %dma_wait3A_151 = tpu.memref_squeeze %dma_wait3A_150 : memref<1x1x1x128xf32, #tpu.memory_space<hbm>> -> memref<128xf32, #tpu.memory_space<hbm>>
    tpu.wait_dma2 semaphore(%arg23 : memref<!tpu.dma_semaphore, #tpu.memory_space<semaphore_mem>>) src(%dma_wait3A_151 : memref<128xf32, #tpu.memory_space<hbm>>) dst(%arg15 : memref<128xf32, #tpu.memory_space<vmem>>)
    %scan3A_152 = arith.constant 0 : i32
    %scan3A_153 = arith.constant 0 : i32
    %scan3A_154 = arith.constant 128 : i32
    %scan3A_155 = arith.addi %scan3A_153, %scan3A_154 : i32
    %scan3A_156 = arith.constant 1 : i32
    scf.for %scan3A_455 = %scan3A_153 to %scan3A_155 step %scan3A_156  : i32 {
      %broadcast_in_dim3A = vector.broadcast %scan3A_455 : i32 to vector<16xi32>
      %gather3A = tpu.vector_load_idx %arg15[%broadcast_in_dim3A] : memref<128xf32, #tpu.memory_space<vmem>>[vector<16xi32>], vector<16xf32>,
      %get3A = arith.index_cast %scan3A_455 : i32 to index
      %get3A_456 = arith.constant 0 : index
      %get3A_457 = tpu.vector_load %arg9[%get3A, %get3A_456] {strides = array<i32>} : memref<128x64xf32, #tpu.memory_space<vmem>>, vector<16xf32>,
      %mul3A_458 = arith.mulf %get3A_457, %gather3A : vector<16xf32>
      %swap3A = arith.index_cast %scan3A_455 : i32 to index
      %swap3A_459 = arith.constant 0 : index
      %swap3A_460 = tpu.vector_load %arg9[%swap3A, %swap3A_459] {strides = array<i32>} : memref<128x64xf32, #tpu.memory_space<vmem>>, vector<16xf32>,
      tpu.vector_store %arg9[%swap3A, %swap3A_459], %mul3A_458 {strides = array<i32>} : memref<128x64xf32, #tpu.memory_space<vmem>>, vector<16xf32>,
      %get3A_461 = arith.index_cast %scan3A_455 : i32 to index
      %get3A_462 = arith.constant 16 : index
      %get3A_463 = tpu.vector_load %arg9[%get3A_461, %get3A_462] {strides = array<i32>} : memref<128x64xf32, #tpu.memory_space<vmem>>, vector<16xf32>,
      %mul3A_464 = arith.mulf %get3A_463, %gather3A : vector<16xf32>
      %swap3A_465 = arith.index_cast %scan3A_455 : i32 to index
      %swap3A_466 = arith.constant 16 : index
      %swap3A_467 = tpu.vector_load %arg9[%swap3A_465, %swap3A_466] {strides = array<i32>} : memref<128x64xf32, #tpu.memory_space<vmem>>, vector<16xf32>,
      tpu.vector_store %arg9[%swap3A_465, %swap3A_466], %mul3A_464 {strides = array<i32>} : memref<128x64xf32, #tpu.memory_space<vmem>>, vector<16xf32>,
      %get3A_468 = arith.index_cast %scan3A_455 : i32 to index
      %get3A_469 = arith.constant 32 : index
      %get3A_470 = tpu.vector_load %arg9[%get3A_468, %get3A_469] {strides = array<i32>} : memref<128x64xf32, #tpu.memory_space<vmem>>, vector<16xf32>,
      %mul3A_471 = arith.mulf %get3A_470, %gather3A : vector<16xf32>
      %swap3A_472 = arith.index_cast %scan3A_455 : i32 to index
      %swap3A_473 = arith.constant 32 : index
      %swap3A_474 = tpu.vector_load %arg9[%swap3A_472, %swap3A_473] {strides = array<i32>} : memref<128x64xf32, #tpu.memory_space<vmem>>, vector<16xf32>,
      tpu.vector_store %arg9[%swap3A_472, %swap3A_473], %mul3A_471 {strides = array<i32>} : memref<128x64xf32, #tpu.memory_space<vmem>>, vector<16xf32>,
      %get3A_475 = arith.index_cast %scan3A_455 : i32 to index
      %get3A_476 = arith.constant 48 : index
      %get3A_477 = tpu.vector_load %arg9[%get3A_475, %get3A_476] {strides = array<i32>} : memref<128x64xf32, #tpu.memory_space<vmem>>, vector<16xf32>,
      %mul3A_478 = arith.mulf %get3A_477, %gather3A : vector<16xf32>
      %swap3A_479 = arith.index_cast %scan3A_455 : i32 to index
      %swap3A_480 = arith.constant 48 : index
      %swap3A_481 = tpu.vector_load %arg9[%swap3A_479, %swap3A_480] {strides = array<i32>} : memref<128x64xf32, #tpu.memory_space<vmem>>, vector<16xf32>,
      tpu.vector_store %arg9[%swap3A_479, %swap3A_480], %mul3A_478 {strides = array<i32>} : memref<128x64xf32, #tpu.memory_space<vmem>>, vector<16xf32>,
    }
    %scan3A_157 = arith.constant 128 : i32
    %dma_start3A_158 = arith.constant 0 : i32
    %dma_start3A_159 = arith.constant 0 : i32
    %dma_start3A_160 = tpu.memref_slice %arg8[%dma_start3A_158, %dma_start3A_159] : memref<10000x64xf32, #tpu.memory_space<vmem_shared>> -> memref<10000x64xf32, #tpu.memory_space<vmem_shared>>
    tpu.enqueue_indirect_dma source(%arg9 : memref<128x64xf32, #tpu.memory_space<vmem>>) target(%dma_start3A_160 : memref<10000x64xf32, #tpu.memory_space<vmem_shared>>) offsets(%arg13 : memref<128xi32, #tpu.memory_space<vmem>>) semaphore(%arg19 : memref<!tpu.dma_semaphore, #tpu.memory_space<semaphore_mem>>) {add = true}
    %dma_wait3A_161 = arith.constant 0 : i32
    %dma_wait3A_162 = arith.constant 0 : i32
    %dma_wait3A_163 = tpu.memref_slice %arg7[%dma_wait3A_161, %dma_wait3A_162] : memref<10000x64xf32, #tpu.memory_space<vmem_shared>> -> memref<10000x64xf32, #tpu.memory_space<vmem_shared>>
    tpu.wait_indirect_dma semaphore(%arg18 : memref<!tpu.dma_semaphore, #tpu.memory_space<semaphore_mem>>) src(%dma_wait3A_163 : memref<10000x64xf32, #tpu.memory_space<vmem_shared>>) dst(%arg10 : memref<128x64xf32, #tpu.memory_space<vmem>>)
    %dma_wait3A_164 = arith.constant 0 : i32
    %dma_wait3A_165 = arith.constant 0 : i32
    %dma_wait3A_166 = arith.constant 0 : i32
    %dma_wait3A_167 = tpu.memref_slice %arg4[%add3A, %dma_wait3A_164, %dma_wait3A_165, %dma_wait3A_166] : memref<32x80x1x128xi32, #tpu.memory_space<hbm>> -> memref<1x1x1x128xi32, #tpu.memory_space<hbm>>
    %dma_wait3A_168 = tpu.memref_squeeze %dma_wait3A_167 : memref<1x1x1x128xi32, #tpu.memory_space<hbm>> -> memref<128xi32, #tpu.memory_space<hbm>>
    %dma_wait3A_169 = arith.constant 0 : i32
    %dma_wait3A_170 = tpu.memref_slice %arg4[%add3A, %dma_wait3A_164, %dma_wait3A_165, %dma_wait3A_169] : memref<32x80x1x128xi32, #tpu.memory_space<hbm>> -> memref<1x1x1x128xi32, #tpu.memory_space<hbm>>
    %dma_wait3A_171 = tpu.memref_squeeze %dma_wait3A_170 : memref<1x1x1x128xi32, #tpu.memory_space<hbm>> -> memref<128xi32, #tpu.memory_space<hbm>>
    tpu.wait_dma2 semaphore(%arg24 : memref<!tpu.dma_semaphore, #tpu.memory_space<semaphore_mem>>) src(%dma_wait3A_171 : memref<128xi32, #tpu.memory_space<hbm>>) dst(%arg14 : memref<128xi32, #tpu.memory_space<vmem>>)
    %dma_wait3A_172 = arith.constant 0 : i32
    %dma_wait3A_173 = arith.constant 0 : i32
    %dma_wait3A_174 = arith.constant 0 : i32
    %dma_wait3A_175 = tpu.memref_slice %arg5[%add3A, %dma_wait3A_172, %dma_wait3A_173, %dma_wait3A_174] : memref<32x80x1x128xf32, #tpu.memory_space<hbm>> -> memref<1x1x1x128xf32, #tpu.memory_space<hbm>>
    %dma_wait3A_176 = tpu.memref_squeeze %dma_wait3A_175 : memref<1x1x1x128xf32, #tpu.memory_space<hbm>> -> memref<128xf32, #tpu.memory_space<hbm>>
    %dma_wait3A_177 = arith.constant 0 : i32
    %dma_wait3A_178 = tpu.memref_slice %arg5[%add3A, %dma_wait3A_172, %dma_wait3A_173, %dma_wait3A_177] : memref<32x80x1x128xf32, #tpu.memory_space<hbm>> -> memref<1x1x1x128xf32, #tpu.memory_space<hbm>>
    %dma_wait3A_179 = tpu.memref_squeeze %dma_wait3A_178 : memref<1x1x1x128xf32, #tpu.memory_space<hbm>> -> memref<128xf32, #tpu.memory_space<hbm>>
    tpu.wait_dma2 semaphore(%arg24 : memref<!tpu.dma_semaphore, #tpu.memory_space<semaphore_mem>>) src(%dma_wait3A_179 : memref<128xf32, #tpu.memory_space<hbm>>) dst(%arg16 : memref<128xf32, #tpu.memory_space<vmem>>)
    %scan3A_180 = arith.constant 0 : i32
    %scan3A_181 = arith.constant 0 : i32
    %scan3A_182 = arith.constant 128 : i32
    %scan3A_183 = arith.addi %scan3A_181, %scan3A_182 : i32
    %scan3A_184 = arith.constant 1 : i32
    scf.for %scan3A_455 = %scan3A_181 to %scan3A_183 step %scan3A_184  : i32 {
      %broadcast_in_dim3A = vector.broadcast %scan3A_455 : i32 to vector<16xi32>
      %gather3A = tpu.vector_load_idx %arg16[%broadcast_in_dim3A] : memref<128xf32, #tpu.memory_space<vmem>>[vector<16xi32>], vector<16xf32>,
      %get3A = arith.index_cast %scan3A_455 : i32 to index
      %get3A_456 = arith.constant 0 : index
      %get3A_457 = tpu.vector_load %arg10[%get3A, %get3A_456] {strides = array<i32>} : memref<128x64xf32, #tpu.memory_space<vmem>>, vector<16xf32>,
      %mul3A_458 = arith.mulf %get3A_457, %gather3A : vector<16xf32>
      %swap3A = arith.index_cast %scan3A_455 : i32 to index
      %swap3A_459 = arith.constant 0 : index
      %swap3A_460 = tpu.vector_load %arg10[%swap3A, %swap3A_459] {strides = array<i32>} : memref<128x64xf32, #tpu.memory_space<vmem>>, vector<16xf32>,
      tpu.vector_store %arg10[%swap3A, %swap3A_459], %mul3A_458 {strides = array<i32>} : memref<128x64xf32, #tpu.memory_space<vmem>>, vector<16xf32>,
      %get3A_461 = arith.index_cast %scan3A_455 : i32 to index
      %get3A_462 = arith.constant 16 : index
      %get3A_463 = tpu.vector_load %arg10[%get3A_461, %get3A_462] {strides = array<i32>} : memref<128x64xf32, #tpu.memory_space<vmem>>, vector<16xf32>,
      %mul3A_464 = arith.mulf %get3A_463, %gather3A : vector<16xf32>
      %swap3A_465 = arith.index_cast %scan3A_455 : i32 to index
      %swap3A_466 = arith.constant 16 : index
      %swap3A_467 = tpu.vector_load %arg10[%swap3A_465, %swap3A_466] {strides = array<i32>} : memref<128x64xf32, #tpu.memory_space<vmem>>, vector<16xf32>,
      tpu.vector_store %arg10[%swap3A_465, %swap3A_466], %mul3A_464 {strides = array<i32>} : memref<128x64xf32, #tpu.memory_space<vmem>>, vector<16xf32>,
      %get3A_468 = arith.index_cast %scan3A_455 : i32 to index
      %get3A_469 = arith.constant 32 : index
      %get3A_470 = tpu.vector_load %arg10[%get3A_468, %get3A_469] {strides = array<i32>} : memref<128x64xf32, #tpu.memory_space<vmem>>, vector<16xf32>,
      %mul3A_471 = arith.mulf %get3A_470, %gather3A : vector<16xf32>
      %swap3A_472 = arith.index_cast %scan3A_455 : i32 to index
      %swap3A_473 = arith.constant 32 : index
      %swap3A_474 = tpu.vector_load %arg10[%swap3A_472, %swap3A_473] {strides = array<i32>} : memref<128x64xf32, #tpu.memory_space<vmem>>, vector<16xf32>,
      tpu.vector_store %arg10[%swap3A_472, %swap3A_473], %mul3A_471 {strides = array<i32>} : memref<128x64xf32, #tpu.memory_space<vmem>>, vector<16xf32>,
      %get3A_475 = arith.index_cast %scan3A_455 : i32 to index
      %get3A_476 = arith.constant 48 : index
      %get3A_477 = tpu.vector_load %arg10[%get3A_475, %get3A_476] {strides = array<i32>} : memref<128x64xf32, #tpu.memory_space<vmem>>, vector<16xf32>,
      %mul3A_478 = arith.mulf %get3A_477, %gather3A : vector<16xf32>
      %swap3A_479 = arith.index_cast %scan3A_455 : i32 to index
      %swap3A_480 = arith.constant 48 : index
      %swap3A_481 = tpu.vector_load %arg10[%swap3A_479, %swap3A_480] {strides = array<i32>} : memref<128x64xf32, #tpu.memory_space<vmem>>, vector<16xf32>,
      tpu.vector_store %arg10[%swap3A_479, %swap3A_480], %mul3A_478 {strides = array<i32>} : memref<128x64xf32, #tpu.memory_space<vmem>>, vector<16xf32>,
    }
    %scan3A_185 = arith.constant 128 : i32
    %dma_start3A_186 = arith.constant 0 : i32
    %dma_start3A_187 = arith.constant 0 : i32
    %dma_start3A_188 = tpu.memref_slice %arg8[%dma_start3A_186, %dma_start3A_187] : memref<10000x64xf32, #tpu.memory_space<vmem_shared>> -> memref<10000x64xf32, #tpu.memory_space<vmem_shared>>
    tpu.enqueue_indirect_dma source(%arg10 : memref<128x64xf32, #tpu.memory_space<vmem>>) target(%dma_start3A_188 : memref<10000x64xf32, #tpu.memory_space<vmem_shared>>) offsets(%arg14 : memref<128xi32, #tpu.memory_space<vmem>>) semaphore(%arg20 : memref<!tpu.dma_semaphore, #tpu.memory_space<semaphore_mem>>) {add = true}
    %dma_wait3A_189 = arith.constant 0 : i32
    %dma_wait3A_190 = arith.constant 0 : i32
    %dma_wait3A_191 = tpu.memref_slice %arg8[%dma_wait3A_189, %dma_wait3A_190] : memref<10000x64xf32, #tpu.memory_space<vmem_shared>> -> memref<10000x64xf32, #tpu.memory_space<vmem_shared>>
    tpu.wait_indirect_dma semaphore(%arg19 : memref<!tpu.dma_semaphore, #tpu.memory_space<semaphore_mem>>) src(%arg9 : memref<128x64xf32, #tpu.memory_space<vmem>>) dst(%dma_wait3A_191 : memref<10000x64xf32, #tpu.memory_space<vmem_shared>>)
    %dma_wait3A_192 = arith.constant 0 : i32
    %dma_wait3A_193 = arith.constant 0 : i32
    %dma_wait3A_194 = tpu.memref_slice %arg8[%dma_wait3A_192, %dma_wait3A_193] : memref<10000x64xf32, #tpu.memory_space<vmem_shared>> -> memref<10000x64xf32, #tpu.memory_space<vmem_shared>>
    tpu.wait_indirect_dma semaphore(%arg20 : memref<!tpu.dma_semaphore, #tpu.memory_space<semaphore_mem>>) src(%arg10 : memref<128x64xf32, #tpu.memory_space<vmem>>) dst(%dma_wait3A_194 : memref<10000x64xf32, #tpu.memory_space<vmem_shared>>)
    %barrier3A_195 = arith.constant 0 : index
    tpu.barrier barrier_id(%barrier3A_195)
    %add3A_196 = arith.constant 0 : i32
    %add3A_197 = arith.addi %arg1, %add3A_196 : i32
    %lt3A_198 = arith.constant 50 : i32
    %lt3A_199 = arith.cmpi slt, %add3A_197, %lt3A_198 : i32
    %convert_element_type3A_200 = arith.extui %lt3A_199 : i1 to i32
    %cond3A_201 = arith.constant 0 : i32
    %cond3A_202 = arith.cmpi ne, %convert_element_type3A_200, %cond3A_201 : i32
    scf.if %cond3A_202 {
      %mul3A_455 = arith.constant 200 : i32
      %mul3A_456 = arith.muli %add3A_197, %mul3A_455 : i32
      %run_scoped3A = arith.constant 0 : i32
      "tpu.region"() ({
        %run_scoped3A_457 = tpu.sem_alloc : memref<!tpu.dma_semaphore, #tpu.memory_space<semaphore_mem>>
        %dma_start3A_458 = arith.constant 0 : i32
        %dma_start3A_459 = tpu.memref_slice %arg6[%arg0, %run_scoped3A, %mul3A_456, %dma_start3A_458] : memref<2x2x10000x64xf32, #tpu.memory_space<hbm>> -> memref<1x1x200x64xf32, #tpu.memory_space<hbm>>
        %dma_start3A_460 = tpu.memref_squeeze %dma_start3A_459 : memref<1x1x200x64xf32, #tpu.memory_space<hbm>> -> memref<200x64xf32, #tpu.memory_space<hbm>>
        %dma_start3A_461 = arith.constant 0 : i32
        %dma_start3A_462 = tpu.memref_slice %arg8[%mul3A_456, %dma_start3A_461] : memref<10000x64xf32, #tpu.memory_space<vmem_shared>> -> memref<200x64xf32, #tpu.memory_space<vmem_shared>>
        tpu.enqueue_dma source(%dma_start3A_462 : memref<200x64xf32, #tpu.memory_space<vmem_shared>>) target(%dma_start3A_460 : memref<200x64xf32, #tpu.memory_space<hbm>>) target_semaphore(%run_scoped3A_457 : memref<!tpu.dma_semaphore, #tpu.memory_space<semaphore_mem>>)
        %dma_wait3A_463 = arith.constant 0 : i32
        %dma_wait3A_464 = tpu.memref_slice %arg6[%arg0, %run_scoped3A, %mul3A_456, %dma_wait3A_463] : memref<2x2x10000x64xf32, #tpu.memory_space<hbm>> -> memref<1x1x200x64xf32, #tpu.memory_space<hbm>>
        %dma_wait3A_465 = tpu.memref_squeeze %dma_wait3A_464 : memref<1x1x200x64xf32, #tpu.memory_space<hbm>> -> memref<200x64xf32, #tpu.memory_space<hbm>>
        %dma_wait3A_466 = arith.constant 0 : i32
        %dma_wait3A_467 = tpu.memref_slice %arg8[%mul3A_456, %dma_wait3A_466] : memref<10000x64xf32, #tpu.memory_space<vmem_shared>> -> memref<200x64xf32, #tpu.memory_space<vmem_shared>>
        tpu.wait_dma2 semaphore(%run_scoped3A_457 : memref<!tpu.dma_semaphore, #tpu.memory_space<semaphore_mem>>) src(%dma_wait3A_467 : memref<200x64xf32, #tpu.memory_space<vmem_shared>>) dst(%dma_wait3A_465 : memref<200x64xf32, #tpu.memory_space<hbm>>)
        tpu.yield
      }) : () -> ()
    } else {
    }
    %add3A_203 = arith.constant 16 : i32
    %add3A_204 = arith.addi %arg1, %add3A_203 : i32
    %lt3A_205 = arith.constant 50 : i32
    %lt3A_206 = arith.cmpi slt, %add3A_204, %lt3A_205 : i32
    %convert_element_type3A_207 = arith.extui %lt3A_206 : i1 to i32
    %cond3A_208 = arith.constant 0 : i32
    %cond3A_209 = arith.cmpi ne, %convert_element_type3A_207, %cond3A_208 : i32
    scf.if %cond3A_209 {
      %mul3A_455 = arith.constant 200 : i32
      %mul3A_456 = arith.muli %add3A_204, %mul3A_455 : i32
      %run_scoped3A = arith.constant 0 : i32
      "tpu.region"() ({
        %run_scoped3A_457 = tpu.sem_alloc : memref<!tpu.dma_semaphore, #tpu.memory_space<semaphore_mem>>
        %dma_start3A_458 = arith.constant 0 : i32
        %dma_start3A_459 = tpu.memref_slice %arg6[%arg0, %run_scoped3A, %mul3A_456, %dma_start3A_458] : memref<2x2x10000x64xf32, #tpu.memory_space<hbm>> -> memref<1x1x200x64xf32, #tpu.memory_space<hbm>>
        %dma_start3A_460 = tpu.memref_squeeze %dma_start3A_459 : memref<1x1x200x64xf32, #tpu.memory_space<hbm>> -> memref<200x64xf32, #tpu.memory_space<hbm>>
        %dma_start3A_461 = arith.constant 0 : i32
        %dma_start3A_462 = tpu.memref_slice %arg8[%mul3A_456, %dma_start3A_461] : memref<10000x64xf32, #tpu.memory_space<vmem_shared>> -> memref<200x64xf32, #tpu.memory_space<vmem_shared>>
        tpu.enqueue_dma source(%dma_start3A_462 : memref<200x64xf32, #tpu.memory_space<vmem_shared>>) target(%dma_start3A_460 : memref<200x64xf32, #tpu.memory_space<hbm>>) target_semaphore(%run_scoped3A_457 : memref<!tpu.dma_semaphore, #tpu.memory_space<semaphore_mem>>)
        %dma_wait3A_463 = arith.constant 0 : i32
        %dma_wait3A_464 = tpu.memref_slice %arg6[%arg0, %run_scoped3A, %mul3A_456, %dma_wait3A_463] : memref<2x2x10000x64xf32, #tpu.memory_space<hbm>> -> memref<1x1x200x64xf32, #tpu.memory_space<hbm>>
        %dma_wait3A_465 = tpu.memref_squeeze %dma_wait3A_464 : memref<1x1x200x64xf32, #tpu.memory_space<hbm>> -> memref<200x64xf32, #tpu.memory_space<hbm>>
        %dma_wait3A_466 = arith.constant 0 : i32
        %dma_wait3A_467 = tpu.memref_slice %arg8[%mul3A_456, %dma_wait3A_466] : memref<10000x64xf32, #tpu.memory_space<vmem_shared>> -> memref<200x64xf32, #tpu.memory_space<vmem_shared>>
        tpu.wait_dma2 semaphore(%run_scoped3A_457 : memref<!tpu.dma_semaphore, #tpu.memory_space<semaphore_mem>>) src(%dma_wait3A_467 : memref<200x64xf32, #tpu.memory_space<vmem_shared>>) dst(%dma_wait3A_465 : memref<200x64xf32, #tpu.memory_space<hbm>>)
        tpu.yield
      }) : () -> ()
    } else {
    }
    %add3A_210 = arith.constant 32 : i32
    %add3A_211 = arith.addi %arg1, %add3A_210 : i32
    %lt3A_212 = arith.constant 50 : i32
    %lt3A_213 = arith.cmpi slt, %add3A_211, %lt3A_212 : i32
    %convert_element_type3A_214 = arith.extui %lt3A_213 : i1 to i32
    %cond3A_215 = arith.constant 0 : i32
    %cond3A_216 = arith.cmpi ne, %convert_element_type3A_214, %cond3A_215 : i32
    scf.if %cond3A_216 {
      %mul3A_455 = arith.constant 200 : i32
      %mul3A_456 = arith.muli %add3A_211, %mul3A_455 : i32
      %run_scoped3A = arith.constant 0 : i32
      "tpu.region"() ({
        %run_scoped3A_457 = tpu.sem_alloc : memref<!tpu.dma_semaphore, #tpu.memory_space<semaphore_mem>>
        %dma_start3A_458 = arith.constant 0 : i32
        %dma_start3A_459 = tpu.memref_slice %arg6[%arg0, %run_scoped3A, %mul3A_456, %dma_start3A_458] : memref<2x2x10000x64xf32, #tpu.memory_space<hbm>> -> memref<1x1x200x64xf32, #tpu.memory_space<hbm>>
        %dma_start3A_460 = tpu.memref_squeeze %dma_start3A_459 : memref<1x1x200x64xf32, #tpu.memory_space<hbm>> -> memref<200x64xf32, #tpu.memory_space<hbm>>
        %dma_start3A_461 = arith.constant 0 : i32
        %dma_start3A_462 = tpu.memref_slice %arg8[%mul3A_456, %dma_start3A_461] : memref<10000x64xf32, #tpu.memory_space<vmem_shared>> -> memref<200x64xf32, #tpu.memory_space<vmem_shared>>
        tpu.enqueue_dma source(%dma_start3A_462 : memref<200x64xf32, #tpu.memory_space<vmem_shared>>) target(%dma_start3A_460 : memref<200x64xf32, #tpu.memory_space<hbm>>) target_semaphore(%run_scoped3A_457 : memref<!tpu.dma_semaphore, #tpu.memory_space<semaphore_mem>>)
        %dma_wait3A_463 = arith.constant 0 : i32
        %dma_wait3A_464 = tpu.memref_slice %arg6[%arg0, %run_scoped3A, %mul3A_456, %dma_wait3A_463] : memref<2x2x10000x64xf32, #tpu.memory_space<hbm>> -> memref<1x1x200x64xf32, #tpu.memory_space<hbm>>
        %dma_wait3A_465 = tpu.memref_squeeze %dma_wait3A_464 : memref<1x1x200x64xf32, #tpu.memory_space<hbm>> -> memref<200x64xf32, #tpu.memory_space<hbm>>
        %dma_wait3A_466 = arith.constant 0 : i32
        %dma_wait3A_467 = tpu.memref_slice %arg8[%mul3A_456, %dma_wait3A_466] : memref<10000x64xf32, #tpu.memory_space<vmem_shared>> -> memref<200x64xf32, #tpu.memory_space<vmem_shared>>
        tpu.wait_dma2 semaphore(%run_scoped3A_457 : memref<!tpu.dma_semaphore, #tpu.memory_space<semaphore_mem>>) src(%dma_wait3A_467 : memref<200x64xf32, #tpu.memory_space<vmem_shared>>) dst(%dma_wait3A_465 : memref<200x64xf32, #tpu.memory_space<hbm>>)
        tpu.yield
      }) : () -> ()
    } else {
    }
    %add3A_217 = arith.constant 48 : i32
    %add3A_218 = arith.addi %arg1, %add3A_217 : i32
    %lt3A_219 = arith.constant 50 : i32
    %lt3A_220 = arith.cmpi slt, %add3A_218, %lt3A_219 : i32
    %convert_element_type3A_221 = arith.extui %lt3A_220 : i1 to i32
    %cond3A_222 = arith.constant 0 : i32
    %cond3A_223 = arith.cmpi ne, %convert_element_type3A_221, %cond3A_222 : i32
    scf.if %cond3A_223 {
      %mul3A_455 = arith.constant 200 : i32
      %mul3A_456 = arith.muli %add3A_218, %mul3A_455 : i32
      %run_scoped3A = arith.constant 0 : i32
      "tpu.region"() ({
        %run_scoped3A_457 = tpu.sem_alloc : memref<!tpu.dma_semaphore, #tpu.memory_space<semaphore_mem>>
        %dma_start3A_458 = arith.constant 0 : i32
        %dma_start3A_459 = tpu.memref_slice %arg6[%arg0, %run_scoped3A, %mul3A_456, %dma_start3A_458] : memref<2x2x10000x64xf32, #tpu.memory_space<hbm>> -> memref<1x1x200x64xf32, #tpu.memory_space<hbm>>
        %dma_start3A_460 = tpu.memref_squeeze %dma_start3A_459 : memref<1x1x200x64xf32, #tpu.memory_space<hbm>> -> memref<200x64xf32, #tpu.memory_space<hbm>>
        %dma_start3A_461 = arith.constant 0 : i32
        %dma_start3A_462 = tpu.memref_slice %arg8[%mul3A_456, %dma_start3A_461] : memref<10000x64xf32, #tpu.memory_space<vmem_shared>> -> memref<200x64xf32, #tpu.memory_space<vmem_shared>>
        tpu.enqueue_dma source(%dma_start3A_462 : memref<200x64xf32, #tpu.memory_space<vmem_shared>>) target(%dma_start3A_460 : memref<200x64xf32, #tpu.memory_space<hbm>>) target_semaphore(%run_scoped3A_457 : memref<!tpu.dma_semaphore, #tpu.memory_space<semaphore_mem>>)
        %dma_wait3A_463 = arith.constant 0 : i32
        %dma_wait3A_464 = tpu.memref_slice %arg6[%arg0, %run_scoped3A, %mul3A_456, %dma_wait3A_463] : memref<2x2x10000x64xf32, #tpu.memory_space<hbm>> -> memref<1x1x200x64xf32, #tpu.memory_space<hbm>>
        %dma_wait3A_465 = tpu.memref_squeeze %dma_wait3A_464 : memref<1x1x200x64xf32, #tpu.memory_space<hbm>> -> memref<200x64xf32, #tpu.memory_space<hbm>>
        %dma_wait3A_466 = arith.constant 0 : i32
        %dma_wait3A_467 = tpu.memref_slice %arg8[%mul3A_456, %dma_wait3A_466] : memref<10000x64xf32, #tpu.memory_space<vmem_shared>> -> memref<200x64xf32, #tpu.memory_space<vmem_shared>>
        tpu.wait_dma2 semaphore(%run_scoped3A_457 : memref<!tpu.dma_semaphore, #tpu.memory_space<semaphore_mem>>) src(%dma_wait3A_467 : memref<200x64xf32, #tpu.memory_space<vmem_shared>>) dst(%dma_wait3A_465 : memref<200x64xf32, #tpu.memory_space<hbm>>)
        tpu.yield
      }) : () -> ()
    } else {
    }
    %scan3A_224 = arith.constant 0 : i32
    %scan3A_225 = arith.constant 0 : i32
    %scan3A_226 = arith.constant 80 : i32
    %scan3A_227 = arith.addi %scan3A_225, %scan3A_226 : i32
    %scan3A_228 = arith.constant 1 : i32
    scf.for %scan3A_455 = %scan3A_225 to %scan3A_227 step %scan3A_228  : i32 {
      %broadcast_in_dim3A = arith.constant 0.000000e+00 : f32
      %broadcast_in_dim3A_456 = vector.broadcast %broadcast_in_dim3A : f32 to vector<16xf32>
      %swap3A = arith.index_cast %scan3A_455 : i32 to index
      %swap3A_457 = arith.constant 0 : index
      %swap3A_458 = tpu.vector_load %arg9[%swap3A, %swap3A_457] {strides = array<i32>} : memref<128x64xf32, #tpu.memory_space<vmem>>, vector<16xf32>,
      tpu.vector_store %arg9[%swap3A, %swap3A_457], %broadcast_in_dim3A_456 {strides = array<i32>} : memref<128x64xf32, #tpu.memory_space<vmem>>, vector<16xf32>,
      %broadcast_in_dim3A_459 = arith.constant 0.000000e+00 : f32
      %broadcast_in_dim3A_460 = vector.broadcast %broadcast_in_dim3A_459 : f32 to vector<16xf32>
      %swap3A_461 = arith.index_cast %scan3A_455 : i32 to index
      %swap3A_462 = arith.constant 16 : index
      %swap3A_463 = tpu.vector_load %arg9[%swap3A_461, %swap3A_462] {strides = array<i32>} : memref<128x64xf32, #tpu.memory_space<vmem>>, vector<16xf32>,
      tpu.vector_store %arg9[%swap3A_461, %swap3A_462], %broadcast_in_dim3A_460 {strides = array<i32>} : memref<128x64xf32, #tpu.memory_space<vmem>>, vector<16xf32>,
      %broadcast_in_dim3A_464 = arith.constant 0.000000e+00 : f32
      %broadcast_in_dim3A_465 = vector.broadcast %broadcast_in_dim3A_464 : f32 to vector<16xf32>
      %swap3A_466 = arith.index_cast %scan3A_455 : i32 to index
      %swap3A_467 = arith.constant 32 : index
      %swap3A_468 = tpu.vector_load %arg9[%swap3A_466, %swap3A_467] {strides = array<i32>} : memref<128x64xf32, #tpu.memory_space<vmem>>, vector<16xf32>,
      tpu.vector_store %arg9[%swap3A_466, %swap3A_467], %broadcast_in_dim3A_465 {strides = array<i32>} : memref<128x64xf32, #tpu.memory_space<vmem>>, vector<16xf32>,
      %broadcast_in_dim3A_469 = arith.constant 0.000000e+00 : f32
      %broadcast_in_dim3A_470 = vector.broadcast %broadcast_in_dim3A_469 : f32 to vector<16xf32>
      %swap3A_471 = arith.index_cast %scan3A_455 : i32 to index
      %swap3A_472 = arith.constant 48 : index
      %swap3A_473 = tpu.vector_load %arg9[%swap3A_471, %swap3A_472] {strides = array<i32>} : memref<128x64xf32, #tpu.memory_space<vmem>>, vector<16xf32>,
      tpu.vector_store %arg9[%swap3A_471, %swap3A_472], %broadcast_in_dim3A_470 {strides = array<i32>} : memref<128x64xf32, #tpu.memory_space<vmem>>, vector<16xf32>,
    }
    %scan3A_229 = arith.constant 80 : i32
    %barrier3A_230 = arith.constant 0 : index
    tpu.barrier barrier_id(%barrier3A_230)
    %add3A_231 = arith.constant 0 : i32
    %add3A_232 = arith.addi %arg1, %add3A_231 : i32
    %lt3A_233 = arith.constant 125 : i32
    %lt3A_234 = arith.cmpi slt, %add3A_232, %lt3A_233 : i32
    %convert_element_type3A_235 = arith.extui %lt3A_234 : i1 to i32
    %cond3A_236 = arith.constant 0 : i32
    %cond3A_237 = arith.cmpi ne, %convert_element_type3A_235, %cond3A_236 : i32
    scf.if %cond3A_237 {
      %mul3A_455 = arith.constant 80 : i32
      %mul3A_456 = arith.muli %add3A_232, %mul3A_455 : i32
      %mul3A_457 = arith.constant 80 : i32
      %mul3A_458 = arith.muli %add3A_232, %mul3A_457 : i32
      %run_scoped3A = arith.constant 1 : i32
      "tpu.region"() ({
        %run_scoped3A_461 = tpu.sem_alloc : memref<!tpu.dma_semaphore, #tpu.memory_space<semaphore_mem>>
        %dma_start3A_462 = arith.constant 0 : i32
        %dma_start3A_463 = tpu.memref_slice %arg7[%mul3A_458, %dma_start3A_462] : memref<10000x64xf32, #tpu.memory_space<vmem_shared>> -> memref<80x64xf32, #tpu.memory_space<vmem_shared>>
        %dma_start3A_464 = arith.constant 0 : i32
        %dma_start3A_465 = tpu.memref_slice %arg2[%run_scoped3A, %mul3A_456, %dma_start3A_464] : memref<2x10000x64xf32, #tpu.memory_space<hbm>> -> memref<1x80x64xf32, #tpu.memory_space<hbm>>
        %dma_start3A_466 = tpu.memref_squeeze %dma_start3A_465 : memref<1x80x64xf32, #tpu.memory_space<hbm>> -> memref<80x64xf32, #tpu.memory_space<hbm>>
        tpu.enqueue_dma source(%dma_start3A_466 : memref<80x64xf32, #tpu.memory_space<hbm>>) target(%dma_start3A_463 : memref<80x64xf32, #tpu.memory_space<vmem_shared>>) target_semaphore(%run_scoped3A_461 : memref<!tpu.dma_semaphore, #tpu.memory_space<semaphore_mem>>)
        %dma_wait3A_467 = arith.constant 0 : i32
        %dma_wait3A_468 = tpu.memref_slice %arg7[%mul3A_458, %dma_wait3A_467] : memref<10000x64xf32, #tpu.memory_space<vmem_shared>> -> memref<80x64xf32, #tpu.memory_space<vmem_shared>>
        %dma_wait3A_469 = arith.constant 0 : i32
        %dma_wait3A_470 = tpu.memref_slice %arg2[%run_scoped3A, %mul3A_456, %dma_wait3A_469] : memref<2x10000x64xf32, #tpu.memory_space<hbm>> -> memref<1x80x64xf32, #tpu.memory_space<hbm>>
        %dma_wait3A_471 = tpu.memref_squeeze %dma_wait3A_470 : memref<1x80x64xf32, #tpu.memory_space<hbm>> -> memref<80x64xf32, #tpu.memory_space<hbm>>
        tpu.wait_dma2 semaphore(%run_scoped3A_461 : memref<!tpu.dma_semaphore, #tpu.memory_space<semaphore_mem>>) src(%dma_wait3A_471 : memref<80x64xf32, #tpu.memory_space<hbm>>) dst(%dma_wait3A_468 : memref<80x64xf32, #tpu.memory_space<vmem_shared>>)
        tpu.yield
      }) : () -> ()
      %mul3A_459 = arith.constant 80 : i32
      %mul3A_460 = arith.muli %add3A_232, %mul3A_459 : i32
      "tpu.region"() ({
        %run_scoped3A_461 = tpu.sem_alloc : memref<!tpu.dma_semaphore, #tpu.memory_space<semaphore_mem>>
        %dma_start3A_462 = arith.constant 0 : i32
        %dma_start3A_463 = arith.constant 0 : i32
        %dma_start3A_464 = tpu.memref_slice %arg9[%dma_start3A_462, %dma_start3A_463] : memref<128x64xf32, #tpu.memory_space<vmem>> -> memref<80x64xf32, #tpu.memory_space<vmem>>
        %dma_start3A_465 = arith.constant 0 : i32
        %dma_start3A_466 = tpu.memref_slice %arg8[%mul3A_460, %dma_start3A_465] : memref<10000x64xf32, #tpu.memory_space<vmem_shared>> -> memref<80x64xf32, #tpu.memory_space<vmem_shared>>
        %dma_start3A_467 = arith.constant 0 : i32
        %dma_start3A_468 = tpu.memref_slice %arg8[%mul3A_460, %dma_start3A_467] : memref<10000x64xf32, #tpu.memory_space<vmem_shared>> -> memref<80x64xf32, #tpu.memory_space<vmem_shared>>
        %dma_start3A_469 = arith.constant 0 : i32
        %dma_start3A_470 = arith.constant 0 : i32
        %dma_start3A_471 = tpu.memref_slice %arg9[%dma_start3A_469, %dma_start3A_470] : memref<128x64xf32, #tpu.memory_space<vmem>> -> memref<80x64xf32, #tpu.memory_space<vmem>>
        tpu.enqueue_dma source(%dma_start3A_471 : memref<80x64xf32, #tpu.memory_space<vmem>>) target(%dma_start3A_468 : memref<80x64xf32, #tpu.memory_space<vmem_shared>>) target_semaphore(%run_scoped3A_461 : memref<!tpu.dma_semaphore, #tpu.memory_space<semaphore_mem>>)
        %dma_wait3A_472 = arith.constant 0 : i32
        %dma_wait3A_473 = arith.constant 0 : i32
        %dma_wait3A_474 = tpu.memref_slice %arg9[%dma_wait3A_472, %dma_wait3A_473] : memref<128x64xf32, #tpu.memory_space<vmem>> -> memref<80x64xf32, #tpu.memory_space<vmem>>
        %dma_wait3A_475 = arith.constant 0 : i32
        %dma_wait3A_476 = tpu.memref_slice %arg8[%mul3A_460, %dma_wait3A_475] : memref<10000x64xf32, #tpu.memory_space<vmem_shared>> -> memref<80x64xf32, #tpu.memory_space<vmem_shared>>
        %dma_wait3A_477 = arith.constant 0 : i32
        %dma_wait3A_478 = tpu.memref_slice %arg8[%mul3A_460, %dma_wait3A_477] : memref<10000x64xf32, #tpu.memory_space<vmem_shared>> -> memref<80x64xf32, #tpu.memory_space<vmem_shared>>
        %dma_wait3A_479 = arith.constant 0 : i32
        %dma_wait3A_480 = arith.constant 0 : i32
        %dma_wait3A_481 = tpu.memref_slice %arg9[%dma_wait3A_479, %dma_wait3A_480] : memref<128x64xf32, #tpu.memory_space<vmem>> -> memref<80x64xf32, #tpu.memory_space<vmem>>
        tpu.wait_dma2 semaphore(%run_scoped3A_461 : memref<!tpu.dma_semaphore, #tpu.memory_space<semaphore_mem>>) src(%dma_wait3A_481 : memref<80x64xf32, #tpu.memory_space<vmem>>) dst(%dma_wait3A_478 : memref<80x64xf32, #tpu.memory_space<vmem_shared>>)
        tpu.yield
      }) : () -> ()
    } else {
    }
    %add3A_238 = arith.constant 16 : i32
    %add3A_239 = arith.addi %arg1, %add3A_238 : i32
    %lt3A_240 = arith.constant 125 : i32
    %lt3A_241 = arith.cmpi slt, %add3A_239, %lt3A_240 : i32
    %convert_element_type3A_242 = arith.extui %lt3A_241 : i1 to i32
    %cond3A_243 = arith.constant 0 : i32
    %cond3A_244 = arith.cmpi ne, %convert_element_type3A_242, %cond3A_243 : i32
    scf.if %cond3A_244 {
      %mul3A_455 = arith.constant 80 : i32
      %mul3A_456 = arith.muli %add3A_239, %mul3A_455 : i32
      %mul3A_457 = arith.constant 80 : i32
      %mul3A_458 = arith.muli %add3A_239, %mul3A_457 : i32
      %run_scoped3A = arith.constant 1 : i32
      "tpu.region"() ({
        %run_scoped3A_461 = tpu.sem_alloc : memref<!tpu.dma_semaphore, #tpu.memory_space<semaphore_mem>>
        %dma_start3A_462 = arith.constant 0 : i32
        %dma_start3A_463 = tpu.memref_slice %arg7[%mul3A_458, %dma_start3A_462] : memref<10000x64xf32, #tpu.memory_space<vmem_shared>> -> memref<80x64xf32, #tpu.memory_space<vmem_shared>>
        %dma_start3A_464 = arith.constant 0 : i32
        %dma_start3A_465 = tpu.memref_slice %arg2[%run_scoped3A, %mul3A_456, %dma_start3A_464] : memref<2x10000x64xf32, #tpu.memory_space<hbm>> -> memref<1x80x64xf32, #tpu.memory_space<hbm>>
        %dma_start3A_466 = tpu.memref_squeeze %dma_start3A_465 : memref<1x80x64xf32, #tpu.memory_space<hbm>> -> memref<80x64xf32, #tpu.memory_space<hbm>>
        tpu.enqueue_dma source(%dma_start3A_466 : memref<80x64xf32, #tpu.memory_space<hbm>>) target(%dma_start3A_463 : memref<80x64xf32, #tpu.memory_space<vmem_shared>>) target_semaphore(%run_scoped3A_461 : memref<!tpu.dma_semaphore, #tpu.memory_space<semaphore_mem>>)
        %dma_wait3A_467 = arith.constant 0 : i32
        %dma_wait3A_468 = tpu.memref_slice %arg7[%mul3A_458, %dma_wait3A_467] : memref<10000x64xf32, #tpu.memory_space<vmem_shared>> -> memref<80x64xf32, #tpu.memory_space<vmem_shared>>
        %dma_wait3A_469 = arith.constant 0 : i32
        %dma_wait3A_470 = tpu.memref_slice %arg2[%run_scoped3A, %mul3A_456, %dma_wait3A_469] : memref<2x10000x64xf32, #tpu.memory_space<hbm>> -> memref<1x80x64xf32, #tpu.memory_space<hbm>>
        %dma_wait3A_471 = tpu.memref_squeeze %dma_wait3A_470 : memref<1x80x64xf32, #tpu.memory_space<hbm>> -> memref<80x64xf32, #tpu.memory_space<hbm>>
        tpu.wait_dma2 semaphore(%run_scoped3A_461 : memref<!tpu.dma_semaphore, #tpu.memory_space<semaphore_mem>>) src(%dma_wait3A_471 : memref<80x64xf32, #tpu.memory_space<hbm>>) dst(%dma_wait3A_468 : memref<80x64xf32, #tpu.memory_space<vmem_shared>>)
        tpu.yield
      }) : () -> ()
      %mul3A_459 = arith.constant 80 : i32
      %mul3A_460 = arith.muli %add3A_239, %mul3A_459 : i32
      "tpu.region"() ({
        %run_scoped3A_461 = tpu.sem_alloc : memref<!tpu.dma_semaphore, #tpu.memory_space<semaphore_mem>>
        %dma_start3A_462 = arith.constant 0 : i32
        %dma_start3A_463 = arith.constant 0 : i32
        %dma_start3A_464 = tpu.memref_slice %arg9[%dma_start3A_462, %dma_start3A_463] : memref<128x64xf32, #tpu.memory_space<vmem>> -> memref<80x64xf32, #tpu.memory_space<vmem>>
        %dma_start3A_465 = arith.constant 0 : i32
        %dma_start3A_466 = tpu.memref_slice %arg8[%mul3A_460, %dma_start3A_465] : memref<10000x64xf32, #tpu.memory_space<vmem_shared>> -> memref<80x64xf32, #tpu.memory_space<vmem_shared>>
        %dma_start3A_467 = arith.constant 0 : i32
        %dma_start3A_468 = tpu.memref_slice %arg8[%mul3A_460, %dma_start3A_467] : memref<10000x64xf32, #tpu.memory_space<vmem_shared>> -> memref<80x64xf32, #tpu.memory_space<vmem_shared>>
        %dma_start3A_469 = arith.constant 0 : i32
        %dma_start3A_470 = arith.constant 0 : i32
        %dma_start3A_471 = tpu.memref_slice %arg9[%dma_start3A_469, %dma_start3A_470] : memref<128x64xf32, #tpu.memory_space<vmem>> -> memref<80x64xf32, #tpu.memory_space<vmem>>
        tpu.enqueue_dma source(%dma_start3A_471 : memref<80x64xf32, #tpu.memory_space<vmem>>) target(%dma_start3A_468 : memref<80x64xf32, #tpu.memory_space<vmem_shared>>) target_semaphore(%run_scoped3A_461 : memref<!tpu.dma_semaphore, #tpu.memory_space<semaphore_mem>>)
        %dma_wait3A_472 = arith.constant 0 : i32
        %dma_wait3A_473 = arith.constant 0 : i32
        %dma_wait3A_474 = tpu.memref_slice %arg9[%dma_wait3A_472, %dma_wait3A_473] : memref<128x64xf32, #tpu.memory_space<vmem>> -> memref<80x64xf32, #tpu.memory_space<vmem>>
        %dma_wait3A_475 = arith.constant 0 : i32
        %dma_wait3A_476 = tpu.memref_slice %arg8[%mul3A_460, %dma_wait3A_475] : memref<10000x64xf32, #tpu.memory_space<vmem_shared>> -> memref<80x64xf32, #tpu.memory_space<vmem_shared>>
        %dma_wait3A_477 = arith.constant 0 : i32
        %dma_wait3A_478 = tpu.memref_slice %arg8[%mul3A_460, %dma_wait3A_477] : memref<10000x64xf32, #tpu.memory_space<vmem_shared>> -> memref<80x64xf32, #tpu.memory_space<vmem_shared>>
        %dma_wait3A_479 = arith.constant 0 : i32
        %dma_wait3A_480 = arith.constant 0 : i32
        %dma_wait3A_481 = tpu.memref_slice %arg9[%dma_wait3A_479, %dma_wait3A_480] : memref<128x64xf32, #tpu.memory_space<vmem>> -> memref<80x64xf32, #tpu.memory_space<vmem>>
        tpu.wait_dma2 semaphore(%run_scoped3A_461 : memref<!tpu.dma_semaphore, #tpu.memory_space<semaphore_mem>>) src(%dma_wait3A_481 : memref<80x64xf32, #tpu.memory_space<vmem>>) dst(%dma_wait3A_478 : memref<80x64xf32, #tpu.memory_space<vmem_shared>>)
        tpu.yield
      }) : () -> ()
    } else {
    }
    %add3A_245 = arith.constant 32 : i32
    %add3A_246 = arith.addi %arg1, %add3A_245 : i32
    %lt3A_247 = arith.constant 125 : i32
    %lt3A_248 = arith.cmpi slt, %add3A_246, %lt3A_247 : i32
    %convert_element_type3A_249 = arith.extui %lt3A_248 : i1 to i32
    %cond3A_250 = arith.constant 0 : i32
    %cond3A_251 = arith.cmpi ne, %convert_element_type3A_249, %cond3A_250 : i32
    scf.if %cond3A_251 {
      %mul3A_455 = arith.constant 80 : i32
      %mul3A_456 = arith.muli %add3A_246, %mul3A_455 : i32
      %mul3A_457 = arith.constant 80 : i32
      %mul3A_458 = arith.muli %add3A_246, %mul3A_457 : i32
      %run_scoped3A = arith.constant 1 : i32
      "tpu.region"() ({
        %run_scoped3A_461 = tpu.sem_alloc : memref<!tpu.dma_semaphore, #tpu.memory_space<semaphore_mem>>
        %dma_start3A_462 = arith.constant 0 : i32
        %dma_start3A_463 = tpu.memref_slice %arg7[%mul3A_458, %dma_start3A_462] : memref<10000x64xf32, #tpu.memory_space<vmem_shared>> -> memref<80x64xf32, #tpu.memory_space<vmem_shared>>
        %dma_start3A_464 = arith.constant 0 : i32
        %dma_start3A_465 = tpu.memref_slice %arg2[%run_scoped3A, %mul3A_456, %dma_start3A_464] : memref<2x10000x64xf32, #tpu.memory_space<hbm>> -> memref<1x80x64xf32, #tpu.memory_space<hbm>>
        %dma_start3A_466 = tpu.memref_squeeze %dma_start3A_465 : memref<1x80x64xf32, #tpu.memory_space<hbm>> -> memref<80x64xf32, #tpu.memory_space<hbm>>
        tpu.enqueue_dma source(%dma_start3A_466 : memref<80x64xf32, #tpu.memory_space<hbm>>) target(%dma_start3A_463 : memref<80x64xf32, #tpu.memory_space<vmem_shared>>) target_semaphore(%run_scoped3A_461 : memref<!tpu.dma_semaphore, #tpu.memory_space<semaphore_mem>>)
        %dma_wait3A_467 = arith.constant 0 : i32
        %dma_wait3A_468 = tpu.memref_slice %arg7[%mul3A_458, %dma_wait3A_467] : memref<10000x64xf32, #tpu.memory_space<vmem_shared>> -> memref<80x64xf32, #tpu.memory_space<vmem_shared>>
        %dma_wait3A_469 = arith.constant 0 : i32
        %dma_wait3A_470 = tpu.memref_slice %arg2[%run_scoped3A, %mul3A_456, %dma_wait3A_469] : memref<2x10000x64xf32, #tpu.memory_space<hbm>> -> memref<1x80x64xf32, #tpu.memory_space<hbm>>
        %dma_wait3A_471 = tpu.memref_squeeze %dma_wait3A_470 : memref<1x80x64xf32, #tpu.memory_space<hbm>> -> memref<80x64xf32, #tpu.memory_space<hbm>>
        tpu.wait_dma2 semaphore(%run_scoped3A_461 : memref<!tpu.dma_semaphore, #tpu.memory_space<semaphore_mem>>) src(%dma_wait3A_471 : memref<80x64xf32, #tpu.memory_space<hbm>>) dst(%dma_wait3A_468 : memref<80x64xf32, #tpu.memory_space<vmem_shared>>)
        tpu.yield
      }) : () -> ()
      %mul3A_459 = arith.constant 80 : i32
      %mul3A_460 = arith.muli %add3A_246, %mul3A_459 : i32
      "tpu.region"() ({
        %run_scoped3A_461 = tpu.sem_alloc : memref<!tpu.dma_semaphore, #tpu.memory_space<semaphore_mem>>
        %dma_start3A_462 = arith.constant 0 : i32
        %dma_start3A_463 = arith.constant 0 : i32
        %dma_start3A_464 = tpu.memref_slice %arg9[%dma_start3A_462, %dma_start3A_463] : memref<128x64xf32, #tpu.memory_space<vmem>> -> memref<80x64xf32, #tpu.memory_space<vmem>>
        %dma_start3A_465 = arith.constant 0 : i32
        %dma_start3A_466 = tpu.memref_slice %arg8[%mul3A_460, %dma_start3A_465] : memref<10000x64xf32, #tpu.memory_space<vmem_shared>> -> memref<80x64xf32, #tpu.memory_space<vmem_shared>>
        %dma_start3A_467 = arith.constant 0 : i32
        %dma_start3A_468 = tpu.memref_slice %arg8[%mul3A_460, %dma_start3A_467] : memref<10000x64xf32, #tpu.memory_space<vmem_shared>> -> memref<80x64xf32, #tpu.memory_space<vmem_shared>>
        %dma_start3A_469 = arith.constant 0 : i32
        %dma_start3A_470 = arith.constant 0 : i32
        %dma_start3A_471 = tpu.memref_slice %arg9[%dma_start3A_469, %dma_start3A_470] : memref<128x64xf32, #tpu.memory_space<vmem>> -> memref<80x64xf32, #tpu.memory_space<vmem>>
        tpu.enqueue_dma source(%dma_start3A_471 : memref<80x64xf32, #tpu.memory_space<vmem>>) target(%dma_start3A_468 : memref<80x64xf32, #tpu.memory_space<vmem_shared>>) target_semaphore(%run_scoped3A_461 : memref<!tpu.dma_semaphore, #tpu.memory_space<semaphore_mem>>)
        %dma_wait3A_472 = arith.constant 0 : i32
        %dma_wait3A_473 = arith.constant 0 : i32
        %dma_wait3A_474 = tpu.memref_slice %arg9[%dma_wait3A_472, %dma_wait3A_473] : memref<128x64xf32, #tpu.memory_space<vmem>> -> memref<80x64xf32, #tpu.memory_space<vmem>>
        %dma_wait3A_475 = arith.constant 0 : i32
        %dma_wait3A_476 = tpu.memref_slice %arg8[%mul3A_460, %dma_wait3A_475] : memref<10000x64xf32, #tpu.memory_space<vmem_shared>> -> memref<80x64xf32, #tpu.memory_space<vmem_shared>>
        %dma_wait3A_477 = arith.constant 0 : i32
        %dma_wait3A_478 = tpu.memref_slice %arg8[%mul3A_460, %dma_wait3A_477] : memref<10000x64xf32, #tpu.memory_space<vmem_shared>> -> memref<80x64xf32, #tpu.memory_space<vmem_shared>>
        %dma_wait3A_479 = arith.constant 0 : i32
        %dma_wait3A_480 = arith.constant 0 : i32
        %dma_wait3A_481 = tpu.memref_slice %arg9[%dma_wait3A_479, %dma_wait3A_480] : memref<128x64xf32, #tpu.memory_space<vmem>> -> memref<80x64xf32, #tpu.memory_space<vmem>>
        tpu.wait_dma2 semaphore(%run_scoped3A_461 : memref<!tpu.dma_semaphore, #tpu.memory_space<semaphore_mem>>) src(%dma_wait3A_481 : memref<80x64xf32, #tpu.memory_space<vmem>>) dst(%dma_wait3A_478 : memref<80x64xf32, #tpu.memory_space<vmem_shared>>)
        tpu.yield
      }) : () -> ()
    } else {
    }
    %add3A_252 = arith.constant 48 : i32
    %add3A_253 = arith.addi %arg1, %add3A_252 : i32
    %lt3A_254 = arith.constant 125 : i32
    %lt3A_255 = arith.cmpi slt, %add3A_253, %lt3A_254 : i32
    %convert_element_type3A_256 = arith.extui %lt3A_255 : i1 to i32
    %cond3A_257 = arith.constant 0 : i32
    %cond3A_258 = arith.cmpi ne, %convert_element_type3A_256, %cond3A_257 : i32
    scf.if %cond3A_258 {
      %mul3A_455 = arith.constant 80 : i32
      %mul3A_456 = arith.muli %add3A_253, %mul3A_455 : i32
      %mul3A_457 = arith.constant 80 : i32
      %mul3A_458 = arith.muli %add3A_253, %mul3A_457 : i32
      %run_scoped3A = arith.constant 1 : i32
      "tpu.region"() ({
        %run_scoped3A_461 = tpu.sem_alloc : memref<!tpu.dma_semaphore, #tpu.memory_space<semaphore_mem>>
        %dma_start3A_462 = arith.constant 0 : i32
        %dma_start3A_463 = tpu.memref_slice %arg7[%mul3A_458, %dma_start3A_462] : memref<10000x64xf32, #tpu.memory_space<vmem_shared>> -> memref<80x64xf32, #tpu.memory_space<vmem_shared>>
        %dma_start3A_464 = arith.constant 0 : i32
        %dma_start3A_465 = tpu.memref_slice %arg2[%run_scoped3A, %mul3A_456, %dma_start3A_464] : memref<2x10000x64xf32, #tpu.memory_space<hbm>> -> memref<1x80x64xf32, #tpu.memory_space<hbm>>
        %dma_start3A_466 = tpu.memref_squeeze %dma_start3A_465 : memref<1x80x64xf32, #tpu.memory_space<hbm>> -> memref<80x64xf32, #tpu.memory_space<hbm>>
        tpu.enqueue_dma source(%dma_start3A_466 : memref<80x64xf32, #tpu.memory_space<hbm>>) target(%dma_start3A_463 : memref<80x64xf32, #tpu.memory_space<vmem_shared>>) target_semaphore(%run_scoped3A_461 : memref<!tpu.dma_semaphore, #tpu.memory_space<semaphore_mem>>)
        %dma_wait3A_467 = arith.constant 0 : i32
        %dma_wait3A_468 = tpu.memref_slice %arg7[%mul3A_458, %dma_wait3A_467] : memref<10000x64xf32, #tpu.memory_space<vmem_shared>> -> memref<80x64xf32, #tpu.memory_space<vmem_shared>>
        %dma_wait3A_469 = arith.constant 0 : i32
        %dma_wait3A_470 = tpu.memref_slice %arg2[%run_scoped3A, %mul3A_456, %dma_wait3A_469] : memref<2x10000x64xf32, #tpu.memory_space<hbm>> -> memref<1x80x64xf32, #tpu.memory_space<hbm>>
        %dma_wait3A_471 = tpu.memref_squeeze %dma_wait3A_470 : memref<1x80x64xf32, #tpu.memory_space<hbm>> -> memref<80x64xf32, #tpu.memory_space<hbm>>
        tpu.wait_dma2 semaphore(%run_scoped3A_461 : memref<!tpu.dma_semaphore, #tpu.memory_space<semaphore_mem>>) src(%dma_wait3A_471 : memref<80x64xf32, #tpu.memory_space<hbm>>) dst(%dma_wait3A_468 : memref<80x64xf32, #tpu.memory_space<vmem_shared>>)
        tpu.yield
      }) : () -> ()
      %mul3A_459 = arith.constant 80 : i32
      %mul3A_460 = arith.muli %add3A_253, %mul3A_459 : i32
      "tpu.region"() ({
        %run_scoped3A_461 = tpu.sem_alloc : memref<!tpu.dma_semaphore, #tpu.memory_space<semaphore_mem>>
        %dma_start3A_462 = arith.constant 0 : i32
        %dma_start3A_463 = arith.constant 0 : i32
        %dma_start3A_464 = tpu.memref_slice %arg9[%dma_start3A_462, %dma_start3A_463] : memref<128x64xf32, #tpu.memory_space<vmem>> -> memref<80x64xf32, #tpu.memory_space<vmem>>
        %dma_start3A_465 = arith.constant 0 : i32
        %dma_start3A_466 = tpu.memref_slice %arg8[%mul3A_460, %dma_start3A_465] : memref<10000x64xf32, #tpu.memory_space<vmem_shared>> -> memref<80x64xf32, #tpu.memory_space<vmem_shared>>
        %dma_start3A_467 = arith.constant 0 : i32
        %dma_start3A_468 = tpu.memref_slice %arg8[%mul3A_460, %dma_start3A_467] : memref<10000x64xf32, #tpu.memory_space<vmem_shared>> -> memref<80x64xf32, #tpu.memory_space<vmem_shared>>
        %dma_start3A_469 = arith.constant 0 : i32
        %dma_start3A_470 = arith.constant 0 : i32
        %dma_start3A_471 = tpu.memref_slice %arg9[%dma_start3A_469, %dma_start3A_470] : memref<128x64xf32, #tpu.memory_space<vmem>> -> memref<80x64xf32, #tpu.memory_space<vmem>>
        tpu.enqueue_dma source(%dma_start3A_471 : memref<80x64xf32, #tpu.memory_space<vmem>>) target(%dma_start3A_468 : memref<80x64xf32, #tpu.memory_space<vmem_shared>>) target_semaphore(%run_scoped3A_461 : memref<!tpu.dma_semaphore, #tpu.memory_space<semaphore_mem>>)
        %dma_wait3A_472 = arith.constant 0 : i32
        %dma_wait3A_473 = arith.constant 0 : i32
        %dma_wait3A_474 = tpu.memref_slice %arg9[%dma_wait3A_472, %dma_wait3A_473] : memref<128x64xf32, #tpu.memory_space<vmem>> -> memref<80x64xf32, #tpu.memory_space<vmem>>
        %dma_wait3A_475 = arith.constant 0 : i32
        %dma_wait3A_476 = tpu.memref_slice %arg8[%mul3A_460, %dma_wait3A_475] : memref<10000x64xf32, #tpu.memory_space<vmem_shared>> -> memref<80x64xf32, #tpu.memory_space<vmem_shared>>
        %dma_wait3A_477 = arith.constant 0 : i32
        %dma_wait3A_478 = tpu.memref_slice %arg8[%mul3A_460, %dma_wait3A_477] : memref<10000x64xf32, #tpu.memory_space<vmem_shared>> -> memref<80x64xf32, #tpu.memory_space<vmem_shared>>
        %dma_wait3A_479 = arith.constant 0 : i32
        %dma_wait3A_480 = arith.constant 0 : i32
        %dma_wait3A_481 = tpu.memref_slice %arg9[%dma_wait3A_479, %dma_wait3A_480] : memref<128x64xf32, #tpu.memory_space<vmem>> -> memref<80x64xf32, #tpu.memory_space<vmem>>
        tpu.wait_dma2 semaphore(%run_scoped3A_461 : memref<!tpu.dma_semaphore, #tpu.memory_space<semaphore_mem>>) src(%dma_wait3A_481 : memref<80x64xf32, #tpu.memory_space<vmem>>) dst(%dma_wait3A_478 : memref<80x64xf32, #tpu.memory_space<vmem_shared>>)
        tpu.yield
      }) : () -> ()
    } else {
    }
    %add3A_259 = arith.constant 64 : i32
    %add3A_260 = arith.addi %arg1, %add3A_259 : i32
    %lt3A_261 = arith.constant 125 : i32
    %lt3A_262 = arith.cmpi slt, %add3A_260, %lt3A_261 : i32
    %convert_element_type3A_263 = arith.extui %lt3A_262 : i1 to i32
    %cond3A_264 = arith.constant 0 : i32
    %cond3A_265 = arith.cmpi ne, %convert_element_type3A_263, %cond3A_264 : i32
    scf.if %cond3A_265 {
      %mul3A_455 = arith.constant 80 : i32
      %mul3A_456 = arith.muli %add3A_260, %mul3A_455 : i32
      %mul3A_457 = arith.constant 80 : i32
      %mul3A_458 = arith.muli %add3A_260, %mul3A_457 : i32
      %run_scoped3A = arith.constant 1 : i32
      "tpu.region"() ({
        %run_scoped3A_461 = tpu.sem_alloc : memref<!tpu.dma_semaphore, #tpu.memory_space<semaphore_mem>>
        %dma_start3A_462 = arith.constant 0 : i32
        %dma_start3A_463 = tpu.memref_slice %arg7[%mul3A_458, %dma_start3A_462] : memref<10000x64xf32, #tpu.memory_space<vmem_shared>> -> memref<80x64xf32, #tpu.memory_space<vmem_shared>>
        %dma_start3A_464 = arith.constant 0 : i32
        %dma_start3A_465 = tpu.memref_slice %arg2[%run_scoped3A, %mul3A_456, %dma_start3A_464] : memref<2x10000x64xf32, #tpu.memory_space<hbm>> -> memref<1x80x64xf32, #tpu.memory_space<hbm>>
        %dma_start3A_466 = tpu.memref_squeeze %dma_start3A_465 : memref<1x80x64xf32, #tpu.memory_space<hbm>> -> memref<80x64xf32, #tpu.memory_space<hbm>>
        tpu.enqueue_dma source(%dma_start3A_466 : memref<80x64xf32, #tpu.memory_space<hbm>>) target(%dma_start3A_463 : memref<80x64xf32, #tpu.memory_space<vmem_shared>>) target_semaphore(%run_scoped3A_461 : memref<!tpu.dma_semaphore, #tpu.memory_space<semaphore_mem>>)
        %dma_wait3A_467 = arith.constant 0 : i32
        %dma_wait3A_468 = tpu.memref_slice %arg7[%mul3A_458, %dma_wait3A_467] : memref<10000x64xf32, #tpu.memory_space<vmem_shared>> -> memref<80x64xf32, #tpu.memory_space<vmem_shared>>
        %dma_wait3A_469 = arith.constant 0 : i32
        %dma_wait3A_470 = tpu.memref_slice %arg2[%run_scoped3A, %mul3A_456, %dma_wait3A_469] : memref<2x10000x64xf32, #tpu.memory_space<hbm>> -> memref<1x80x64xf32, #tpu.memory_space<hbm>>
        %dma_wait3A_471 = tpu.memref_squeeze %dma_wait3A_470 : memref<1x80x64xf32, #tpu.memory_space<hbm>> -> memref<80x64xf32, #tpu.memory_space<hbm>>
        tpu.wait_dma2 semaphore(%run_scoped3A_461 : memref<!tpu.dma_semaphore, #tpu.memory_space<semaphore_mem>>) src(%dma_wait3A_471 : memref<80x64xf32, #tpu.memory_space<hbm>>) dst(%dma_wait3A_468 : memref<80x64xf32, #tpu.memory_space<vmem_shared>>)
        tpu.yield
      }) : () -> ()
      %mul3A_459 = arith.constant 80 : i32
      %mul3A_460 = arith.muli %add3A_260, %mul3A_459 : i32
      "tpu.region"() ({
        %run_scoped3A_461 = tpu.sem_alloc : memref<!tpu.dma_semaphore, #tpu.memory_space<semaphore_mem>>
        %dma_start3A_462 = arith.constant 0 : i32
        %dma_start3A_463 = arith.constant 0 : i32
        %dma_start3A_464 = tpu.memref_slice %arg9[%dma_start3A_462, %dma_start3A_463] : memref<128x64xf32, #tpu.memory_space<vmem>> -> memref<80x64xf32, #tpu.memory_space<vmem>>
        %dma_start3A_465 = arith.constant 0 : i32
        %dma_start3A_466 = tpu.memref_slice %arg8[%mul3A_460, %dma_start3A_465] : memref<10000x64xf32, #tpu.memory_space<vmem_shared>> -> memref<80x64xf32, #tpu.memory_space<vmem_shared>>
        %dma_start3A_467 = arith.constant 0 : i32
        %dma_start3A_468 = tpu.memref_slice %arg8[%mul3A_460, %dma_start3A_467] : memref<10000x64xf32, #tpu.memory_space<vmem_shared>> -> memref<80x64xf32, #tpu.memory_space<vmem_shared>>
        %dma_start3A_469 = arith.constant 0 : i32
        %dma_start3A_470 = arith.constant 0 : i32
        %dma_start3A_471 = tpu.memref_slice %arg9[%dma_start3A_469, %dma_start3A_470] : memref<128x64xf32, #tpu.memory_space<vmem>> -> memref<80x64xf32, #tpu.memory_space<vmem>>
        tpu.enqueue_dma source(%dma_start3A_471 : memref<80x64xf32, #tpu.memory_space<vmem>>) target(%dma_start3A_468 : memref<80x64xf32, #tpu.memory_space<vmem_shared>>) target_semaphore(%run_scoped3A_461 : memref<!tpu.dma_semaphore, #tpu.memory_space<semaphore_mem>>)
        %dma_wait3A_472 = arith.constant 0 : i32
        %dma_wait3A_473 = arith.constant 0 : i32
        %dma_wait3A_474 = tpu.memref_slice %arg9[%dma_wait3A_472, %dma_wait3A_473] : memref<128x64xf32, #tpu.memory_space<vmem>> -> memref<80x64xf32, #tpu.memory_space<vmem>>
        %dma_wait3A_475 = arith.constant 0 : i32
        %dma_wait3A_476 = tpu.memref_slice %arg8[%mul3A_460, %dma_wait3A_475] : memref<10000x64xf32, #tpu.memory_space<vmem_shared>> -> memref<80x64xf32, #tpu.memory_space<vmem_shared>>
        %dma_wait3A_477 = arith.constant 0 : i32
        %dma_wait3A_478 = tpu.memref_slice %arg8[%mul3A_460, %dma_wait3A_477] : memref<10000x64xf32, #tpu.memory_space<vmem_shared>> -> memref<80x64xf32, #tpu.memory_space<vmem_shared>>
        %dma_wait3A_479 = arith.constant 0 : i32
        %dma_wait3A_480 = arith.constant 0 : i32
        %dma_wait3A_481 = tpu.memref_slice %arg9[%dma_wait3A_479, %dma_wait3A_480] : memref<128x64xf32, #tpu.memory_space<vmem>> -> memref<80x64xf32, #tpu.memory_space<vmem>>
        tpu.wait_dma2 semaphore(%run_scoped3A_461 : memref<!tpu.dma_semaphore, #tpu.memory_space<semaphore_mem>>) src(%dma_wait3A_481 : memref<80x64xf32, #tpu.memory_space<vmem>>) dst(%dma_wait3A_478 : memref<80x64xf32, #tpu.memory_space<vmem_shared>>)
        tpu.yield
      }) : () -> ()
    } else {
    }
    %add3A_266 = arith.constant 80 : i32
    %add3A_267 = arith.addi %arg1, %add3A_266 : i32
    %lt3A_268 = arith.constant 125 : i32
    %lt3A_269 = arith.cmpi slt, %add3A_267, %lt3A_268 : i32
    %convert_element_type3A_270 = arith.extui %lt3A_269 : i1 to i32
    %cond3A_271 = arith.constant 0 : i32
    %cond3A_272 = arith.cmpi ne, %convert_element_type3A_270, %cond3A_271 : i32
    scf.if %cond3A_272 {
      %mul3A_455 = arith.constant 80 : i32
      %mul3A_456 = arith.muli %add3A_267, %mul3A_455 : i32
      %mul3A_457 = arith.constant 80 : i32
      %mul3A_458 = arith.muli %add3A_267, %mul3A_457 : i32
      %run_scoped3A = arith.constant 1 : i32
      "tpu.region"() ({
        %run_scoped3A_461 = tpu.sem_alloc : memref<!tpu.dma_semaphore, #tpu.memory_space<semaphore_mem>>
        %dma_start3A_462 = arith.constant 0 : i32
        %dma_start3A_463 = tpu.memref_slice %arg7[%mul3A_458, %dma_start3A_462] : memref<10000x64xf32, #tpu.memory_space<vmem_shared>> -> memref<80x64xf32, #tpu.memory_space<vmem_shared>>
        %dma_start3A_464 = arith.constant 0 : i32
        %dma_start3A_465 = tpu.memref_slice %arg2[%run_scoped3A, %mul3A_456, %dma_start3A_464] : memref<2x10000x64xf32, #tpu.memory_space<hbm>> -> memref<1x80x64xf32, #tpu.memory_space<hbm>>
        %dma_start3A_466 = tpu.memref_squeeze %dma_start3A_465 : memref<1x80x64xf32, #tpu.memory_space<hbm>> -> memref<80x64xf32, #tpu.memory_space<hbm>>
        tpu.enqueue_dma source(%dma_start3A_466 : memref<80x64xf32, #tpu.memory_space<hbm>>) target(%dma_start3A_463 : memref<80x64xf32, #tpu.memory_space<vmem_shared>>) target_semaphore(%run_scoped3A_461 : memref<!tpu.dma_semaphore, #tpu.memory_space<semaphore_mem>>)
        %dma_wait3A_467 = arith.constant 0 : i32
        %dma_wait3A_468 = tpu.memref_slice %arg7[%mul3A_458, %dma_wait3A_467] : memref<10000x64xf32, #tpu.memory_space<vmem_shared>> -> memref<80x64xf32, #tpu.memory_space<vmem_shared>>
        %dma_wait3A_469 = arith.constant 0 : i32
        %dma_wait3A_470 = tpu.memref_slice %arg2[%run_scoped3A, %mul3A_456, %dma_wait3A_469] : memref<2x10000x64xf32, #tpu.memory_space<hbm>> -> memref<1x80x64xf32, #tpu.memory_space<hbm>>
        %dma_wait3A_471 = tpu.memref_squeeze %dma_wait3A_470 : memref<1x80x64xf32, #tpu.memory_space<hbm>> -> memref<80x64xf32, #tpu.memory_space<hbm>>
        tpu.wait_dma2 semaphore(%run_scoped3A_461 : memref<!tpu.dma_semaphore, #tpu.memory_space<semaphore_mem>>) src(%dma_wait3A_471 : memref<80x64xf32, #tpu.memory_space<hbm>>) dst(%dma_wait3A_468 : memref<80x64xf32, #tpu.memory_space<vmem_shared>>)
        tpu.yield
      }) : () -> ()
      %mul3A_459 = arith.constant 80 : i32
      %mul3A_460 = arith.muli %add3A_267, %mul3A_459 : i32
      "tpu.region"() ({
        %run_scoped3A_461 = tpu.sem_alloc : memref<!tpu.dma_semaphore, #tpu.memory_space<semaphore_mem>>
        %dma_start3A_462 = arith.constant 0 : i32
        %dma_start3A_463 = arith.constant 0 : i32
        %dma_start3A_464 = tpu.memref_slice %arg9[%dma_start3A_462, %dma_start3A_463] : memref<128x64xf32, #tpu.memory_space<vmem>> -> memref<80x64xf32, #tpu.memory_space<vmem>>
        %dma_start3A_465 = arith.constant 0 : i32
        %dma_start3A_466 = tpu.memref_slice %arg8[%mul3A_460, %dma_start3A_465] : memref<10000x64xf32, #tpu.memory_space<vmem_shared>> -> memref<80x64xf32, #tpu.memory_space<vmem_shared>>
        %dma_start3A_467 = arith.constant 0 : i32
        %dma_start3A_468 = tpu.memref_slice %arg8[%mul3A_460, %dma_start3A_467] : memref<10000x64xf32, #tpu.memory_space<vmem_shared>> -> memref<80x64xf32, #tpu.memory_space<vmem_shared>>
        %dma_start3A_469 = arith.constant 0 : i32
        %dma_start3A_470 = arith.constant 0 : i32
        %dma_start3A_471 = tpu.memref_slice %arg9[%dma_start3A_469, %dma_start3A_470] : memref<128x64xf32, #tpu.memory_space<vmem>> -> memref<80x64xf32, #tpu.memory_space<vmem>>
        tpu.enqueue_dma source(%dma_start3A_471 : memref<80x64xf32, #tpu.memory_space<vmem>>) target(%dma_start3A_468 : memref<80x64xf32, #tpu.memory_space<vmem_shared>>) target_semaphore(%run_scoped3A_461 : memref<!tpu.dma_semaphore, #tpu.memory_space<semaphore_mem>>)
        %dma_wait3A_472 = arith.constant 0 : i32
        %dma_wait3A_473 = arith.constant 0 : i32
        %dma_wait3A_474 = tpu.memref_slice %arg9[%dma_wait3A_472, %dma_wait3A_473] : memref<128x64xf32, #tpu.memory_space<vmem>> -> memref<80x64xf32, #tpu.memory_space<vmem>>
        %dma_wait3A_475 = arith.constant 0 : i32
        %dma_wait3A_476 = tpu.memref_slice %arg8[%mul3A_460, %dma_wait3A_475] : memref<10000x64xf32, #tpu.memory_space<vmem_shared>> -> memref<80x64xf32, #tpu.memory_space<vmem_shared>>
        %dma_wait3A_477 = arith.constant 0 : i32
        %dma_wait3A_478 = tpu.memref_slice %arg8[%mul3A_460, %dma_wait3A_477] : memref<10000x64xf32, #tpu.memory_space<vmem_shared>> -> memref<80x64xf32, #tpu.memory_space<vmem_shared>>
        %dma_wait3A_479 = arith.constant 0 : i32
        %dma_wait3A_480 = arith.constant 0 : i32
        %dma_wait3A_481 = tpu.memref_slice %arg9[%dma_wait3A_479, %dma_wait3A_480] : memref<128x64xf32, #tpu.memory_space<vmem>> -> memref<80x64xf32, #tpu.memory_space<vmem>>
        tpu.wait_dma2 semaphore(%run_scoped3A_461 : memref<!tpu.dma_semaphore, #tpu.memory_space<semaphore_mem>>) src(%dma_wait3A_481 : memref<80x64xf32, #tpu.memory_space<vmem>>) dst(%dma_wait3A_478 : memref<80x64xf32, #tpu.memory_space<vmem_shared>>)
        tpu.yield
      }) : () -> ()
    } else {
    }
    %add3A_273 = arith.constant 96 : i32
    %add3A_274 = arith.addi %arg1, %add3A_273 : i32
    %lt3A_275 = arith.constant 125 : i32
    %lt3A_276 = arith.cmpi slt, %add3A_274, %lt3A_275 : i32
    %convert_element_type3A_277 = arith.extui %lt3A_276 : i1 to i32
    %cond3A_278 = arith.constant 0 : i32
    %cond3A_279 = arith.cmpi ne, %convert_element_type3A_277, %cond3A_278 : i32
    scf.if %cond3A_279 {
      %mul3A_455 = arith.constant 80 : i32
      %mul3A_456 = arith.muli %add3A_274, %mul3A_455 : i32
      %mul3A_457 = arith.constant 80 : i32
      %mul3A_458 = arith.muli %add3A_274, %mul3A_457 : i32
      %run_scoped3A = arith.constant 1 : i32
      "tpu.region"() ({
        %run_scoped3A_461 = tpu.sem_alloc : memref<!tpu.dma_semaphore, #tpu.memory_space<semaphore_mem>>
        %dma_start3A_462 = arith.constant 0 : i32
        %dma_start3A_463 = tpu.memref_slice %arg7[%mul3A_458, %dma_start3A_462] : memref<10000x64xf32, #tpu.memory_space<vmem_shared>> -> memref<80x64xf32, #tpu.memory_space<vmem_shared>>
        %dma_start3A_464 = arith.constant 0 : i32
        %dma_start3A_465 = tpu.memref_slice %arg2[%run_scoped3A, %mul3A_456, %dma_start3A_464] : memref<2x10000x64xf32, #tpu.memory_space<hbm>> -> memref<1x80x64xf32, #tpu.memory_space<hbm>>
        %dma_start3A_466 = tpu.memref_squeeze %dma_start3A_465 : memref<1x80x64xf32, #tpu.memory_space<hbm>> -> memref<80x64xf32, #tpu.memory_space<hbm>>
        tpu.enqueue_dma source(%dma_start3A_466 : memref<80x64xf32, #tpu.memory_space<hbm>>) target(%dma_start3A_463 : memref<80x64xf32, #tpu.memory_space<vmem_shared>>) target_semaphore(%run_scoped3A_461 : memref<!tpu.dma_semaphore, #tpu.memory_space<semaphore_mem>>)
        %dma_wait3A_467 = arith.constant 0 : i32
        %dma_wait3A_468 = tpu.memref_slice %arg7[%mul3A_458, %dma_wait3A_467] : memref<10000x64xf32, #tpu.memory_space<vmem_shared>> -> memref<80x64xf32, #tpu.memory_space<vmem_shared>>
        %dma_wait3A_469 = arith.constant 0 : i32
        %dma_wait3A_470 = tpu.memref_slice %arg2[%run_scoped3A, %mul3A_456, %dma_wait3A_469] : memref<2x10000x64xf32, #tpu.memory_space<hbm>> -> memref<1x80x64xf32, #tpu.memory_space<hbm>>
        %dma_wait3A_471 = tpu.memref_squeeze %dma_wait3A_470 : memref<1x80x64xf32, #tpu.memory_space<hbm>> -> memref<80x64xf32, #tpu.memory_space<hbm>>
        tpu.wait_dma2 semaphore(%run_scoped3A_461 : memref<!tpu.dma_semaphore, #tpu.memory_space<semaphore_mem>>) src(%dma_wait3A_471 : memref<80x64xf32, #tpu.memory_space<hbm>>) dst(%dma_wait3A_468 : memref<80x64xf32, #tpu.memory_space<vmem_shared>>)
        tpu.yield
      }) : () -> ()
      %mul3A_459 = arith.constant 80 : i32
      %mul3A_460 = arith.muli %add3A_274, %mul3A_459 : i32
      "tpu.region"() ({
        %run_scoped3A_461 = tpu.sem_alloc : memref<!tpu.dma_semaphore, #tpu.memory_space<semaphore_mem>>
        %dma_start3A_462 = arith.constant 0 : i32
        %dma_start3A_463 = arith.constant 0 : i32
        %dma_start3A_464 = tpu.memref_slice %arg9[%dma_start3A_462, %dma_start3A_463] : memref<128x64xf32, #tpu.memory_space<vmem>> -> memref<80x64xf32, #tpu.memory_space<vmem>>
        %dma_start3A_465 = arith.constant 0 : i32
        %dma_start3A_466 = tpu.memref_slice %arg8[%mul3A_460, %dma_start3A_465] : memref<10000x64xf32, #tpu.memory_space<vmem_shared>> -> memref<80x64xf32, #tpu.memory_space<vmem_shared>>
        %dma_start3A_467 = arith.constant 0 : i32
        %dma_start3A_468 = tpu.memref_slice %arg8[%mul3A_460, %dma_start3A_467] : memref<10000x64xf32, #tpu.memory_space<vmem_shared>> -> memref<80x64xf32, #tpu.memory_space<vmem_shared>>
        %dma_start3A_469 = arith.constant 0 : i32
        %dma_start3A_470 = arith.constant 0 : i32
        %dma_start3A_471 = tpu.memref_slice %arg9[%dma_start3A_469, %dma_start3A_470] : memref<128x64xf32, #tpu.memory_space<vmem>> -> memref<80x64xf32, #tpu.memory_space<vmem>>
        tpu.enqueue_dma source(%dma_start3A_471 : memref<80x64xf32, #tpu.memory_space<vmem>>) target(%dma_start3A_468 : memref<80x64xf32, #tpu.memory_space<vmem_shared>>) target_semaphore(%run_scoped3A_461 : memref<!tpu.dma_semaphore, #tpu.memory_space<semaphore_mem>>)
        %dma_wait3A_472 = arith.constant 0 : i32
        %dma_wait3A_473 = arith.constant 0 : i32
        %dma_wait3A_474 = tpu.memref_slice %arg9[%dma_wait3A_472, %dma_wait3A_473] : memref<128x64xf32, #tpu.memory_space<vmem>> -> memref<80x64xf32, #tpu.memory_space<vmem>>
        %dma_wait3A_475 = arith.constant 0 : i32
        %dma_wait3A_476 = tpu.memref_slice %arg8[%mul3A_460, %dma_wait3A_475] : memref<10000x64xf32, #tpu.memory_space<vmem_shared>> -> memref<80x64xf32, #tpu.memory_space<vmem_shared>>
        %dma_wait3A_477 = arith.constant 0 : i32
        %dma_wait3A_478 = tpu.memref_slice %arg8[%mul3A_460, %dma_wait3A_477] : memref<10000x64xf32, #tpu.memory_space<vmem_shared>> -> memref<80x64xf32, #tpu.memory_space<vmem_shared>>
        %dma_wait3A_479 = arith.constant 0 : i32
        %dma_wait3A_480 = arith.constant 0 : i32
        %dma_wait3A_481 = tpu.memref_slice %arg9[%dma_wait3A_479, %dma_wait3A_480] : memref<128x64xf32, #tpu.memory_space<vmem>> -> memref<80x64xf32, #tpu.memory_space<vmem>>
        tpu.wait_dma2 semaphore(%run_scoped3A_461 : memref<!tpu.dma_semaphore, #tpu.memory_space<semaphore_mem>>) src(%dma_wait3A_481 : memref<80x64xf32, #tpu.memory_space<vmem>>) dst(%dma_wait3A_478 : memref<80x64xf32, #tpu.memory_space<vmem_shared>>)
        tpu.yield
      }) : () -> ()
    } else {
    }
    %add3A_280 = arith.constant 112 : i32
    %add3A_281 = arith.addi %arg1, %add3A_280 : i32
    %lt3A_282 = arith.constant 125 : i32
    %lt3A_283 = arith.cmpi slt, %add3A_281, %lt3A_282 : i32
    %convert_element_type3A_284 = arith.extui %lt3A_283 : i1 to i32
    %cond3A_285 = arith.constant 0 : i32
    %cond3A_286 = arith.cmpi ne, %convert_element_type3A_284, %cond3A_285 : i32
    scf.if %cond3A_286 {
      %mul3A_455 = arith.constant 80 : i32
      %mul3A_456 = arith.muli %add3A_281, %mul3A_455 : i32
      %mul3A_457 = arith.constant 80 : i32
      %mul3A_458 = arith.muli %add3A_281, %mul3A_457 : i32
      %run_scoped3A = arith.constant 1 : i32
      "tpu.region"() ({
        %run_scoped3A_461 = tpu.sem_alloc : memref<!tpu.dma_semaphore, #tpu.memory_space<semaphore_mem>>
        %dma_start3A_462 = arith.constant 0 : i32
        %dma_start3A_463 = tpu.memref_slice %arg7[%mul3A_458, %dma_start3A_462] : memref<10000x64xf32, #tpu.memory_space<vmem_shared>> -> memref<80x64xf32, #tpu.memory_space<vmem_shared>>
        %dma_start3A_464 = arith.constant 0 : i32
        %dma_start3A_465 = tpu.memref_slice %arg2[%run_scoped3A, %mul3A_456, %dma_start3A_464] : memref<2x10000x64xf32, #tpu.memory_space<hbm>> -> memref<1x80x64xf32, #tpu.memory_space<hbm>>
        %dma_start3A_466 = tpu.memref_squeeze %dma_start3A_465 : memref<1x80x64xf32, #tpu.memory_space<hbm>> -> memref<80x64xf32, #tpu.memory_space<hbm>>
        tpu.enqueue_dma source(%dma_start3A_466 : memref<80x64xf32, #tpu.memory_space<hbm>>) target(%dma_start3A_463 : memref<80x64xf32, #tpu.memory_space<vmem_shared>>) target_semaphore(%run_scoped3A_461 : memref<!tpu.dma_semaphore, #tpu.memory_space<semaphore_mem>>)
        %dma_wait3A_467 = arith.constant 0 : i32
        %dma_wait3A_468 = tpu.memref_slice %arg7[%mul3A_458, %dma_wait3A_467] : memref<10000x64xf32, #tpu.memory_space<vmem_shared>> -> memref<80x64xf32, #tpu.memory_space<vmem_shared>>
        %dma_wait3A_469 = arith.constant 0 : i32
        %dma_wait3A_470 = tpu.memref_slice %arg2[%run_scoped3A, %mul3A_456, %dma_wait3A_469] : memref<2x10000x64xf32, #tpu.memory_space<hbm>> -> memref<1x80x64xf32, #tpu.memory_space<hbm>>
        %dma_wait3A_471 = tpu.memref_squeeze %dma_wait3A_470 : memref<1x80x64xf32, #tpu.memory_space<hbm>> -> memref<80x64xf32, #tpu.memory_space<hbm>>
        tpu.wait_dma2 semaphore(%run_scoped3A_461 : memref<!tpu.dma_semaphore, #tpu.memory_space<semaphore_mem>>) src(%dma_wait3A_471 : memref<80x64xf32, #tpu.memory_space<hbm>>) dst(%dma_wait3A_468 : memref<80x64xf32, #tpu.memory_space<vmem_shared>>)
        tpu.yield
      }) : () -> ()
      %mul3A_459 = arith.constant 80 : i32
      %mul3A_460 = arith.muli %add3A_281, %mul3A_459 : i32
      "tpu.region"() ({
        %run_scoped3A_461 = tpu.sem_alloc : memref<!tpu.dma_semaphore, #tpu.memory_space<semaphore_mem>>
        %dma_start3A_462 = arith.constant 0 : i32
        %dma_start3A_463 = arith.constant 0 : i32
        %dma_start3A_464 = tpu.memref_slice %arg9[%dma_start3A_462, %dma_start3A_463] : memref<128x64xf32, #tpu.memory_space<vmem>> -> memref<80x64xf32, #tpu.memory_space<vmem>>
        %dma_start3A_465 = arith.constant 0 : i32
        %dma_start3A_466 = tpu.memref_slice %arg8[%mul3A_460, %dma_start3A_465] : memref<10000x64xf32, #tpu.memory_space<vmem_shared>> -> memref<80x64xf32, #tpu.memory_space<vmem_shared>>
        %dma_start3A_467 = arith.constant 0 : i32
        %dma_start3A_468 = tpu.memref_slice %arg8[%mul3A_460, %dma_start3A_467] : memref<10000x64xf32, #tpu.memory_space<vmem_shared>> -> memref<80x64xf32, #tpu.memory_space<vmem_shared>>
        %dma_start3A_469 = arith.constant 0 : i32
        %dma_start3A_470 = arith.constant 0 : i32
        %dma_start3A_471 = tpu.memref_slice %arg9[%dma_start3A_469, %dma_start3A_470] : memref<128x64xf32, #tpu.memory_space<vmem>> -> memref<80x64xf32, #tpu.memory_space<vmem>>
        tpu.enqueue_dma source(%dma_start3A_471 : memref<80x64xf32, #tpu.memory_space<vmem>>) target(%dma_start3A_468 : memref<80x64xf32, #tpu.memory_space<vmem_shared>>) target_semaphore(%run_scoped3A_461 : memref<!tpu.dma_semaphore, #tpu.memory_space<semaphore_mem>>)
        %dma_wait3A_472 = arith.constant 0 : i32
        %dma_wait3A_473 = arith.constant 0 : i32
        %dma_wait3A_474 = tpu.memref_slice %arg9[%dma_wait3A_472, %dma_wait3A_473] : memref<128x64xf32, #tpu.memory_space<vmem>> -> memref<80x64xf32, #tpu.memory_space<vmem>>
        %dma_wait3A_475 = arith.constant 0 : i32
        %dma_wait3A_476 = tpu.memref_slice %arg8[%mul3A_460, %dma_wait3A_475] : memref<10000x64xf32, #tpu.memory_space<vmem_shared>> -> memref<80x64xf32, #tpu.memory_space<vmem_shared>>
        %dma_wait3A_477 = arith.constant 0 : i32
        %dma_wait3A_478 = tpu.memref_slice %arg8[%mul3A_460, %dma_wait3A_477] : memref<10000x64xf32, #tpu.memory_space<vmem_shared>> -> memref<80x64xf32, #tpu.memory_space<vmem_shared>>
        %dma_wait3A_479 = arith.constant 0 : i32
        %dma_wait3A_480 = arith.constant 0 : i32
        %dma_wait3A_481 = tpu.memref_slice %arg9[%dma_wait3A_479, %dma_wait3A_480] : memref<128x64xf32, #tpu.memory_space<vmem>> -> memref<80x64xf32, #tpu.memory_space<vmem>>
        tpu.wait_dma2 semaphore(%run_scoped3A_461 : memref<!tpu.dma_semaphore, #tpu.memory_space<semaphore_mem>>) src(%dma_wait3A_481 : memref<80x64xf32, #tpu.memory_space<vmem>>) dst(%dma_wait3A_478 : memref<80x64xf32, #tpu.memory_space<vmem_shared>>)
        tpu.yield
      }) : () -> ()
    } else {
    }
    %barrier3A_287 = arith.constant 0 : index
    tpu.barrier barrier_id(%barrier3A_287)
    %dma_start3A_288 = arith.constant 0 : i32
    %dma_start3A_289 = arith.constant 0 : i32
    %dma_start3A_290 = arith.constant 0 : i32
    %dma_start3A_291 = tpu.memref_slice %arg3[%add3A, %dma_start3A_288, %dma_start3A_289, %dma_start3A_290] : memref<32x80x1x128xi32, #tpu.memory_space<hbm>> -> memref<1x1x1x128xi32, #tpu.memory_space<hbm>>
    %dma_start3A_292 = tpu.memref_squeeze %dma_start3A_291 : memref<1x1x1x128xi32, #tpu.memory_space<hbm>> -> memref<128xi32, #tpu.memory_space<hbm>>
    %dma_start3A_293 = arith.constant 0 : i32
    %dma_start3A_294 = tpu.memref_slice %arg3[%add3A, %dma_start3A_288, %dma_start3A_289, %dma_start3A_293] : memref<32x80x1x128xi32, #tpu.memory_space<hbm>> -> memref<1x1x1x128xi32, #tpu.memory_space<hbm>>
    %dma_start3A_295 = tpu.memref_squeeze %dma_start3A_294 : memref<1x1x1x128xi32, #tpu.memory_space<hbm>> -> memref<128xi32, #tpu.memory_space<hbm>>
    tpu.enqueue_dma source(%dma_start3A_295 : memref<128xi32, #tpu.memory_space<hbm>>) target(%arg11 : memref<128xi32, #tpu.memory_space<vmem>>) target_semaphore(%arg21 : memref<!tpu.dma_semaphore, #tpu.memory_space<semaphore_mem>>)
    %dma_start3A_296 = arith.constant 0 : i32
    %dma_start3A_297 = arith.constant 0 : i32
    %dma_start3A_298 = arith.constant 0 : i32
    %dma_start3A_299 = tpu.memref_slice %arg4[%add3A, %dma_start3A_296, %dma_start3A_297, %dma_start3A_298] : memref<32x80x1x128xi32, #tpu.memory_space<hbm>> -> memref<1x1x1x128xi32, #tpu.memory_space<hbm>>
    %dma_start3A_300 = tpu.memref_squeeze %dma_start3A_299 : memref<1x1x1x128xi32, #tpu.memory_space<hbm>> -> memref<128xi32, #tpu.memory_space<hbm>>
    %dma_start3A_301 = arith.constant 0 : i32
    %dma_start3A_302 = tpu.memref_slice %arg4[%add3A, %dma_start3A_296, %dma_start3A_297, %dma_start3A_301] : memref<32x80x1x128xi32, #tpu.memory_space<hbm>> -> memref<1x1x1x128xi32, #tpu.memory_space<hbm>>
    %dma_start3A_303 = tpu.memref_squeeze %dma_start3A_302 : memref<1x1x1x128xi32, #tpu.memory_space<hbm>> -> memref<128xi32, #tpu.memory_space<hbm>>
    tpu.enqueue_dma source(%dma_start3A_303 : memref<128xi32, #tpu.memory_space<hbm>>) target(%arg13 : memref<128xi32, #tpu.memory_space<vmem>>) target_semaphore(%arg23 : memref<!tpu.dma_semaphore, #tpu.memory_space<semaphore_mem>>)
    %dma_start3A_304 = arith.constant 0 : i32
    %dma_start3A_305 = arith.constant 0 : i32
    %dma_start3A_306 = arith.constant 0 : i32
    %dma_start3A_307 = tpu.memref_slice %arg5[%add3A, %dma_start3A_304, %dma_start3A_305, %dma_start3A_306] : memref<32x80x1x128xf32, #tpu.memory_space<hbm>> -> memref<1x1x1x128xf32, #tpu.memory_space<hbm>>
    %dma_start3A_308 = tpu.memref_squeeze %dma_start3A_307 : memref<1x1x1x128xf32, #tpu.memory_space<hbm>> -> memref<128xf32, #tpu.memory_space<hbm>>
    %dma_start3A_309 = arith.constant 0 : i32
    %dma_start3A_310 = tpu.memref_slice %arg5[%add3A, %dma_start3A_304, %dma_start3A_305, %dma_start3A_309] : memref<32x80x1x128xf32, #tpu.memory_space<hbm>> -> memref<1x1x1x128xf32, #tpu.memory_space<hbm>>
    %dma_start3A_311 = tpu.memref_squeeze %dma_start3A_310 : memref<1x1x1x128xf32, #tpu.memory_space<hbm>> -> memref<128xf32, #tpu.memory_space<hbm>>
    tpu.enqueue_dma source(%dma_start3A_311 : memref<128xf32, #tpu.memory_space<hbm>>) target(%arg15 : memref<128xf32, #tpu.memory_space<vmem>>) target_semaphore(%arg23 : memref<!tpu.dma_semaphore, #tpu.memory_space<semaphore_mem>>)
    %dma_start3A_312 = arith.constant 1 : i32
    %dma_start3A_313 = arith.constant 0 : i32
    %dma_start3A_314 = arith.constant 0 : i32
    %dma_start3A_315 = tpu.memref_slice %arg3[%add3A, %dma_start3A_312, %dma_start3A_313, %dma_start3A_314] : memref<32x80x1x128xi32, #tpu.memory_space<hbm>> -> memref<1x1x1x128xi32, #tpu.memory_space<hbm>>
    %dma_start3A_316 = tpu.memref_squeeze %dma_start3A_315 : memref<1x1x1x128xi32, #tpu.memory_space<hbm>> -> memref<128xi32, #tpu.memory_space<hbm>>
    %dma_start3A_317 = arith.constant 0 : i32
    %dma_start3A_318 = tpu.memref_slice %arg3[%add3A, %dma_start3A_312, %dma_start3A_313, %dma_start3A_317] : memref<32x80x1x128xi32, #tpu.memory_space<hbm>> -> memref<1x1x1x128xi32, #tpu.memory_space<hbm>>
    %dma_start3A_319 = tpu.memref_squeeze %dma_start3A_318 : memref<1x1x1x128xi32, #tpu.memory_space<hbm>> -> memref<128xi32, #tpu.memory_space<hbm>>
    tpu.enqueue_dma source(%dma_start3A_319 : memref<128xi32, #tpu.memory_space<hbm>>) target(%arg12 : memref<128xi32, #tpu.memory_space<vmem>>) target_semaphore(%arg22 : memref<!tpu.dma_semaphore, #tpu.memory_space<semaphore_mem>>)
    %dma_start3A_320 = arith.constant 1 : i32
    %dma_start3A_321 = arith.constant 0 : i32
    %dma_start3A_322 = arith.constant 0 : i32
    %dma_start3A_323 = tpu.memref_slice %arg4[%add3A, %dma_start3A_320, %dma_start3A_321, %dma_start3A_322] : memref<32x80x1x128xi32, #tpu.memory_space<hbm>> -> memref<1x1x1x128xi32, #tpu.memory_space<hbm>>
    %dma_start3A_324 = tpu.memref_squeeze %dma_start3A_323 : memref<1x1x1x128xi32, #tpu.memory_space<hbm>> -> memref<128xi32, #tpu.memory_space<hbm>>
    %dma_start3A_325 = arith.constant 0 : i32
    %dma_start3A_326 = tpu.memref_slice %arg4[%add3A, %dma_start3A_320, %dma_start3A_321, %dma_start3A_325] : memref<32x80x1x128xi32, #tpu.memory_space<hbm>> -> memref<1x1x1x128xi32, #tpu.memory_space<hbm>>
    %dma_start3A_327 = tpu.memref_squeeze %dma_start3A_326 : memref<1x1x1x128xi32, #tpu.memory_space<hbm>> -> memref<128xi32, #tpu.memory_space<hbm>>
    tpu.enqueue_dma source(%dma_start3A_327 : memref<128xi32, #tpu.memory_space<hbm>>) target(%arg14 : memref<128xi32, #tpu.memory_space<vmem>>) target_semaphore(%arg24 : memref<!tpu.dma_semaphore, #tpu.memory_space<semaphore_mem>>)
    %dma_start3A_328 = arith.constant 1 : i32
    %dma_start3A_329 = arith.constant 0 : i32
    %dma_start3A_330 = arith.constant 0 : i32
    %dma_start3A_331 = tpu.memref_slice %arg5[%add3A, %dma_start3A_328, %dma_start3A_329, %dma_start3A_330] : memref<32x80x1x128xf32, #tpu.memory_space<hbm>> -> memref<1x1x1x128xf32, #tpu.memory_space<hbm>>
    %dma_start3A_332 = tpu.memref_squeeze %dma_start3A_331 : memref<1x1x1x128xf32, #tpu.memory_space<hbm>> -> memref<128xf32, #tpu.memory_space<hbm>>
    %dma_start3A_333 = arith.constant 0 : i32
    %dma_start3A_334 = tpu.memref_slice %arg5[%add3A, %dma_start3A_328, %dma_start3A_329, %dma_start3A_333] : memref<32x80x1x128xf32, #tpu.memory_space<hbm>> -> memref<1x1x1x128xf32, #tpu.memory_space<hbm>>
    %dma_start3A_335 = tpu.memref_squeeze %dma_start3A_334 : memref<1x1x1x128xf32, #tpu.memory_space<hbm>> -> memref<128xf32, #tpu.memory_space<hbm>>
    tpu.enqueue_dma source(%dma_start3A_335 : memref<128xf32, #tpu.memory_space<hbm>>) target(%arg16 : memref<128xf32, #tpu.memory_space<vmem>>) target_semaphore(%arg24 : memref<!tpu.dma_semaphore, #tpu.memory_space<semaphore_mem>>)
    %dma_wait3A_336 = arith.constant 0 : i32
    %dma_wait3A_337 = arith.constant 0 : i32
    %dma_wait3A_338 = arith.constant 0 : i32
    %dma_wait3A_339 = tpu.memref_slice %arg3[%add3A, %dma_wait3A_336, %dma_wait3A_337, %dma_wait3A_338] : memref<32x80x1x128xi32, #tpu.memory_space<hbm>> -> memref<1x1x1x128xi32, #tpu.memory_space<hbm>>
    %dma_wait3A_340 = tpu.memref_squeeze %dma_wait3A_339 : memref<1x1x1x128xi32, #tpu.memory_space<hbm>> -> memref<128xi32, #tpu.memory_space<hbm>>
    %dma_wait3A_341 = arith.constant 0 : i32
    %dma_wait3A_342 = tpu.memref_slice %arg3[%add3A, %dma_wait3A_336, %dma_wait3A_337, %dma_wait3A_341] : memref<32x80x1x128xi32, #tpu.memory_space<hbm>> -> memref<1x1x1x128xi32, #tpu.memory_space<hbm>>
    %dma_wait3A_343 = tpu.memref_squeeze %dma_wait3A_342 : memref<1x1x1x128xi32, #tpu.memory_space<hbm>> -> memref<128xi32, #tpu.memory_space<hbm>>
    tpu.wait_dma2 semaphore(%arg21 : memref<!tpu.dma_semaphore, #tpu.memory_space<semaphore_mem>>) src(%dma_wait3A_343 : memref<128xi32, #tpu.memory_space<hbm>>) dst(%arg11 : memref<128xi32, #tpu.memory_space<vmem>>)
    %dma_start3A_344 = arith.constant 0 : i32
    %dma_start3A_345 = arith.constant 0 : i32
    %dma_start3A_346 = tpu.memref_slice %arg7[%dma_start3A_344, %dma_start3A_345] : memref<10000x64xf32, #tpu.memory_space<vmem_shared>> -> memref<10000x64xf32, #tpu.memory_space<vmem_shared>>
    tpu.enqueue_indirect_dma source(%dma_start3A_346 : memref<10000x64xf32, #tpu.memory_space<vmem_shared>>) target(%arg9 : memref<128x64xf32, #tpu.memory_space<vmem>>) offsets(%arg11 : memref<128xi32, #tpu.memory_space<vmem>>) semaphore(%arg17 : memref<!tpu.dma_semaphore, #tpu.memory_space<semaphore_mem>>)
    %dma_wait3A_347 = arith.constant 0 : i32
    %dma_wait3A_348 = arith.constant 0 : i32
    %dma_wait3A_349 = arith.constant 0 : i32
    %dma_wait3A_350 = tpu.memref_slice %arg3[%add3A, %dma_wait3A_347, %dma_wait3A_348, %dma_wait3A_349] : memref<32x80x1x128xi32, #tpu.memory_space<hbm>> -> memref<1x1x1x128xi32, #tpu.memory_space<hbm>>
    %dma_wait3A_351 = tpu.memref_squeeze %dma_wait3A_350 : memref<1x1x1x128xi32, #tpu.memory_space<hbm>> -> memref<128xi32, #tpu.memory_space<hbm>>
    %dma_wait3A_352 = arith.constant 0 : i32
    %dma_wait3A_353 = tpu.memref_slice %arg3[%add3A, %dma_wait3A_347, %dma_wait3A_348, %dma_wait3A_352] : memref<32x80x1x128xi32, #tpu.memory_space<hbm>> -> memref<1x1x1x128xi32, #tpu.memory_space<hbm>>
    %dma_wait3A_354 = tpu.memref_squeeze %dma_wait3A_353 : memref<1x1x1x128xi32, #tpu.memory_space<hbm>> -> memref<128xi32, #tpu.memory_space<hbm>>
    tpu.wait_dma2 semaphore(%arg22 : memref<!tpu.dma_semaphore, #tpu.memory_space<semaphore_mem>>) src(%dma_wait3A_354 : memref<128xi32, #tpu.memory_space<hbm>>) dst(%arg12 : memref<128xi32, #tpu.memory_space<vmem>>)
    %dma_start3A_355 = arith.constant 0 : i32
    %dma_start3A_356 = arith.constant 0 : i32
    %dma_start3A_357 = tpu.memref_slice %arg7[%dma_start3A_355, %dma_start3A_356] : memref<10000x64xf32, #tpu.memory_space<vmem_shared>> -> memref<10000x64xf32, #tpu.memory_space<vmem_shared>>
    tpu.enqueue_indirect_dma source(%dma_start3A_357 : memref<10000x64xf32, #tpu.memory_space<vmem_shared>>) target(%arg10 : memref<128x64xf32, #tpu.memory_space<vmem>>) offsets(%arg12 : memref<128xi32, #tpu.memory_space<vmem>>) semaphore(%arg18 : memref<!tpu.dma_semaphore, #tpu.memory_space<semaphore_mem>>)
    %scan3A_358 = arith.constant 0 : i32
    %scan3A_359 = arith.constant 0 : i32
    %scan3A_360 = arith.constant 39 : i32
    %scan3A_361 = arith.addi %scan3A_359, %scan3A_360 : i32
    %scan3A_362 = arith.constant 1 : i32
    scf.for %scan3A_455 = %scan3A_359 to %scan3A_361 step %scan3A_362  : i32 {
      %mul3A_456 = arith.constant 2 : i32
      %mul3A_457 = arith.muli %mul3A_456, %scan3A_455 : i32
      %dma_wait3A_458 = arith.constant 0 : i32
      %dma_wait3A_459 = arith.constant 0 : i32
      %dma_wait3A_460 = tpu.memref_slice %arg7[%dma_wait3A_458, %dma_wait3A_459] : memref<10000x64xf32, #tpu.memory_space<vmem_shared>> -> memref<10000x64xf32, #tpu.memory_space<vmem_shared>>
      tpu.wait_indirect_dma semaphore(%arg17 : memref<!tpu.dma_semaphore, #tpu.memory_space<semaphore_mem>>) src(%dma_wait3A_460 : memref<10000x64xf32, #tpu.memory_space<vmem_shared>>) dst(%arg9 : memref<128x64xf32, #tpu.memory_space<vmem>>)
      %add3A_461 = arith.constant 2 : i32
      %add3A_462 = arith.addi %mul3A_457, %add3A_461 : i32
      %dma_start3A_463 = arith.constant 0 : i32
      %dma_start3A_464 = arith.constant 0 : i32
      %dma_start3A_465 = tpu.memref_slice %arg3[%add3A, %add3A_462, %dma_start3A_463, %dma_start3A_464] : memref<32x80x1x128xi32, #tpu.memory_space<hbm>> -> memref<1x1x1x128xi32, #tpu.memory_space<hbm>>
      %dma_start3A_466 = tpu.memref_squeeze %dma_start3A_465 : memref<1x1x1x128xi32, #tpu.memory_space<hbm>> -> memref<128xi32, #tpu.memory_space<hbm>>
      %dma_start3A_467 = arith.constant 0 : i32
      %dma_start3A_468 = tpu.memref_slice %arg3[%add3A, %add3A_462, %dma_start3A_463, %dma_start3A_467] : memref<32x80x1x128xi32, #tpu.memory_space<hbm>> -> memref<1x1x1x128xi32, #tpu.memory_space<hbm>>
      %dma_start3A_469 = tpu.memref_squeeze %dma_start3A_468 : memref<1x1x1x128xi32, #tpu.memory_space<hbm>> -> memref<128xi32, #tpu.memory_space<hbm>>
      tpu.enqueue_dma source(%dma_start3A_469 : memref<128xi32, #tpu.memory_space<hbm>>) target(%arg11 : memref<128xi32, #tpu.memory_space<vmem>>) target_semaphore(%arg21 : memref<!tpu.dma_semaphore, #tpu.memory_space<semaphore_mem>>)
      %dma_wait3A_470 = arith.constant 0 : i32
      %dma_wait3A_471 = arith.constant 0 : i32
      %dma_wait3A_472 = arith.constant 0 : i32
      %dma_wait3A_473 = tpu.memref_slice %arg4[%add3A, %dma_wait3A_470, %dma_wait3A_471, %dma_wait3A_472] : memref<32x80x1x128xi32, #tpu.memory_space<hbm>> -> memref<1x1x1x128xi32, #tpu.memory_space<hbm>>
      %dma_wait3A_474 = tpu.memref_squeeze %dma_wait3A_473 : memref<1x1x1x128xi32, #tpu.memory_space<hbm>> -> memref<128xi32, #tpu.memory_space<hbm>>
      %dma_wait3A_475 = arith.constant 0 : i32
      %dma_wait3A_476 = tpu.memref_slice %arg4[%add3A, %dma_wait3A_470, %dma_wait3A_471, %dma_wait3A_475] : memref<32x80x1x128xi32, #tpu.memory_space<hbm>> -> memref<1x1x1x128xi32, #tpu.memory_space<hbm>>
      %dma_wait3A_477 = tpu.memref_squeeze %dma_wait3A_476 : memref<1x1x1x128xi32, #tpu.memory_space<hbm>> -> memref<128xi32, #tpu.memory_space<hbm>>
      tpu.wait_dma2 semaphore(%arg23 : memref<!tpu.dma_semaphore, #tpu.memory_space<semaphore_mem>>) src(%dma_wait3A_477 : memref<128xi32, #tpu.memory_space<hbm>>) dst(%arg13 : memref<128xi32, #tpu.memory_space<vmem>>)
      %dma_wait3A_478 = arith.constant 0 : i32
      %dma_wait3A_479 = arith.constant 0 : i32
      %dma_wait3A_480 = arith.constant 0 : i32
      %dma_wait3A_481 = tpu.memref_slice %arg5[%add3A, %dma_wait3A_478, %dma_wait3A_479, %dma_wait3A_480] : memref<32x80x1x128xf32, #tpu.memory_space<hbm>> -> memref<1x1x1x128xf32, #tpu.memory_space<hbm>>
      %dma_wait3A_482 = tpu.memref_squeeze %dma_wait3A_481 : memref<1x1x1x128xf32, #tpu.memory_space<hbm>> -> memref<128xf32, #tpu.memory_space<hbm>>
      %dma_wait3A_483 = arith.constant 0 : i32
      %dma_wait3A_484 = tpu.memref_slice %arg5[%add3A, %dma_wait3A_478, %dma_wait3A_479, %dma_wait3A_483] : memref<32x80x1x128xf32, #tpu.memory_space<hbm>> -> memref<1x1x1x128xf32, #tpu.memory_space<hbm>>
      %dma_wait3A_485 = tpu.memref_squeeze %dma_wait3A_484 : memref<1x1x1x128xf32, #tpu.memory_space<hbm>> -> memref<128xf32, #tpu.memory_space<hbm>>
      tpu.wait_dma2 semaphore(%arg23 : memref<!tpu.dma_semaphore, #tpu.memory_space<semaphore_mem>>) src(%dma_wait3A_485 : memref<128xf32, #tpu.memory_space<hbm>>) dst(%arg15 : memref<128xf32, #tpu.memory_space<vmem>>)
      %scan3A_486 = arith.constant 0 : i32
      %scan3A_487 = arith.constant 0 : i32
      %scan3A_488 = arith.constant 128 : i32
      %scan3A_489 = arith.addi %scan3A_487, %scan3A_488 : i32
      %scan3A_490 = arith.constant 1 : i32
      scf.for %scan3A_592 = %scan3A_487 to %scan3A_489 step %scan3A_490  : i32 {
        %broadcast_in_dim3A = vector.broadcast %scan3A_592 : i32 to vector<16xi32>
        %gather3A = tpu.vector_load_idx %arg15[%broadcast_in_dim3A] : memref<128xf32, #tpu.memory_space<vmem>>[vector<16xi32>], vector<16xf32>,
        %get3A = arith.index_cast %scan3A_592 : i32 to index
        %get3A_593 = arith.constant 0 : index
        %get3A_594 = tpu.vector_load %arg9[%get3A, %get3A_593] {strides = array<i32>} : memref<128x64xf32, #tpu.memory_space<vmem>>, vector<16xf32>,
        %mul3A_595 = arith.mulf %get3A_594, %gather3A : vector<16xf32>
        %swap3A = arith.index_cast %scan3A_592 : i32 to index
        %swap3A_596 = arith.constant 0 : index
        %swap3A_597 = tpu.vector_load %arg9[%swap3A, %swap3A_596] {strides = array<i32>} : memref<128x64xf32, #tpu.memory_space<vmem>>, vector<16xf32>,
        tpu.vector_store %arg9[%swap3A, %swap3A_596], %mul3A_595 {strides = array<i32>} : memref<128x64xf32, #tpu.memory_space<vmem>>, vector<16xf32>,
        %get3A_598 = arith.index_cast %scan3A_592 : i32 to index
        %get3A_599 = arith.constant 16 : index
        %get3A_600 = tpu.vector_load %arg9[%get3A_598, %get3A_599] {strides = array<i32>} : memref<128x64xf32, #tpu.memory_space<vmem>>, vector<16xf32>,
        %mul3A_601 = arith.mulf %get3A_600, %gather3A : vector<16xf32>
        %swap3A_602 = arith.index_cast %scan3A_592 : i32 to index
        %swap3A_603 = arith.constant 16 : index
        %swap3A_604 = tpu.vector_load %arg9[%swap3A_602, %swap3A_603] {strides = array<i32>} : memref<128x64xf32, #tpu.memory_space<vmem>>, vector<16xf32>,
        tpu.vector_store %arg9[%swap3A_602, %swap3A_603], %mul3A_601 {strides = array<i32>} : memref<128x64xf32, #tpu.memory_space<vmem>>, vector<16xf32>,
        %get3A_605 = arith.index_cast %scan3A_592 : i32 to index
        %get3A_606 = arith.constant 32 : index
        %get3A_607 = tpu.vector_load %arg9[%get3A_605, %get3A_606] {strides = array<i32>} : memref<128x64xf32, #tpu.memory_space<vmem>>, vector<16xf32>,
        %mul3A_608 = arith.mulf %get3A_607, %gather3A : vector<16xf32>
        %swap3A_609 = arith.index_cast %scan3A_592 : i32 to index
        %swap3A_610 = arith.constant 32 : index
        %swap3A_611 = tpu.vector_load %arg9[%swap3A_609, %swap3A_610] {strides = array<i32>} : memref<128x64xf32, #tpu.memory_space<vmem>>, vector<16xf32>,
        tpu.vector_store %arg9[%swap3A_609, %swap3A_610], %mul3A_608 {strides = array<i32>} : memref<128x64xf32, #tpu.memory_space<vmem>>, vector<16xf32>,
        %get3A_612 = arith.index_cast %scan3A_592 : i32 to index
        %get3A_613 = arith.constant 48 : index
        %get3A_614 = tpu.vector_load %arg9[%get3A_612, %get3A_613] {strides = array<i32>} : memref<128x64xf32, #tpu.memory_space<vmem>>, vector<16xf32>,
        %mul3A_615 = arith.mulf %get3A_614, %gather3A : vector<16xf32>
        %swap3A_616 = arith.index_cast %scan3A_592 : i32 to index
        %swap3A_617 = arith.constant 48 : index
        %swap3A_618 = tpu.vector_load %arg9[%swap3A_616, %swap3A_617] {strides = array<i32>} : memref<128x64xf32, #tpu.memory_space<vmem>>, vector<16xf32>,
        tpu.vector_store %arg9[%swap3A_616, %swap3A_617], %mul3A_615 {strides = array<i32>} : memref<128x64xf32, #tpu.memory_space<vmem>>, vector<16xf32>,
      }
      %scan3A_491 = arith.constant 128 : i32
      %dma_start3A_492 = arith.constant 0 : i32
      %dma_start3A_493 = arith.constant 0 : i32
      %dma_start3A_494 = tpu.memref_slice %arg8[%dma_start3A_492, %dma_start3A_493] : memref<10000x64xf32, #tpu.memory_space<vmem_shared>> -> memref<10000x64xf32, #tpu.memory_space<vmem_shared>>
      tpu.enqueue_indirect_dma source(%arg9 : memref<128x64xf32, #tpu.memory_space<vmem>>) target(%dma_start3A_494 : memref<10000x64xf32, #tpu.memory_space<vmem_shared>>) offsets(%arg13 : memref<128xi32, #tpu.memory_space<vmem>>) semaphore(%arg19 : memref<!tpu.dma_semaphore, #tpu.memory_space<semaphore_mem>>) {add = true}
      %dma_wait3A_495 = arith.constant 0 : i32
      %dma_wait3A_496 = arith.constant 0 : i32
      %dma_wait3A_497 = tpu.memref_slice %arg7[%dma_wait3A_495, %dma_wait3A_496] : memref<10000x64xf32, #tpu.memory_space<vmem_shared>> -> memref<10000x64xf32, #tpu.memory_space<vmem_shared>>
      tpu.wait_indirect_dma semaphore(%arg18 : memref<!tpu.dma_semaphore, #tpu.memory_space<semaphore_mem>>) src(%dma_wait3A_497 : memref<10000x64xf32, #tpu.memory_space<vmem_shared>>) dst(%arg10 : memref<128x64xf32, #tpu.memory_space<vmem>>)
      %add3A_498 = arith.constant 3 : i32
      %add3A_499 = arith.addi %mul3A_457, %add3A_498 : i32
      %dma_start3A_500 = arith.constant 0 : i32
      %dma_start3A_501 = arith.constant 0 : i32
      %dma_start3A_502 = tpu.memref_slice %arg3[%add3A, %add3A_499, %dma_start3A_500, %dma_start3A_501] : memref<32x80x1x128xi32, #tpu.memory_space<hbm>> -> memref<1x1x1x128xi32, #tpu.memory_space<hbm>>
      %dma_start3A_503 = tpu.memref_squeeze %dma_start3A_502 : memref<1x1x1x128xi32, #tpu.memory_space<hbm>> -> memref<128xi32, #tpu.memory_space<hbm>>
      %dma_start3A_504 = arith.constant 0 : i32
      %dma_start3A_505 = tpu.memref_slice %arg3[%add3A, %add3A_499, %dma_start3A_500, %dma_start3A_504] : memref<32x80x1x128xi32, #tpu.memory_space<hbm>> -> memref<1x1x1x128xi32, #tpu.memory_space<hbm>>
      %dma_start3A_506 = tpu.memref_squeeze %dma_start3A_505 : memref<1x1x1x128xi32, #tpu.memory_space<hbm>> -> memref<128xi32, #tpu.memory_space<hbm>>
      tpu.enqueue_dma source(%dma_start3A_506 : memref<128xi32, #tpu.memory_space<hbm>>) target(%arg12 : memref<128xi32, #tpu.memory_space<vmem>>) target_semaphore(%arg22 : memref<!tpu.dma_semaphore, #tpu.memory_space<semaphore_mem>>)
      %dma_wait3A_507 = arith.constant 0 : i32
      %dma_wait3A_508 = arith.constant 0 : i32
      %dma_wait3A_509 = arith.constant 0 : i32
      %dma_wait3A_510 = tpu.memref_slice %arg4[%add3A, %dma_wait3A_507, %dma_wait3A_508, %dma_wait3A_509] : memref<32x80x1x128xi32, #tpu.memory_space<hbm>> -> memref<1x1x1x128xi32, #tpu.memory_space<hbm>>
      %dma_wait3A_511 = tpu.memref_squeeze %dma_wait3A_510 : memref<1x1x1x128xi32, #tpu.memory_space<hbm>> -> memref<128xi32, #tpu.memory_space<hbm>>
      %dma_wait3A_512 = arith.constant 0 : i32
      %dma_wait3A_513 = tpu.memref_slice %arg4[%add3A, %dma_wait3A_507, %dma_wait3A_508, %dma_wait3A_512] : memref<32x80x1x128xi32, #tpu.memory_space<hbm>> -> memref<1x1x1x128xi32, #tpu.memory_space<hbm>>
      %dma_wait3A_514 = tpu.memref_squeeze %dma_wait3A_513 : memref<1x1x1x128xi32, #tpu.memory_space<hbm>> -> memref<128xi32, #tpu.memory_space<hbm>>
      tpu.wait_dma2 semaphore(%arg24 : memref<!tpu.dma_semaphore, #tpu.memory_space<semaphore_mem>>) src(%dma_wait3A_514 : memref<128xi32, #tpu.memory_space<hbm>>) dst(%arg14 : memref<128xi32, #tpu.memory_space<vmem>>)
      %dma_wait3A_515 = arith.constant 0 : i32
      %dma_wait3A_516 = arith.constant 0 : i32
      %dma_wait3A_517 = arith.constant 0 : i32
      %dma_wait3A_518 = tpu.memref_slice %arg5[%add3A, %dma_wait3A_515, %dma_wait3A_516, %dma_wait3A_517] : memref<32x80x1x128xf32, #tpu.memory_space<hbm>> -> memref<1x1x1x128xf32, #tpu.memory_space<hbm>>
      %dma_wait3A_519 = tpu.memref_squeeze %dma_wait3A_518 : memref<1x1x1x128xf32, #tpu.memory_space<hbm>> -> memref<128xf32, #tpu.memory_space<hbm>>
      %dma_wait3A_520 = arith.constant 0 : i32
      %dma_wait3A_521 = tpu.memref_slice %arg5[%add3A, %dma_wait3A_515, %dma_wait3A_516, %dma_wait3A_520] : memref<32x80x1x128xf32, #tpu.memory_space<hbm>> -> memref<1x1x1x128xf32, #tpu.memory_space<hbm>>
      %dma_wait3A_522 = tpu.memref_squeeze %dma_wait3A_521 : memref<1x1x1x128xf32, #tpu.memory_space<hbm>> -> memref<128xf32, #tpu.memory_space<hbm>>
      tpu.wait_dma2 semaphore(%arg24 : memref<!tpu.dma_semaphore, #tpu.memory_space<semaphore_mem>>) src(%dma_wait3A_522 : memref<128xf32, #tpu.memory_space<hbm>>) dst(%arg16 : memref<128xf32, #tpu.memory_space<vmem>>)
      %scan3A_523 = arith.constant 0 : i32
      %scan3A_524 = arith.constant 0 : i32
      %scan3A_525 = arith.constant 128 : i32
      %scan3A_526 = arith.addi %scan3A_524, %scan3A_525 : i32
      %scan3A_527 = arith.constant 1 : i32
      scf.for %scan3A_592 = %scan3A_524 to %scan3A_526 step %scan3A_527  : i32 {
        %broadcast_in_dim3A = vector.broadcast %scan3A_592 : i32 to vector<16xi32>
        %gather3A = tpu.vector_load_idx %arg16[%broadcast_in_dim3A] : memref<128xf32, #tpu.memory_space<vmem>>[vector<16xi32>], vector<16xf32>,
        %get3A = arith.index_cast %scan3A_592 : i32 to index
        %get3A_593 = arith.constant 0 : index
        %get3A_594 = tpu.vector_load %arg10[%get3A, %get3A_593] {strides = array<i32>} : memref<128x64xf32, #tpu.memory_space<vmem>>, vector<16xf32>,
        %mul3A_595 = arith.mulf %get3A_594, %gather3A : vector<16xf32>
        %swap3A = arith.index_cast %scan3A_592 : i32 to index
        %swap3A_596 = arith.constant 0 : index
        %swap3A_597 = tpu.vector_load %arg10[%swap3A, %swap3A_596] {strides = array<i32>} : memref<128x64xf32, #tpu.memory_space<vmem>>, vector<16xf32>,
        tpu.vector_store %arg10[%swap3A, %swap3A_596], %mul3A_595 {strides = array<i32>} : memref<128x64xf32, #tpu.memory_space<vmem>>, vector<16xf32>,
        %get3A_598 = arith.index_cast %scan3A_592 : i32 to index
        %get3A_599 = arith.constant 16 : index
        %get3A_600 = tpu.vector_load %arg10[%get3A_598, %get3A_599] {strides = array<i32>} : memref<128x64xf32, #tpu.memory_space<vmem>>, vector<16xf32>,
        %mul3A_601 = arith.mulf %get3A_600, %gather3A : vector<16xf32>
        %swap3A_602 = arith.index_cast %scan3A_592 : i32 to index
        %swap3A_603 = arith.constant 16 : index
        %swap3A_604 = tpu.vector_load %arg10[%swap3A_602, %swap3A_603] {strides = array<i32>} : memref<128x64xf32, #tpu.memory_space<vmem>>, vector<16xf32>,
        tpu.vector_store %arg10[%swap3A_602, %swap3A_603], %mul3A_601 {strides = array<i32>} : memref<128x64xf32, #tpu.memory_space<vmem>>, vector<16xf32>,
        %get3A_605 = arith.index_cast %scan3A_592 : i32 to index
        %get3A_606 = arith.constant 32 : index
        %get3A_607 = tpu.vector_load %arg10[%get3A_605, %get3A_606] {strides = array<i32>} : memref<128x64xf32, #tpu.memory_space<vmem>>, vector<16xf32>,
        %mul3A_608 = arith.mulf %get3A_607, %gather3A : vector<16xf32>
        %swap3A_609 = arith.index_cast %scan3A_592 : i32 to index
        %swap3A_610 = arith.constant 32 : index
        %swap3A_611 = tpu.vector_load %arg10[%swap3A_609, %swap3A_610] {strides = array<i32>} : memref<128x64xf32, #tpu.memory_space<vmem>>, vector<16xf32>,
        tpu.vector_store %arg10[%swap3A_609, %swap3A_610], %mul3A_608 {strides = array<i32>} : memref<128x64xf32, #tpu.memory_space<vmem>>, vector<16xf32>,
        %get3A_612 = arith.index_cast %scan3A_592 : i32 to index
        %get3A_613 = arith.constant 48 : index
        %get3A_614 = tpu.vector_load %arg10[%get3A_612, %get3A_613] {strides = array<i32>} : memref<128x64xf32, #tpu.memory_space<vmem>>, vector<16xf32>,
        %mul3A_615 = arith.mulf %get3A_614, %gather3A : vector<16xf32>
        %swap3A_616 = arith.index_cast %scan3A_592 : i32 to index
        %swap3A_617 = arith.constant 48 : index
        %swap3A_618 = tpu.vector_load %arg10[%swap3A_616, %swap3A_617] {strides = array<i32>} : memref<128x64xf32, #tpu.memory_space<vmem>>, vector<16xf32>,
        tpu.vector_store %arg10[%swap3A_616, %swap3A_617], %mul3A_615 {strides = array<i32>} : memref<128x64xf32, #tpu.memory_space<vmem>>, vector<16xf32>,
      }
      %scan3A_528 = arith.constant 128 : i32
      %dma_start3A_529 = arith.constant 0 : i32
      %dma_start3A_530 = arith.constant 0 : i32
      %dma_start3A_531 = tpu.memref_slice %arg8[%dma_start3A_529, %dma_start3A_530] : memref<10000x64xf32, #tpu.memory_space<vmem_shared>> -> memref<10000x64xf32, #tpu.memory_space<vmem_shared>>
      tpu.enqueue_indirect_dma source(%arg10 : memref<128x64xf32, #tpu.memory_space<vmem>>) target(%dma_start3A_531 : memref<10000x64xf32, #tpu.memory_space<vmem_shared>>) offsets(%arg14 : memref<128xi32, #tpu.memory_space<vmem>>) semaphore(%arg20 : memref<!tpu.dma_semaphore, #tpu.memory_space<semaphore_mem>>) {add = true}
      %dma_wait3A_532 = arith.constant 0 : i32
      %dma_wait3A_533 = arith.constant 0 : i32
      %dma_wait3A_534 = tpu.memref_slice %arg8[%dma_wait3A_532, %dma_wait3A_533] : memref<10000x64xf32, #tpu.memory_space<vmem_shared>> -> memref<10000x64xf32, #tpu.memory_space<vmem_shared>>
      tpu.wait_indirect_dma semaphore(%arg19 : memref<!tpu.dma_semaphore, #tpu.memory_space<semaphore_mem>>) src(%arg9 : memref<128x64xf32, #tpu.memory_space<vmem>>) dst(%dma_wait3A_534 : memref<10000x64xf32, #tpu.memory_space<vmem_shared>>)
      %add3A_535 = arith.constant 2 : i32
      %add3A_536 = arith.addi %mul3A_457, %add3A_535 : i32
      %dma_start3A_537 = arith.constant 0 : i32
      %dma_start3A_538 = arith.constant 0 : i32
      %dma_start3A_539 = tpu.memref_slice %arg4[%add3A, %add3A_536, %dma_start3A_537, %dma_start3A_538] : memref<32x80x1x128xi32, #tpu.memory_space<hbm>> -> memref<1x1x1x128xi32, #tpu.memory_space<hbm>>
      %dma_start3A_540 = tpu.memref_squeeze %dma_start3A_539 : memref<1x1x1x128xi32, #tpu.memory_space<hbm>> -> memref<128xi32, #tpu.memory_space<hbm>>
      %dma_start3A_541 = arith.constant 0 : i32
      %dma_start3A_542 = tpu.memref_slice %arg4[%add3A, %add3A_536, %dma_start3A_537, %dma_start3A_541] : memref<32x80x1x128xi32, #tpu.memory_space<hbm>> -> memref<1x1x1x128xi32, #tpu.memory_space<hbm>>
      %dma_start3A_543 = tpu.memref_squeeze %dma_start3A_542 : memref<1x1x1x128xi32, #tpu.memory_space<hbm>> -> memref<128xi32, #tpu.memory_space<hbm>>
      tpu.enqueue_dma source(%dma_start3A_543 : memref<128xi32, #tpu.memory_space<hbm>>) target(%arg13 : memref<128xi32, #tpu.memory_space<vmem>>) target_semaphore(%arg23 : memref<!tpu.dma_semaphore, #tpu.memory_space<semaphore_mem>>)
      %dma_start3A_544 = arith.constant 0 : i32
      %dma_start3A_545 = arith.constant 0 : i32
      %dma_start3A_546 = tpu.memref_slice %arg5[%add3A, %add3A_536, %dma_start3A_544, %dma_start3A_545] : memref<32x80x1x128xf32, #tpu.memory_space<hbm>> -> memref<1x1x1x128xf32, #tpu.memory_space<hbm>>
      %dma_start3A_547 = tpu.memref_squeeze %dma_start3A_546 : memref<1x1x1x128xf32, #tpu.memory_space<hbm>> -> memref<128xf32, #tpu.memory_space<hbm>>
      %dma_start3A_548 = arith.constant 0 : i32
      %dma_start3A_549 = tpu.memref_slice %arg5[%add3A, %add3A_536, %dma_start3A_544, %dma_start3A_548] : memref<32x80x1x128xf32, #tpu.memory_space<hbm>> -> memref<1x1x1x128xf32, #tpu.memory_space<hbm>>
      %dma_start3A_550 = tpu.memref_squeeze %dma_start3A_549 : memref<1x1x1x128xf32, #tpu.memory_space<hbm>> -> memref<128xf32, #tpu.memory_space<hbm>>
      tpu.enqueue_dma source(%dma_start3A_550 : memref<128xf32, #tpu.memory_space<hbm>>) target(%arg15 : memref<128xf32, #tpu.memory_space<vmem>>) target_semaphore(%arg23 : memref<!tpu.dma_semaphore, #tpu.memory_space<semaphore_mem>>)
      %dma_wait3A_551 = arith.constant 0 : i32
      %dma_wait3A_552 = arith.constant 0 : i32
      %dma_wait3A_553 = arith.constant 0 : i32
      %dma_wait3A_554 = tpu.memref_slice %arg3[%add3A, %dma_wait3A_551, %dma_wait3A_552, %dma_wait3A_553] : memref<32x80x1x128xi32, #tpu.memory_space<hbm>> -> memref<1x1x1x128xi32, #tpu.memory_space<hbm>>
      %dma_wait3A_555 = tpu.memref_squeeze %dma_wait3A_554 : memref<1x1x1x128xi32, #tpu.memory_space<hbm>> -> memref<128xi32, #tpu.memory_space<hbm>>
      %dma_wait3A_556 = arith.constant 0 : i32
      %dma_wait3A_557 = tpu.memref_slice %arg3[%add3A, %dma_wait3A_551, %dma_wait3A_552, %dma_wait3A_556] : memref<32x80x1x128xi32, #tpu.memory_space<hbm>> -> memref<1x1x1x128xi32, #tpu.memory_space<hbm>>
      %dma_wait3A_558 = tpu.memref_squeeze %dma_wait3A_557 : memref<1x1x1x128xi32, #tpu.memory_space<hbm>> -> memref<128xi32, #tpu.memory_space<hbm>>
      tpu.wait_dma2 semaphore(%arg21 : memref<!tpu.dma_semaphore, #tpu.memory_space<semaphore_mem>>) src(%dma_wait3A_558 : memref<128xi32, #tpu.memory_space<hbm>>) dst(%arg11 : memref<128xi32, #tpu.memory_space<vmem>>)
      %dma_start3A_559 = arith.constant 0 : i32
      %dma_start3A_560 = arith.constant 0 : i32
      %dma_start3A_561 = tpu.memref_slice %arg7[%dma_start3A_559, %dma_start3A_560] : memref<10000x64xf32, #tpu.memory_space<vmem_shared>> -> memref<10000x64xf32, #tpu.memory_space<vmem_shared>>
      tpu.enqueue_indirect_dma source(%dma_start3A_561 : memref<10000x64xf32, #tpu.memory_space<vmem_shared>>) target(%arg9 : memref<128x64xf32, #tpu.memory_space<vmem>>) offsets(%arg11 : memref<128xi32, #tpu.memory_space<vmem>>) semaphore(%arg17 : memref<!tpu.dma_semaphore, #tpu.memory_space<semaphore_mem>>)
      %dma_wait3A_562 = arith.constant 0 : i32
      %dma_wait3A_563 = arith.constant 0 : i32
      %dma_wait3A_564 = tpu.memref_slice %arg8[%dma_wait3A_562, %dma_wait3A_563] : memref<10000x64xf32, #tpu.memory_space<vmem_shared>> -> memref<10000x64xf32, #tpu.memory_space<vmem_shared>>
      tpu.wait_indirect_dma semaphore(%arg20 : memref<!tpu.dma_semaphore, #tpu.memory_space<semaphore_mem>>) src(%arg10 : memref<128x64xf32, #tpu.memory_space<vmem>>) dst(%dma_wait3A_564 : memref<10000x64xf32, #tpu.memory_space<vmem_shared>>)
      %add3A_565 = arith.constant 3 : i32
      %add3A_566 = arith.addi %mul3A_457, %add3A_565 : i32
      %dma_start3A_567 = arith.constant 0 : i32
      %dma_start3A_568 = arith.constant 0 : i32
      %dma_start3A_569 = tpu.memref_slice %arg4[%add3A, %add3A_566, %dma_start3A_567, %dma_start3A_568] : memref<32x80x1x128xi32, #tpu.memory_space<hbm>> -> memref<1x1x1x128xi32, #tpu.memory_space<hbm>>
      %dma_start3A_570 = tpu.memref_squeeze %dma_start3A_569 : memref<1x1x1x128xi32, #tpu.memory_space<hbm>> -> memref<128xi32, #tpu.memory_space<hbm>>
      %dma_start3A_571 = arith.constant 0 : i32
      %dma_start3A_572 = tpu.memref_slice %arg4[%add3A, %add3A_566, %dma_start3A_567, %dma_start3A_571] : memref<32x80x1x128xi32, #tpu.memory_space<hbm>> -> memref<1x1x1x128xi32, #tpu.memory_space<hbm>>
      %dma_start3A_573 = tpu.memref_squeeze %dma_start3A_572 : memref<1x1x1x128xi32, #tpu.memory_space<hbm>> -> memref<128xi32, #tpu.memory_space<hbm>>
      tpu.enqueue_dma source(%dma_start3A_573 : memref<128xi32, #tpu.memory_space<hbm>>) target(%arg14 : memref<128xi32, #tpu.memory_space<vmem>>) target_semaphore(%arg24 : memref<!tpu.dma_semaphore, #tpu.memory_space<semaphore_mem>>)
      %dma_start3A_574 = arith.constant 0 : i32
      %dma_start3A_575 = arith.constant 0 : i32
      %dma_start3A_576 = tpu.memref_slice %arg5[%add3A, %add3A_566, %dma_start3A_574, %dma_start3A_575] : memref<32x80x1x128xf32, #tpu.memory_space<hbm>> -> memref<1x1x1x128xf32, #tpu.memory_space<hbm>>
      %dma_start3A_577 = tpu.memref_squeeze %dma_start3A_576 : memref<1x1x1x128xf32, #tpu.memory_space<hbm>> -> memref<128xf32, #tpu.memory_space<hbm>>
      %dma_start3A_578 = arith.constant 0 : i32
      %dma_start3A_579 = tpu.memref_slice %arg5[%add3A, %add3A_566, %dma_start3A_574, %dma_start3A_578] : memref<32x80x1x128xf32, #tpu.memory_space<hbm>> -> memref<1x1x1x128xf32, #tpu.memory_space<hbm>>
      %dma_start3A_580 = tpu.memref_squeeze %dma_start3A_579 : memref<1x1x1x128xf32, #tpu.memory_space<hbm>> -> memref<128xf32, #tpu.memory_space<hbm>>
      tpu.enqueue_dma source(%dma_start3A_580 : memref<128xf32, #tpu.memory_space<hbm>>) target(%arg16 : memref<128xf32, #tpu.memory_space<vmem>>) target_semaphore(%arg24 : memref<!tpu.dma_semaphore, #tpu.memory_space<semaphore_mem>>)
      %dma_wait3A_581 = arith.constant 0 : i32
      %dma_wait3A_582 = arith.constant 0 : i32
      %dma_wait3A_583 = arith.constant 0 : i32
      %dma_wait3A_584 = tpu.memref_slice %arg3[%add3A, %dma_wait3A_581, %dma_wait3A_582, %dma_wait3A_583] : memref<32x80x1x128xi32, #tpu.memory_space<hbm>> -> memref<1x1x1x128xi32, #tpu.memory_space<hbm>>
      %dma_wait3A_585 = tpu.memref_squeeze %dma_wait3A_584 : memref<1x1x1x128xi32, #tpu.memory_space<hbm>> -> memref<128xi32, #tpu.memory_space<hbm>>
      %dma_wait3A_586 = arith.constant 0 : i32
      %dma_wait3A_587 = tpu.memref_slice %arg3[%add3A, %dma_wait3A_581, %dma_wait3A_582, %dma_wait3A_586] : memref<32x80x1x128xi32, #tpu.memory_space<hbm>> -> memref<1x1x1x128xi32, #tpu.memory_space<hbm>>
      %dma_wait3A_588 = tpu.memref_squeeze %dma_wait3A_587 : memref<1x1x1x128xi32, #tpu.memory_space<hbm>> -> memref<128xi32, #tpu.memory_space<hbm>>
      tpu.wait_dma2 semaphore(%arg22 : memref<!tpu.dma_semaphore, #tpu.memory_space<semaphore_mem>>) src(%dma_wait3A_588 : memref<128xi32, #tpu.memory_space<hbm>>) dst(%arg12 : memref<128xi32, #tpu.memory_space<vmem>>)
      %dma_start3A_589 = arith.constant 0 : i32
      %dma_start3A_590 = arith.constant 0 : i32
      %dma_start3A_591 = tpu.memref_slice %arg7[%dma_start3A_589, %dma_start3A_590] : memref<10000x64xf32, #tpu.memory_space<vmem_shared>> -> memref<10000x64xf32, #tpu.memory_space<vmem_shared>>
      tpu.enqueue_indirect_dma source(%dma_start3A_591 : memref<10000x64xf32, #tpu.memory_space<vmem_shared>>) target(%arg10 : memref<128x64xf32, #tpu.memory_space<vmem>>) offsets(%arg12 : memref<128xi32, #tpu.memory_space<vmem>>) semaphore(%arg18 : memref<!tpu.dma_semaphore, #tpu.memory_space<semaphore_mem>>)
    }
    %scan3A_363 = arith.constant 39 : i32
    %dma_wait3A_364 = arith.constant 0 : i32
    %dma_wait3A_365 = arith.constant 0 : i32
    %dma_wait3A_366 = tpu.memref_slice %arg7[%dma_wait3A_364, %dma_wait3A_365] : memref<10000x64xf32, #tpu.memory_space<vmem_shared>> -> memref<10000x64xf32, #tpu.memory_space<vmem_shared>>
    tpu.wait_indirect_dma semaphore(%arg17 : memref<!tpu.dma_semaphore, #tpu.memory_space<semaphore_mem>>) src(%dma_wait3A_366 : memref<10000x64xf32, #tpu.memory_space<vmem_shared>>) dst(%arg9 : memref<128x64xf32, #tpu.memory_space<vmem>>)
    %dma_wait3A_367 = arith.constant 0 : i32
    %dma_wait3A_368 = arith.constant 0 : i32
    %dma_wait3A_369 = arith.constant 0 : i32
    %dma_wait3A_370 = tpu.memref_slice %arg4[%add3A, %dma_wait3A_367, %dma_wait3A_368, %dma_wait3A_369] : memref<32x80x1x128xi32, #tpu.memory_space<hbm>> -> memref<1x1x1x128xi32, #tpu.memory_space<hbm>>
    %dma_wait3A_371 = tpu.memref_squeeze %dma_wait3A_370 : memref<1x1x1x128xi32, #tpu.memory_space<hbm>> -> memref<128xi32, #tpu.memory_space<hbm>>
    %dma_wait3A_372 = arith.constant 0 : i32
    %dma_wait3A_373 = tpu.memref_slice %arg4[%add3A, %dma_wait3A_367, %dma_wait3A_368, %dma_wait3A_372] : memref<32x80x1x128xi32, #tpu.memory_space<hbm>> -> memref<1x1x1x128xi32, #tpu.memory_space<hbm>>
    %dma_wait3A_374 = tpu.memref_squeeze %dma_wait3A_373 : memref<1x1x1x128xi32, #tpu.memory_space<hbm>> -> memref<128xi32, #tpu.memory_space<hbm>>
    tpu.wait_dma2 semaphore(%arg23 : memref<!tpu.dma_semaphore, #tpu.memory_space<semaphore_mem>>) src(%dma_wait3A_374 : memref<128xi32, #tpu.memory_space<hbm>>) dst(%arg13 : memref<128xi32, #tpu.memory_space<vmem>>)
    %dma_wait3A_375 = arith.constant 0 : i32
    %dma_wait3A_376 = arith.constant 0 : i32
    %dma_wait3A_377 = arith.constant 0 : i32
    %dma_wait3A_378 = tpu.memref_slice %arg5[%add3A, %dma_wait3A_375, %dma_wait3A_376, %dma_wait3A_377] : memref<32x80x1x128xf32, #tpu.memory_space<hbm>> -> memref<1x1x1x128xf32, #tpu.memory_space<hbm>>
    %dma_wait3A_379 = tpu.memref_squeeze %dma_wait3A_378 : memref<1x1x1x128xf32, #tpu.memory_space<hbm>> -> memref<128xf32, #tpu.memory_space<hbm>>
    %dma_wait3A_380 = arith.constant 0 : i32
    %dma_wait3A_381 = tpu.memref_slice %arg5[%add3A, %dma_wait3A_375, %dma_wait3A_376, %dma_wait3A_380] : memref<32x80x1x128xf32, #tpu.memory_space<hbm>> -> memref<1x1x1x128xf32, #tpu.memory_space<hbm>>
    %dma_wait3A_382 = tpu.memref_squeeze %dma_wait3A_381 : memref<1x1x1x128xf32, #tpu.memory_space<hbm>> -> memref<128xf32, #tpu.memory_space<hbm>>
    tpu.wait_dma2 semaphore(%arg23 : memref<!tpu.dma_semaphore, #tpu.memory_space<semaphore_mem>>) src(%dma_wait3A_382 : memref<128xf32, #tpu.memory_space<hbm>>) dst(%arg15 : memref<128xf32, #tpu.memory_space<vmem>>)
    %scan3A_383 = arith.constant 0 : i32
    %scan3A_384 = arith.constant 0 : i32
    %scan3A_385 = arith.constant 128 : i32
    %scan3A_386 = arith.addi %scan3A_384, %scan3A_385 : i32
    %scan3A_387 = arith.constant 1 : i32
    scf.for %scan3A_455 = %scan3A_384 to %scan3A_386 step %scan3A_387  : i32 {
      %broadcast_in_dim3A = vector.broadcast %scan3A_455 : i32 to vector<16xi32>
      %gather3A = tpu.vector_load_idx %arg15[%broadcast_in_dim3A] : memref<128xf32, #tpu.memory_space<vmem>>[vector<16xi32>], vector<16xf32>,
      %get3A = arith.index_cast %scan3A_455 : i32 to index
      %get3A_456 = arith.constant 0 : index
      %get3A_457 = tpu.vector_load %arg9[%get3A, %get3A_456] {strides = array<i32>} : memref<128x64xf32, #tpu.memory_space<vmem>>, vector<16xf32>,
      %mul3A_458 = arith.mulf %get3A_457, %gather3A : vector<16xf32>
      %swap3A = arith.index_cast %scan3A_455 : i32 to index
      %swap3A_459 = arith.constant 0 : index
      %swap3A_460 = tpu.vector_load %arg9[%swap3A, %swap3A_459] {strides = array<i32>} : memref<128x64xf32, #tpu.memory_space<vmem>>, vector<16xf32>,
      tpu.vector_store %arg9[%swap3A, %swap3A_459], %mul3A_458 {strides = array<i32>} : memref<128x64xf32, #tpu.memory_space<vmem>>, vector<16xf32>,
      %get3A_461 = arith.index_cast %scan3A_455 : i32 to index
      %get3A_462 = arith.constant 16 : index
      %get3A_463 = tpu.vector_load %arg9[%get3A_461, %get3A_462] {strides = array<i32>} : memref<128x64xf32, #tpu.memory_space<vmem>>, vector<16xf32>,
      %mul3A_464 = arith.mulf %get3A_463, %gather3A : vector<16xf32>
      %swap3A_465 = arith.index_cast %scan3A_455 : i32 to index
      %swap3A_466 = arith.constant 16 : index
      %swap3A_467 = tpu.vector_load %arg9[%swap3A_465, %swap3A_466] {strides = array<i32>} : memref<128x64xf32, #tpu.memory_space<vmem>>, vector<16xf32>,
      tpu.vector_store %arg9[%swap3A_465, %swap3A_466], %mul3A_464 {strides = array<i32>} : memref<128x64xf32, #tpu.memory_space<vmem>>, vector<16xf32>,
      %get3A_468 = arith.index_cast %scan3A_455 : i32 to index
      %get3A_469 = arith.constant 32 : index
      %get3A_470 = tpu.vector_load %arg9[%get3A_468, %get3A_469] {strides = array<i32>} : memref<128x64xf32, #tpu.memory_space<vmem>>, vector<16xf32>,
      %mul3A_471 = arith.mulf %get3A_470, %gather3A : vector<16xf32>
      %swap3A_472 = arith.index_cast %scan3A_455 : i32 to index
      %swap3A_473 = arith.constant 32 : index
      %swap3A_474 = tpu.vector_load %arg9[%swap3A_472, %swap3A_473] {strides = array<i32>} : memref<128x64xf32, #tpu.memory_space<vmem>>, vector<16xf32>,
      tpu.vector_store %arg9[%swap3A_472, %swap3A_473], %mul3A_471 {strides = array<i32>} : memref<128x64xf32, #tpu.memory_space<vmem>>, vector<16xf32>,
      %get3A_475 = arith.index_cast %scan3A_455 : i32 to index
      %get3A_476 = arith.constant 48 : index
      %get3A_477 = tpu.vector_load %arg9[%get3A_475, %get3A_476] {strides = array<i32>} : memref<128x64xf32, #tpu.memory_space<vmem>>, vector<16xf32>,
      %mul3A_478 = arith.mulf %get3A_477, %gather3A : vector<16xf32>
      %swap3A_479 = arith.index_cast %scan3A_455 : i32 to index
      %swap3A_480 = arith.constant 48 : index
      %swap3A_481 = tpu.vector_load %arg9[%swap3A_479, %swap3A_480] {strides = array<i32>} : memref<128x64xf32, #tpu.memory_space<vmem>>, vector<16xf32>,
      tpu.vector_store %arg9[%swap3A_479, %swap3A_480], %mul3A_478 {strides = array<i32>} : memref<128x64xf32, #tpu.memory_space<vmem>>, vector<16xf32>,
    }
    %scan3A_388 = arith.constant 128 : i32
    %dma_start3A_389 = arith.constant 0 : i32
    %dma_start3A_390 = arith.constant 0 : i32
    %dma_start3A_391 = tpu.memref_slice %arg8[%dma_start3A_389, %dma_start3A_390] : memref<10000x64xf32, #tpu.memory_space<vmem_shared>> -> memref<10000x64xf32, #tpu.memory_space<vmem_shared>>
    tpu.enqueue_indirect_dma source(%arg9 : memref<128x64xf32, #tpu.memory_space<vmem>>) target(%dma_start3A_391 : memref<10000x64xf32, #tpu.memory_space<vmem_shared>>) offsets(%arg13 : memref<128xi32, #tpu.memory_space<vmem>>) semaphore(%arg19 : memref<!tpu.dma_semaphore, #tpu.memory_space<semaphore_mem>>) {add = true}
    %dma_wait3A_392 = arith.constant 0 : i32
    %dma_wait3A_393 = arith.constant 0 : i32
    %dma_wait3A_394 = tpu.memref_slice %arg7[%dma_wait3A_392, %dma_wait3A_393] : memref<10000x64xf32, #tpu.memory_space<vmem_shared>> -> memref<10000x64xf32, #tpu.memory_space<vmem_shared>>
    tpu.wait_indirect_dma semaphore(%arg18 : memref<!tpu.dma_semaphore, #tpu.memory_space<semaphore_mem>>) src(%dma_wait3A_394 : memref<10000x64xf32, #tpu.memory_space<vmem_shared>>) dst(%arg10 : memref<128x64xf32, #tpu.memory_space<vmem>>)
    %dma_wait3A_395 = arith.constant 0 : i32
    %dma_wait3A_396 = arith.constant 0 : i32
    %dma_wait3A_397 = arith.constant 0 : i32
    %dma_wait3A_398 = tpu.memref_slice %arg4[%add3A, %dma_wait3A_395, %dma_wait3A_396, %dma_wait3A_397] : memref<32x80x1x128xi32, #tpu.memory_space<hbm>> -> memref<1x1x1x128xi32, #tpu.memory_space<hbm>>
    %dma_wait3A_399 = tpu.memref_squeeze %dma_wait3A_398 : memref<1x1x1x128xi32, #tpu.memory_space<hbm>> -> memref<128xi32, #tpu.memory_space<hbm>>
    %dma_wait3A_400 = arith.constant 0 : i32
    %dma_wait3A_401 = tpu.memref_slice %arg4[%add3A, %dma_wait3A_395, %dma_wait3A_396, %dma_wait3A_400] : memref<32x80x1x128xi32, #tpu.memory_space<hbm>> -> memref<1x1x1x128xi32, #tpu.memory_space<hbm>>
    %dma_wait3A_402 = tpu.memref_squeeze %dma_wait3A_401 : memref<1x1x1x128xi32, #tpu.memory_space<hbm>> -> memref<128xi32, #tpu.memory_space<hbm>>
    tpu.wait_dma2 semaphore(%arg24 : memref<!tpu.dma_semaphore, #tpu.memory_space<semaphore_mem>>) src(%dma_wait3A_402 : memref<128xi32, #tpu.memory_space<hbm>>) dst(%arg14 : memref<128xi32, #tpu.memory_space<vmem>>)
    %dma_wait3A_403 = arith.constant 0 : i32
    %dma_wait3A_404 = arith.constant 0 : i32
    %dma_wait3A_405 = arith.constant 0 : i32
    %dma_wait3A_406 = tpu.memref_slice %arg5[%add3A, %dma_wait3A_403, %dma_wait3A_404, %dma_wait3A_405] : memref<32x80x1x128xf32, #tpu.memory_space<hbm>> -> memref<1x1x1x128xf32, #tpu.memory_space<hbm>>
    %dma_wait3A_407 = tpu.memref_squeeze %dma_wait3A_406 : memref<1x1x1x128xf32, #tpu.memory_space<hbm>> -> memref<128xf32, #tpu.memory_space<hbm>>
    %dma_wait3A_408 = arith.constant 0 : i32
    %dma_wait3A_409 = tpu.memref_slice %arg5[%add3A, %dma_wait3A_403, %dma_wait3A_404, %dma_wait3A_408] : memref<32x80x1x128xf32, #tpu.memory_space<hbm>> -> memref<1x1x1x128xf32, #tpu.memory_space<hbm>>
    %dma_wait3A_410 = tpu.memref_squeeze %dma_wait3A_409 : memref<1x1x1x128xf32, #tpu.memory_space<hbm>> -> memref<128xf32, #tpu.memory_space<hbm>>
    tpu.wait_dma2 semaphore(%arg24 : memref<!tpu.dma_semaphore, #tpu.memory_space<semaphore_mem>>) src(%dma_wait3A_410 : memref<128xf32, #tpu.memory_space<hbm>>) dst(%arg16 : memref<128xf32, #tpu.memory_space<vmem>>)
    %scan3A_411 = arith.constant 0 : i32
    %scan3A_412 = arith.constant 0 : i32
    %scan3A_413 = arith.constant 128 : i32
    %scan3A_414 = arith.addi %scan3A_412, %scan3A_413 : i32
    %scan3A_415 = arith.constant 1 : i32
    scf.for %scan3A_455 = %scan3A_412 to %scan3A_414 step %scan3A_415  : i32 {
      %broadcast_in_dim3A = vector.broadcast %scan3A_455 : i32 to vector<16xi32>
      %gather3A = tpu.vector_load_idx %arg16[%broadcast_in_dim3A] : memref<128xf32, #tpu.memory_space<vmem>>[vector<16xi32>], vector<16xf32>,
      %get3A = arith.index_cast %scan3A_455 : i32 to index
      %get3A_456 = arith.constant 0 : index
      %get3A_457 = tpu.vector_load %arg10[%get3A, %get3A_456] {strides = array<i32>} : memref<128x64xf32, #tpu.memory_space<vmem>>, vector<16xf32>,
      %mul3A_458 = arith.mulf %get3A_457, %gather3A : vector<16xf32>
      %swap3A = arith.index_cast %scan3A_455 : i32 to index
      %swap3A_459 = arith.constant 0 : index
      %swap3A_460 = tpu.vector_load %arg10[%swap3A, %swap3A_459] {strides = array<i32>} : memref<128x64xf32, #tpu.memory_space<vmem>>, vector<16xf32>,
      tpu.vector_store %arg10[%swap3A, %swap3A_459], %mul3A_458 {strides = array<i32>} : memref<128x64xf32, #tpu.memory_space<vmem>>, vector<16xf32>,
      %get3A_461 = arith.index_cast %scan3A_455 : i32 to index
      %get3A_462 = arith.constant 16 : index
      %get3A_463 = tpu.vector_load %arg10[%get3A_461, %get3A_462] {strides = array<i32>} : memref<128x64xf32, #tpu.memory_space<vmem>>, vector<16xf32>,
      %mul3A_464 = arith.mulf %get3A_463, %gather3A : vector<16xf32>
      %swap3A_465 = arith.index_cast %scan3A_455 : i32 to index
      %swap3A_466 = arith.constant 16 : index
      %swap3A_467 = tpu.vector_load %arg10[%swap3A_465, %swap3A_466] {strides = array<i32>} : memref<128x64xf32, #tpu.memory_space<vmem>>, vector<16xf32>,
      tpu.vector_store %arg10[%swap3A_465, %swap3A_466], %mul3A_464 {strides = array<i32>} : memref<128x64xf32, #tpu.memory_space<vmem>>, vector<16xf32>,
      %get3A_468 = arith.index_cast %scan3A_455 : i32 to index
      %get3A_469 = arith.constant 32 : index
      %get3A_470 = tpu.vector_load %arg10[%get3A_468, %get3A_469] {strides = array<i32>} : memref<128x64xf32, #tpu.memory_space<vmem>>, vector<16xf32>,
      %mul3A_471 = arith.mulf %get3A_470, %gather3A : vector<16xf32>
      %swap3A_472 = arith.index_cast %scan3A_455 : i32 to index
      %swap3A_473 = arith.constant 32 : index
      %swap3A_474 = tpu.vector_load %arg10[%swap3A_472, %swap3A_473] {strides = array<i32>} : memref<128x64xf32, #tpu.memory_space<vmem>>, vector<16xf32>,
      tpu.vector_store %arg10[%swap3A_472, %swap3A_473], %mul3A_471 {strides = array<i32>} : memref<128x64xf32, #tpu.memory_space<vmem>>, vector<16xf32>,
      %get3A_475 = arith.index_cast %scan3A_455 : i32 to index
      %get3A_476 = arith.constant 48 : index
      %get3A_477 = tpu.vector_load %arg10[%get3A_475, %get3A_476] {strides = array<i32>} : memref<128x64xf32, #tpu.memory_space<vmem>>, vector<16xf32>,
      %mul3A_478 = arith.mulf %get3A_477, %gather3A : vector<16xf32>
      %swap3A_479 = arith.index_cast %scan3A_455 : i32 to index
      %swap3A_480 = arith.constant 48 : index
      %swap3A_481 = tpu.vector_load %arg10[%swap3A_479, %swap3A_480] {strides = array<i32>} : memref<128x64xf32, #tpu.memory_space<vmem>>, vector<16xf32>,
      tpu.vector_store %arg10[%swap3A_479, %swap3A_480], %mul3A_478 {strides = array<i32>} : memref<128x64xf32, #tpu.memory_space<vmem>>, vector<16xf32>,
    }
    %scan3A_416 = arith.constant 128 : i32
    %dma_start3A_417 = arith.constant 0 : i32
    %dma_start3A_418 = arith.constant 0 : i32
    %dma_start3A_419 = tpu.memref_slice %arg8[%dma_start3A_417, %dma_start3A_418] : memref<10000x64xf32, #tpu.memory_space<vmem_shared>> -> memref<10000x64xf32, #tpu.memory_space<vmem_shared>>
    tpu.enqueue_indirect_dma source(%arg10 : memref<128x64xf32, #tpu.memory_space<vmem>>) target(%dma_start3A_419 : memref<10000x64xf32, #tpu.memory_space<vmem_shared>>) offsets(%arg14 : memref<128xi32, #tpu.memory_space<vmem>>) semaphore(%arg20 : memref<!tpu.dma_semaphore, #tpu.memory_space<semaphore_mem>>) {add = true}
    %dma_wait3A_420 = arith.constant 0 : i32
    %dma_wait3A_421 = arith.constant 0 : i32
    %dma_wait3A_422 = tpu.memref_slice %arg8[%dma_wait3A_420, %dma_wait3A_421] : memref<10000x64xf32, #tpu.memory_space<vmem_shared>> -> memref<10000x64xf32, #tpu.memory_space<vmem_shared>>
    tpu.wait_indirect_dma semaphore(%arg19 : memref<!tpu.dma_semaphore, #tpu.memory_space<semaphore_mem>>) src(%arg9 : memref<128x64xf32, #tpu.memory_space<vmem>>) dst(%dma_wait3A_422 : memref<10000x64xf32, #tpu.memory_space<vmem_shared>>)
    %dma_wait3A_423 = arith.constant 0 : i32
    %dma_wait3A_424 = arith.constant 0 : i32
    %dma_wait3A_425 = tpu.memref_slice %arg8[%dma_wait3A_423, %dma_wait3A_424] : memref<10000x64xf32, #tpu.memory_space<vmem_shared>> -> memref<10000x64xf32, #tpu.memory_space<vmem_shared>>
    tpu.wait_indirect_dma semaphore(%arg20 : memref<!tpu.dma_semaphore, #tpu.memory_space<semaphore_mem>>) src(%arg10 : memref<128x64xf32, #tpu.memory_space<vmem>>) dst(%dma_wait3A_425 : memref<10000x64xf32, #tpu.memory_space<vmem_shared>>)
    %barrier3A_426 = arith.constant 0 : index
    tpu.barrier barrier_id(%barrier3A_426)
    %add3A_427 = arith.constant 0 : i32
    %add3A_428 = arith.addi %arg1, %add3A_427 : i32
    %lt3A_429 = arith.constant 50 : i32
    %lt3A_430 = arith.cmpi slt, %add3A_428, %lt3A_429 : i32
    %convert_element_type3A_431 = arith.extui %lt3A_430 : i1 to i32
    %cond3A_432 = arith.constant 0 : i32
    %cond3A_433 = arith.cmpi ne, %convert_element_type3A_431, %cond3A_432 : i32
    scf.if %cond3A_433 {
      %mul3A_455 = arith.constant 200 : i32
      %mul3A_456 = arith.muli %add3A_428, %mul3A_455 : i32
      %run_scoped3A = arith.constant 1 : i32
      "tpu.region"() ({
        %run_scoped3A_457 = tpu.sem_alloc : memref<!tpu.dma_semaphore, #tpu.memory_space<semaphore_mem>>
        %dma_start3A_458 = arith.constant 0 : i32
        %dma_start3A_459 = tpu.memref_slice %arg6[%arg0, %run_scoped3A, %mul3A_456, %dma_start3A_458] : memref<2x2x10000x64xf32, #tpu.memory_space<hbm>> -> memref<1x1x200x64xf32, #tpu.memory_space<hbm>>
        %dma_start3A_460 = tpu.memref_squeeze %dma_start3A_459 : memref<1x1x200x64xf32, #tpu.memory_space<hbm>> -> memref<200x64xf32, #tpu.memory_space<hbm>>
        %dma_start3A_461 = arith.constant 0 : i32
        %dma_start3A_462 = tpu.memref_slice %arg8[%mul3A_456, %dma_start3A_461] : memref<10000x64xf32, #tpu.memory_space<vmem_shared>> -> memref<200x64xf32, #tpu.memory_space<vmem_shared>>
        tpu.enqueue_dma source(%dma_start3A_462 : memref<200x64xf32, #tpu.memory_space<vmem_shared>>) target(%dma_start3A_460 : memref<200x64xf32, #tpu.memory_space<hbm>>) target_semaphore(%run_scoped3A_457 : memref<!tpu.dma_semaphore, #tpu.memory_space<semaphore_mem>>)
        %dma_wait3A_463 = arith.constant 0 : i32
        %dma_wait3A_464 = tpu.memref_slice %arg6[%arg0, %run_scoped3A, %mul3A_456, %dma_wait3A_463] : memref<2x2x10000x64xf32, #tpu.memory_space<hbm>> -> memref<1x1x200x64xf32, #tpu.memory_space<hbm>>
        %dma_wait3A_465 = tpu.memref_squeeze %dma_wait3A_464 : memref<1x1x200x64xf32, #tpu.memory_space<hbm>> -> memref<200x64xf32, #tpu.memory_space<hbm>>
        %dma_wait3A_466 = arith.constant 0 : i32
        %dma_wait3A_467 = tpu.memref_slice %arg8[%mul3A_456, %dma_wait3A_466] : memref<10000x64xf32, #tpu.memory_space<vmem_shared>> -> memref<200x64xf32, #tpu.memory_space<vmem_shared>>
        tpu.wait_dma2 semaphore(%run_scoped3A_457 : memref<!tpu.dma_semaphore, #tpu.memory_space<semaphore_mem>>) src(%dma_wait3A_467 : memref<200x64xf32, #tpu.memory_space<vmem_shared>>) dst(%dma_wait3A_465 : memref<200x64xf32, #tpu.memory_space<hbm>>)
        tpu.yield
      }) : () -> ()
    } else {
    }
    %add3A_434 = arith.constant 16 : i32
    %add3A_435 = arith.addi %arg1, %add3A_434 : i32
    %lt3A_436 = arith.constant 50 : i32
    %lt3A_437 = arith.cmpi slt, %add3A_435, %lt3A_436 : i32
    %convert_element_type3A_438 = arith.extui %lt3A_437 : i1 to i32
    %cond3A_439 = arith.constant 0 : i32
    %cond3A_440 = arith.cmpi ne, %convert_element_type3A_438, %cond3A_439 : i32
    scf.if %cond3A_440 {
      %mul3A_455 = arith.constant 200 : i32
      %mul3A_456 = arith.muli %add3A_435, %mul3A_455 : i32
      %run_scoped3A = arith.constant 1 : i32
      "tpu.region"() ({
        %run_scoped3A_457 = tpu.sem_alloc : memref<!tpu.dma_semaphore, #tpu.memory_space<semaphore_mem>>
        %dma_start3A_458 = arith.constant 0 : i32
        %dma_start3A_459 = tpu.memref_slice %arg6[%arg0, %run_scoped3A, %mul3A_456, %dma_start3A_458] : memref<2x2x10000x64xf32, #tpu.memory_space<hbm>> -> memref<1x1x200x64xf32, #tpu.memory_space<hbm>>
        %dma_start3A_460 = tpu.memref_squeeze %dma_start3A_459 : memref<1x1x200x64xf32, #tpu.memory_space<hbm>> -> memref<200x64xf32, #tpu.memory_space<hbm>>
        %dma_start3A_461 = arith.constant 0 : i32
        %dma_start3A_462 = tpu.memref_slice %arg8[%mul3A_456, %dma_start3A_461] : memref<10000x64xf32, #tpu.memory_space<vmem_shared>> -> memref<200x64xf32, #tpu.memory_space<vmem_shared>>
        tpu.enqueue_dma source(%dma_start3A_462 : memref<200x64xf32, #tpu.memory_space<vmem_shared>>) target(%dma_start3A_460 : memref<200x64xf32, #tpu.memory_space<hbm>>) target_semaphore(%run_scoped3A_457 : memref<!tpu.dma_semaphore, #tpu.memory_space<semaphore_mem>>)
        %dma_wait3A_463 = arith.constant 0 : i32
        %dma_wait3A_464 = tpu.memref_slice %arg6[%arg0, %run_scoped3A, %mul3A_456, %dma_wait3A_463] : memref<2x2x10000x64xf32, #tpu.memory_space<hbm>> -> memref<1x1x200x64xf32, #tpu.memory_space<hbm>>
        %dma_wait3A_465 = tpu.memref_squeeze %dma_wait3A_464 : memref<1x1x200x64xf32, #tpu.memory_space<hbm>> -> memref<200x64xf32, #tpu.memory_space<hbm>>
        %dma_wait3A_466 = arith.constant 0 : i32
        %dma_wait3A_467 = tpu.memref_slice %arg8[%mul3A_456, %dma_wait3A_466] : memref<10000x64xf32, #tpu.memory_space<vmem_shared>> -> memref<200x64xf32, #tpu.memory_space<vmem_shared>>
        tpu.wait_dma2 semaphore(%run_scoped3A_457 : memref<!tpu.dma_semaphore, #tpu.memory_space<semaphore_mem>>) src(%dma_wait3A_467 : memref<200x64xf32, #tpu.memory_space<vmem_shared>>) dst(%dma_wait3A_465 : memref<200x64xf32, #tpu.memory_space<hbm>>)
        tpu.yield
      }) : () -> ()
    } else {
    }
    %add3A_441 = arith.constant 32 : i32
    %add3A_442 = arith.addi %arg1, %add3A_441 : i32
    %lt3A_443 = arith.constant 50 : i32
    %lt3A_444 = arith.cmpi slt, %add3A_442, %lt3A_443 : i32
    %convert_element_type3A_445 = arith.extui %lt3A_444 : i1 to i32
    %cond3A_446 = arith.constant 0 : i32
    %cond3A_447 = arith.cmpi ne, %convert_element_type3A_445, %cond3A_446 : i32
    scf.if %cond3A_447 {
      %mul3A_455 = arith.constant 200 : i32
      %mul3A_456 = arith.muli %add3A_442, %mul3A_455 : i32
      %run_scoped3A = arith.constant 1 : i32
      "tpu.region"() ({
        %run_scoped3A_457 = tpu.sem_alloc : memref<!tpu.dma_semaphore, #tpu.memory_space<semaphore_mem>>
        %dma_start3A_458 = arith.constant 0 : i32
        %dma_start3A_459 = tpu.memref_slice %arg6[%arg0, %run_scoped3A, %mul3A_456, %dma_start3A_458] : memref<2x2x10000x64xf32, #tpu.memory_space<hbm>> -> memref<1x1x200x64xf32, #tpu.memory_space<hbm>>
        %dma_start3A_460 = tpu.memref_squeeze %dma_start3A_459 : memref<1x1x200x64xf32, #tpu.memory_space<hbm>> -> memref<200x64xf32, #tpu.memory_space<hbm>>
        %dma_start3A_461 = arith.constant 0 : i32
        %dma_start3A_462 = tpu.memref_slice %arg8[%mul3A_456, %dma_start3A_461] : memref<10000x64xf32, #tpu.memory_space<vmem_shared>> -> memref<200x64xf32, #tpu.memory_space<vmem_shared>>
        tpu.enqueue_dma source(%dma_start3A_462 : memref<200x64xf32, #tpu.memory_space<vmem_shared>>) target(%dma_start3A_460 : memref<200x64xf32, #tpu.memory_space<hbm>>) target_semaphore(%run_scoped3A_457 : memref<!tpu.dma_semaphore, #tpu.memory_space<semaphore_mem>>)
        %dma_wait3A_463 = arith.constant 0 : i32
        %dma_wait3A_464 = tpu.memref_slice %arg6[%arg0, %run_scoped3A, %mul3A_456, %dma_wait3A_463] : memref<2x2x10000x64xf32, #tpu.memory_space<hbm>> -> memref<1x1x200x64xf32, #tpu.memory_space<hbm>>
        %dma_wait3A_465 = tpu.memref_squeeze %dma_wait3A_464 : memref<1x1x200x64xf32, #tpu.memory_space<hbm>> -> memref<200x64xf32, #tpu.memory_space<hbm>>
        %dma_wait3A_466 = arith.constant 0 : i32
        %dma_wait3A_467 = tpu.memref_slice %arg8[%mul3A_456, %dma_wait3A_466] : memref<10000x64xf32, #tpu.memory_space<vmem_shared>> -> memref<200x64xf32, #tpu.memory_space<vmem_shared>>
        tpu.wait_dma2 semaphore(%run_scoped3A_457 : memref<!tpu.dma_semaphore, #tpu.memory_space<semaphore_mem>>) src(%dma_wait3A_467 : memref<200x64xf32, #tpu.memory_space<vmem_shared>>) dst(%dma_wait3A_465 : memref<200x64xf32, #tpu.memory_space<hbm>>)
        tpu.yield
      }) : () -> ()
    } else {
    }
    %add3A_448 = arith.constant 48 : i32
    %add3A_449 = arith.addi %arg1, %add3A_448 : i32
    %lt3A_450 = arith.constant 50 : i32
    %lt3A_451 = arith.cmpi slt, %add3A_449, %lt3A_450 : i32
    %convert_element_type3A_452 = arith.extui %lt3A_451 : i1 to i32
    %cond3A_453 = arith.constant 0 : i32
    %cond3A_454 = arith.cmpi ne, %convert_element_type3A_452, %cond3A_453 : i32
    scf.if %cond3A_454 {
      %mul3A_455 = arith.constant 200 : i32
      %mul3A_456 = arith.muli %add3A_449, %mul3A_455 : i32
      %run_scoped3A = arith.constant 1 : i32
      "tpu.region"() ({
        %run_scoped3A_457 = tpu.sem_alloc : memref<!tpu.dma_semaphore, #tpu.memory_space<semaphore_mem>>
        %dma_start3A_458 = arith.constant 0 : i32
        %dma_start3A_459 = tpu.memref_slice %arg6[%arg0, %run_scoped3A, %mul3A_456, %dma_start3A_458] : memref<2x2x10000x64xf32, #tpu.memory_space<hbm>> -> memref<1x1x200x64xf32, #tpu.memory_space<hbm>>
        %dma_start3A_460 = tpu.memref_squeeze %dma_start3A_459 : memref<1x1x200x64xf32, #tpu.memory_space<hbm>> -> memref<200x64xf32, #tpu.memory_space<hbm>>
        %dma_start3A_461 = arith.constant 0 : i32
        %dma_start3A_462 = tpu.memref_slice %arg8[%mul3A_456, %dma_start3A_461] : memref<10000x64xf32, #tpu.memory_space<vmem_shared>> -> memref<200x64xf32, #tpu.memory_space<vmem_shared>>
        tpu.enqueue_dma source(%dma_start3A_462 : memref<200x64xf32, #tpu.memory_space<vmem_shared>>) target(%dma_start3A_460 : memref<200x64xf32, #tpu.memory_space<hbm>>) target_semaphore(%run_scoped3A_457 : memref<!tpu.dma_semaphore, #tpu.memory_space<semaphore_mem>>)
        %dma_wait3A_463 = arith.constant 0 : i32
        %dma_wait3A_464 = tpu.memref_slice %arg6[%arg0, %run_scoped3A, %mul3A_456, %dma_wait3A_463] : memref<2x2x10000x64xf32, #tpu.memory_space<hbm>> -> memref<1x1x200x64xf32, #tpu.memory_space<hbm>>
        %dma_wait3A_465 = tpu.memref_squeeze %dma_wait3A_464 : memref<1x1x200x64xf32, #tpu.memory_space<hbm>> -> memref<200x64xf32, #tpu.memory_space<hbm>>
        %dma_wait3A_466 = arith.constant 0 : i32
        %dma_wait3A_467 = tpu.memref_slice %arg8[%mul3A_456, %dma_wait3A_466] : memref<10000x64xf32, #tpu.memory_space<vmem_shared>> -> memref<200x64xf32, #tpu.memory_space<vmem_shared>>
        tpu.wait_dma2 semaphore(%run_scoped3A_457 : memref<!tpu.dma_semaphore, #tpu.memory_space<semaphore_mem>>) src(%dma_wait3A_467 : memref<200x64xf32, #tpu.memory_space<vmem_shared>>) dst(%dma_wait3A_465 : memref<200x64xf32, #tpu.memory_space<hbm>>)
        tpu.yield
      }) : () -> ()
    } else {
    }
    return
  }
}

module attributes {stable_mosaic.version = 14 : i64} {
  func.func @_combine_body(%arg0: i32, %arg1: memref<2x2x2000x64xf32, #tpu.memory_space<vmem>>, %arg2: memref<2000x128xf32, #tpu.memory_space<vmem>>) attributes {dimension_semantics = [#tpu.dimension_semantics<arbitrary>], iteration_bounds = array<i64: 5>, scalar_prefetch = 0 : i64, scratch_operands = 0 : i64, tpu.core_type = #tpu.core_type<tc>, window_params = [{transform_indices = @transform_0, window_bounds = array<i64: 2, 2, 2000, 64>}, {transform_indices = @transform_1, window_bounds = array<i64: 2000, 128>}]} {
    %get3A = arith.constant 0 : index
    %get3A_0 = arith.constant 0 : index
    %get3A_1 = arith.constant 0 : index
    %get3A_2 = arith.constant 0 : index
    %get3A_3 = vector.load %arg1[%get3A, %get3A_0, %get3A_1, %get3A_2] : memref<2x2x2000x64xf32, #tpu.memory_space<vmem>>, vector<1x1x2000x64xf32>
    %get3A_4 = vector.shape_cast %get3A_3 : vector<1x1x2000x64xf32> to vector<2000x64xf32>
    %get3A_5 = arith.constant 1 : index
    %get3A_6 = arith.constant 0 : index
    %get3A_7 = arith.constant 0 : index
    %get3A_8 = arith.constant 0 : index
    %get3A_9 = vector.load %arg1[%get3A_5, %get3A_6, %get3A_7, %get3A_8] : memref<2x2x2000x64xf32, #tpu.memory_space<vmem>>, vector<1x1x2000x64xf32>
    %get3A_10 = vector.shape_cast %get3A_9 : vector<1x1x2000x64xf32> to vector<2000x64xf32>
    %add3A = arith.addf %get3A_4, %get3A_10 : vector<2000x64xf32>
    %swap3A = arith.constant 0 : index
    %swap3A_11 = arith.constant 0 : index
    %swap3A_12 = vector.load %arg2[%swap3A, %swap3A_11] : memref<2000x128xf32, #tpu.memory_space<vmem>>, vector<2000x64xf32>
    tpu.vector_store %arg2[%swap3A, %swap3A_11], %add3A {strides = array<i32>} : memref<2000x128xf32, #tpu.memory_space<vmem>>, vector<2000x64xf32>,
    %get3A_13 = arith.constant 0 : index
    %get3A_14 = arith.constant 1 : index
    %get3A_15 = arith.constant 0 : index
    %get3A_16 = arith.constant 0 : index
    %get3A_17 = vector.load %arg1[%get3A_13, %get3A_14, %get3A_15, %get3A_16] : memref<2x2x2000x64xf32, #tpu.memory_space<vmem>>, vector<1x1x2000x64xf32>
    %get3A_18 = vector.shape_cast %get3A_17 : vector<1x1x2000x64xf32> to vector<2000x64xf32>
    %get3A_19 = arith.constant 1 : index
    %get3A_20 = arith.constant 1 : index
    %get3A_21 = arith.constant 0 : index
    %get3A_22 = arith.constant 0 : index
    %get3A_23 = vector.load %arg1[%get3A_19, %get3A_20, %get3A_21, %get3A_22] : memref<2x2x2000x64xf32, #tpu.memory_space<vmem>>, vector<1x1x2000x64xf32>
    %get3A_24 = vector.shape_cast %get3A_23 : vector<1x1x2000x64xf32> to vector<2000x64xf32>
    %add3A_25 = arith.addf %get3A_18, %get3A_24 : vector<2000x64xf32>
    %swap3A_26 = arith.constant 0 : index
    %swap3A_27 = arith.constant 64 : index
    %swap3A_28 = vector.load %arg2[%swap3A_26, %swap3A_27] : memref<2000x128xf32, #tpu.memory_space<vmem>>, vector<2000x64xf32>
    tpu.vector_store %arg2[%swap3A_26, %swap3A_27], %add3A_25 {strides = array<i32>} : memref<2000x128xf32, #tpu.memory_space<vmem>>, vector<2000x64xf32>,
    return
  }
  func.func @transform_0(%arg0: i32) -> (i32, i32, i32, i32) {
    %c0_i32 = arith.constant 0 : i32
    %c0_i32_0 = arith.constant 0 : i32
    %c0_i32_1 = arith.constant 0 : i32
    %c0_i32_2 = arith.constant 0 : i32
    return %c0_i32, %c0_i32_0, %arg0, %c0_i32_1 : i32, i32, i32, i32
  }
  func.func @transform_1(%arg0: i32) -> (i32, i32) {
    %c0_i32 = arith.constant 0 : i32
    %c0_i32_0 = arith.constant 0 : i32
    return %arg0, %c0_i32 : i32, i32
  }
}

</mosaic_0001>

<sc_bundles>
// kernel: kernel.4.cloned.1.call-start
scs
__scs_entry_jumppad:
0x0: {  	(pc) =	sbr.rel $0x88, $3  }
0x1: {  	(tag) =	ssettag $0x0;
	lr =	simm.s32 $0x1  }
0x2: {  	[smem:$0x3F9E] =	sst lr;
	_ =	strace $0xD0000000  }
0x3: {  	_ = 	snop  }
0x4: {  	_ = 	snop  }
0x5: {  	_ = 	snop  }
0x6: {  	_ = 	snop  }
0x7: {  	_ = 	snop  }
__scs_overlays_trampoline_lowered:
0x8: {  	[smem:$0x3FAD] =	sst s0  }
0x9: {  	[smem:$0x3FAE] =	sst s1  }
0xa: {  	[smem:$0x3FAF] =	sst s2  }
0xb: {  	[smem:$0x3FB0] =	sst s3  }
0xc: {  	[smem:$0x3FB1] =	sst s4  }
0xd: {  	[smem:$0x3FB2] =	sst s5  }
0xe: {  	[smem:$0x3FB3] =	sst s6  }
0xf: {  	[smem:$0x3FB4] =	sst s7  }
0x10: {  	[smem:$0x3FB5] =	sst s8  }
0x11: {  	[smem:$0x3FB6] =	sst s9;
	s0 =	simm.s32 @!p0 $0x0  }
0x12: {  	s1 =	sld [smem:$0x3F9C];
	s0 =	simm.s32 @p0 $0x1  }
0x13: {  	[smem:$0x3FB7] =	sst s0;
	s0 =	simm.s32 @!p1 $0x0  }
0x14: {  	s2 =	sld [smem:$0x3F9B];
	s0 =	simm.s32 @p1 $0x1  }
0x15: {  	[smem:$0x3FB8] =	sst s0;
	s0 =	simm.s32 @!p2 $0x0  }
0x16: {  	s3 =	sld [smem:$0x3FDB];
	s0 =	simm.s32 @p2 $0x1  }
0x17: {  	s4 =	simm.s32 $0x1BF5;
	[smem:$0x3FBA] =	sst s0  }
0x18: {  	s0 =	sld [smem:$0x3F9D];
	_ =	swait.ge [sflag:s4], $0x0  }
0x19: {  	s7 =	sld [smem:$0x3F9E]  }
0x1a: {  	s8 =	sadd.s32 $0xFFFFE003, lr  }
0x1b: {  	s9 =	sadd.s32 $0xFFFFFEF7, lr;
	s5 =	simm.s32 $0xFFFFFFFF;
	p2 =	slt.u32 s8, $0xFFFFF086  }
0x1c: {  	p1 =	slt.u32 s9, $0xF7A;
	s5 =	simm.s32 @!p2 $0x0  }
0x1d: {  	s5 =	simm.s32 @p1 $0x1;
	p0 =	seq.s32 s7, s2  }
0x1e: {  	s7 =	smul.u32 @!p0 $0xF7A, s2;
	p2 =	seq.s32 @!p0 s5, $0x0  }
0x1f: {  	s9 =	smul.u32 $0xF7A, s1;
	s8 =	simm.s32 @!p0 $0x1BF5;
	p2 =	por !p2, p0  }
0x20: {  	[sflag:s8] =	ssyncset.s32 @!p0 $0xFFFFF086;
	s6 =	sadd.s32 @!p0 s3, s7;
	s7 =	simm.s32 @!p0 $0x108  }
0x21: {  	s3 =	sadd.s32 s3, s9;
	s6 =	sadd.s32 @!p0 $0x88, s6;
	s7 =	simm.s32 @p2 $0x1082  }
0x22: {  	[simem:s7], [sflag:s8] =	dma.local @!p0 [hbm:s6], $0xF7A  }
0x23: {  	s9 =	sor.u32 $0xD0000000, s2;
	s6 =	simm.s32 $0x108;
	_ =	swait.ge @!p0 [sflag:s8], $0x0  }
0x24: {  	s3 =	sadd.s32 $0x88, s3;
	s6 =	simm.s32 @!p1 $0x1082;
	[sflag:s4] =	ssyncset.s32 $0xFFFFF086  }
0x25: {  	[simem:s6], [sflag:s4] =	dma.local [hbm:s3], $0xF7A  }
0x26: {  	[smem:$0x3F9E] =	sst s1;
	(tag) =	ssettag s2;
	_ =	strace s9  }
0x27: {  	s1 =	sld [smem:$0x3FAE]  }
0x28: {  	s2 =	sld [smem:$0x3FAF]  }
0x29: {  	s4 =	sld [smem:$0x3FB1]  }
0x2a: {  	p0 =	seq.s32 s5, $0x0;
	s5 =	sld [smem:$0x3FB2]  }
0x2b: {  	s6 =	sld [smem:$0x3FB3]  }
0x2c: {  	s7 =	sld [smem:$0x3FB4]  }
0x2d: {  	s3 =	simm.s32 $0x108;
	s8 =	sld [smem:$0x3FB5]  }
0x2e: {  	s3 =	simm.s32 @!p0 $0x1082;
	s9 =	sld [smem:$0x3FB6]  }
0x2f: {  	lr =	sadd.s32 s0, s3;
	s0 =	sld [smem:$0x3FAD]  }
0x30: {  	s3 =	sld [smem:$0x3FB0]  }
0x31: {  	[smem:$0x3FB9] =	sst s10  }
0x32: {  	s10 =	sld [smem:$0x3FB7];
	_ =	sdelay $0x3  }
0x33: {  	p0 =	seq.s32 s10, $0x1;
	s10 =	sld [smem:$0x3FB9];
	_ =	sdelay $0x3  }
0x34: {  	[smem:$0x3FB9] =	sst s10  }
0x35: {  	s10 =	sld [smem:$0x3FB8];
	_ =	sdelay $0x3  }
0x36: {  	p1 =	seq.s32 s10, $0x1;
	s10 =	sld [smem:$0x3FB9];
	_ =	sdelay $0x3  }
0x37: {  	[smem:$0x3FB9] =	sst s10  }
0x38: {  	s10 =	sld [smem:$0x3FBA]  }
0x39: {  	_ = 	snop;
	(pc) =	sbr.ind lr, $3  }
0x3a: {  	_ = 	snop  }
0x3b: {  	_ = 	snop  }
0x3c: {  	p2 =	seq.s32 s10, $0x1;
	s10 =	sld [smem:$0x3FB9]  }
0x3d: {  	_ =	shalt  }
0x3e: {  	_ =	shalt  }
0x3f: {  	_ =	shalt  }
0x40: {  	_ =	shalt  }
0x41: {  	_ =	shalt  }
0x42: {  	_ =	shalt  }
0x43: {  	_ =	shalt  }
0x44: {  	_ =	shalt  }
0x45: {  	_ =	shalt  }
0x46: {  	_ =	shalt  }
0x47: {  	_ =	shalt  }
0x48: {  	_ =	shalt  }
0x49: {  	_ =	shalt  }
0x4a: {  	_ =	shalt  }
0x4b: {  	_ =	shalt  }
0x4c: {  	_ =	shalt  }
0x4d: {  	_ =	shalt  }
0x4e: {  	_ =	shalt  }
0x4f: {  	_ =	shalt  }
0x50: {  	_ =	shalt  }
0x51: {  	_ =	shalt  }
0x52: {  	_ =	shalt  }
0x53: {  	_ =	shalt  }
0x54: {  	_ =	shalt  }
0x55: {  	_ =	shalt  }
0x56: {  	_ =	shalt  }
0x57: {  	_ =	shalt  }
0x58: {  	_ =	shalt  }
0x59: {  	_ =	shalt  }
0x5a: {  	_ =	shalt  }
0x5b: {  	_ =	shalt  }
0x5c: {  	_ =	shalt  }
0x5d: {  	_ =	shalt  }
0x5e: {  	_ =	shalt  }
0x5f: {  	_ =	shalt  }
0x60: {  	_ =	shalt  }
0x61: {  	_ =	shalt  }
0x62: {  	_ =	shalt  }
0x63: {  	_ =	shalt  }
0x64: {  	_ =	shalt  }
0x65: {  	_ =	shalt  }
0x66: {  	_ =	shalt  }
0x67: {  	_ =	shalt  }
0x68: {  	_ =	shalt  }
0x69: {  	_ =	shalt  }
0x6a: {  	_ =	shalt  }
0x6b: {  	_ =	shalt  }
0x6c: {  	_ =	shalt  }
0x6d: {  	_ =	shalt  }
0x6e: {  	_ =	shalt  }
0x6f: {  	_ =	shalt  }
0x70: {  	_ =	shalt  }
0x71: {  	_ =	shalt  }
0x72: {  	_ =	shalt  }
0x73: {  	_ =	shalt  }
0x74: {  	_ =	shalt  }
0x75: {  	_ =	shalt  }
0x76: {  	_ =	shalt  }
0x77: {  	_ =	shalt  }
0x78: {  	_ =	shalt  }
0x79: {  	_ =	shalt  }
0x7a: {  	_ =	shalt  }
0x7b: {  	_ =	shalt  }
0x7c: {  	_ =	shalt  }
0x7d: {  	_ =	shalt  }
0x7e: {  	_ =	shalt  }
0x7f: {  	_ =	shalt  }
0x80: {  	_ =	shalt  }
0x81: {  	_ =	shalt  }
0x82: {  	_ =	shalt  }
0x83: {  	_ =	shalt  }
0x84: {  	_ =	shalt  }
0x85: {  	_ =	shalt  }
0x86: {  	_ =	shalt  }
0x87: {  	_ =	shalt  }
.Lfunc_end0:
.L_simem_size_0:
called_computation_lowered:
.L_overlay_start_0:
0x88: {  	s2 =	sld [smem:$0x3FD9]  }
0x89: {  	s3 =	sld [smem:$0x3FFE];
	_ =	sdelay $0x1  }
0x8a: {  	s1 =	srdreg.scid  }
0x8b: {  	s0 =	sand.u32 $0x1, s1  }
0x8c: {  	s17 =	sshll.u32 s0, $0xA;
	s2 =	sadd.s32 s3, s2  }
0x8d: {  	s2 =	sadd.s32 s2, s17  }
0x8e: {  	[smem:$0x3FC5] =	sst s2  }
0x8f: {  	_ = 	snop  }
0x90: {  	s2 =	sld [smem:$0x3FD0];
	(tm) =	ssettm $0x1  }
0x91: {  	s18 =	sld [smem:$0x3FFB];
	_ =	sdelay $0x3  }
0x92: {  	_ =	strace s18  }
0x93: {  	s3 =	sld [smem:$0x3FFC];
	_ =	sdelay $0x3  }
0x94: {  	_ =	strace s3  }
0x95: {  	s3 =	sld [smem:$0x3FFD];
	_ =	sdelay $0x3  }
0x96: {  	_ =	strace s3  }
0x97: {  	_ =	strace $0x8FFFFFFF  }
0x98: {  	s19 =	sld [smem:$0x3FDB];
	_ =	sdelay $0x1  }
0x99: {  	s4 =	simm.s32 $_scs_section_size  }
0x9a: {  	s5 =	simm.s32 $_size__tile_overlayer_lowered;
	s6 =	simm.s32 $_tile_overlayer_lowered  }
0x9b: {  	s22 =	simm.s32 $0x1BFF;
	s21 =	sshll.u32 s6, $0x1;
	s3 =	sadd.s32 s4, s19  }
0x9c: {  	s7 =	simm.s32 $0x0;
	s20 =	sshll.u32 s5, $0x1;
	s5 =	sadd.s32 s21, s3  }
0x9d: {  	[timem:s7], [sflag:s22] =	dma.local [hbm:s5], s20  }
0x9e: {  	_ =	swait.ge [sflag:s22], s20  }
0x9f: {  	s4 =	ssub.s32 $0x0, s20;
	[sflag:s22] =	ssyncset.done $0x0  }
0xa0: {  	[sflag:s22] =	ssyncadd.s32 s4;
	_ =	sdelay $0x1  }
0xa1: {  	s23 =	simm.s32 $0x1B8B  }
0xa2: {  	_ =	swait.ge [sflag:s23], $0x1  }
0xa3: {  	[sflag:s23] =	ssyncset.done $0x0  }
0xa4: {  	s25 =	simm.s32 $0x1B8E;
	s24 =	sld [smem:$0x3FFE];
	[sflag:s23] =	ssyncadd.s32 $0xFFFFFFFF  }
0xa5: {  	s26 =	simm.s32 $execute0_lowered;
	[smem:$0x3FD2] =	sst s25  }
0xa6: {  	s5 =	sshll.u32 s26, $0x1;
	_ =	strace $0x80000046;
	[dreg:$0x1] =	wrdreg $0xFFFFFFFF  }
0xa7: {  	s28 =	simm.s32 $_size_execute0_lowered;
	s3 =	sadd.s32 s3, s5;
	[dreg:$0x0] =	wrdreg $0x0  }
0xa8: {  	s5 =	sshll.u32 s28, $0x1;
	[dreg:$0x2] =	wrdreg s3  }
0xa9: {  	[dreg:$0x3] =	wrdreg s5  }
0xaa: {  	[dreg:$0x4] =	wrdreg $0xC0  }
0xab: {  	_ =	task [dreg:s7], $0x5FFFF  }
0xac: {  	[dreg:$0x1] =	wrdreg $0xFFFFFFFF  }
0xad: {  	[dreg:$0x0] =	wrdreg $0x60  }
0xae: {  	[dreg:$0x2] =	wrdreg s2  }
0xaf: {  	[dreg:$0x3] =	wrdreg s24  }
0xb0: {  	[dreg:$0x4] =	wrdreg $0x0  }
0xb1: {  	[dreg:$0x5] =	wrdreg $0x9C400  }
0xb2: {  	[dreg:$0x6] =	wrdreg $0x9  }
0xb3: {  	_ =	task.clear_ibuf [dreg:s7], $0x7FFFF;
	_ =	strace $0x90000046  }
0xb4: {  	s29 =	simm.s32 $0x9;
	_ =	strace $0x80000048  }
0xb5: {  	_ =	swait.ge [sflag:s29], $0x1  }
0xb6: {  	[sflag:s29] =	ssyncadd.s32 $0xFFFFFFFF  }
0xb7: {  	_ =	strace $0x90000048  }
0xb8: {  	_ =	sfence  }
0xb9: {  	s30 =	sld [smem:$0x0];
	_ =	sdelay $0x2  }
0xba: {  	s31 =	sshll.u32 s1, $0xD;
	s1 =	sshrl.u32 s1, $0x2  }
0xbb: {  	s3 =	sand.u32 $0x4000, s31;
	s1 =	sadd.s32 s1, s30  }
0xbc: {  	s0 =	sor.u32 s3, s0;
	s1 =	sshll.u32 s1, $0x11  }
0xbd: {  	s0 =	sor.u32 s1, s0  }
0xbe: {  	s0 =	sadd.s32 $0x8F2B, s0  }
0xbf: {  	[sflag:s0] =	ssyncadd.remote.s32 $0x1  }
0xc0: {  	_ =	sfence.sel $0xFFFF  }
0xc1: {  	[dreg:$0x0] =	wrdreg $0xFFFFFFFF;
	(pc) =	sbr.abs _section_cstart, $3  }
0xc2: {  	[dreg:$0x1] =	wrdreg $0xFFFFFFFF  }
0xc3: {  	_ =	task.clear_ibuf [dreg:s7], $0x2FFFF;
	_ =	strace $0x9FFFFFFF  }
0xc4: {  	(tm) =	ssettm $0x7FFFFFFF  }
0xc5: {  	_ =	shalt  }
tec
execute0_lowered:
.L_overlay_start_1:
0x0: {  	(tag) =	ssettag $0x1  }
0x1: {  	s2 =	rddreg [dreg:$0x0];
	s21 =	stileid.u32  }
0x2: {  	s0 =	srdreg.scid;
	s1 =	simm.s32 $0x0;
	s4 =	smul.u32 $0x1400, s21  }
0x3: {  	s28 =	rddreg [dreg:$0x2];
	s5 =	sor.u32 $0x10, s21;
	s20 =	smul.u32 $0x3200, s21  }
0x4: {  	s3 =	sand.u32 $0x1, s0;
	s9 =	sor.u32 $0x30, s21;
	s7 =	smul.u32 $0x1400, s5  }
0x5: {  	s8 =	sor.u32 $0x20, s21;
	s0 =	ssub.s32 $0x2, s3;
	s12 =	smul.u32 $0x1400, s9  }
0x6: {  	[smem:$0x7FF] =	sst s1;
	s5 =	smul.u32 $0x3200, s5;
	s6 =	sshrl.u32 s0, $0x1  }
0x7: {  	s9 =	smul.u32 $0x3200, s9;
	s10 =	sshrl.u32 s4, $0x3;
	s0 =	ssub.s32 s0, s6  }
0x8: {  	s6 =	smul.u32 $0x1400, s8;
	s11 =	sshrl.u32 s7, $0x3;
	s22 =	sadd.s32 s2, s10  }
0x9: {  	s10 =	sadd.s32 $0x50000, s4;
	s13 =	sshrl.u32 s12, $0x3;
	[smem:$0x7F0] =	sst s0  }
0xa: {  	s23 =	sadd.s32 s2, s11;
	s14 =	sshrl.u32 s10, $0x3;
	s25 =	sadd.s32 s2, s13  }
0xb: {  	s11 =	sadd.s32 $0x64000, s4;
	s13 =	sadd.s32 $0x78000, s4;
	s18 =	sadd.s32 s2, s14  }
0xc: {  	s15 =	sshrl.u32 s11, $0x3;
	s16 =	sshrl.u32 s13, $0x3;
	[dreg:$0x9] =	wrdreg s18  }
0xd: {  	s15 =	sadd.s32 s2, s15;
	s19 =	sadd.s32 s2, s16;
	s16 =	rddreg [dreg:$0x1]  }
0xe: {  	s17 =	sshrl.u32 s6, $0x3;
	s14 =	smul.u32 $0x138800, s3;
	[dreg:$0xa] =	wrdreg s15  }
0xf: {  	s8 =	smul.u32 $0x3200, s8;
	s24 =	sadd.s32 s2, s17;
	[dreg:$0xb] =	wrdreg s19  }
0x10: {  	s15 =	sadd.s32 $0x8C000, s4;
	s17 =	sadd.s32 s20, s14;
	s18 =	sadd.s32 s14, s5  }
0x11: {  	s19 =	sadd.s32 s14, s8;
	s26 =	sshrl.u32 s15, $0x3;
	s0 =	sshrl.u32 s17, $0x3  }
0x12: {  	s17 =	sshrl.u32 s18, $0x3;
	s18 =	sadd.s32 $0x1E800, s16;
	s2 =	sadd.s32 s2, s26  }
0x13: {  	s26 =	sadd.s32 s18, s0;
	s0 =	sadd.s32 s14, s9;
	s14 =	rddreg [dreg:$0x3]  }
0x14: {  	p0 =	sgt.u32 s21, $0xC;
	[dreg:$0xc] =	wrdreg s2;
	s8 =	sadd.s32 s8, s14  }
0x15: {  	p1 =	sgt.u32 s21, $0x1;
	_ =	strace $0x80000047;
	[smem:$0x7EE] =	sst s8  }
0x16: {  	s3 =	sshll.u32 s3, $0x4;
	s29 =	sadd.s32 s18, s17;
	[dreg:$0x6] =	wrdreg s23  }
0x17: {  	s2 =	sshrl.u32 s19, $0x3;
	s17 =	sshrl.u32 s0, $0x3;
	[dreg:$0x7] =	wrdreg s24  }
0x18: {  	s19 =	sadd.s32 $0x800, s16;
	s31 =	sadd.s32 s18, s2;
	[dreg:$0x8] =	wrdreg s25  }
0x19: {  	s0 =	sadd.s32 s18, s17;
	s17 =	sadd.s32 $0x14800, s16;
	[dreg:$0x5] =	wrdreg s22  }
0x1a: {  	s18 =	sadd.s32 $0xA800, s16;
	s2 =	sor.u32 s21, s3;
	[dreg:$0xd] =	wrdreg s26  }
0x1b: {  	s16 =	sshll.u32 s21, $0x6;
	s21 =	sadd.s32 $0x22880, s22;
	[dreg:$0xe] =	wrdreg s29  }
0x1c: {  	[smem:$0x7F8] =	sst s21  }
0x1d: {  	[dreg:$0xf] =	wrdreg s31  }
0x1e: {  	s3 =	sor.u32 $0x1C09, s16;
	[dreg:$0x10] =	wrdreg s0  }
0x1f: {  	s16 =	sadd.s32 s4, s28;
	[dreg:$0x11] =	wrdreg s3  }
0x20: {  	s0 =	sadd.s32 $0x13880, s0;
	[dreg:$0x12] =	wrdreg s16  }
0x21: {  	s16 =	sadd.s32 s4, s14;
	[smem:$0x7FD] =	sst s0  }
0x22: {  	s4 =	sadd.s32 s7, s28;
	[dreg:$0x13] =	wrdreg s16  }
0x23: {  	[dreg:$0x14] =	wrdreg s4;
	s16 =	sadd.s32 s7, s14  }
0x24: {  	s4 =	sadd.s32 s6, s28;
	[dreg:$0x15] =	wrdreg s16  }
0x25: {  	s6 =	sadd.s32 s6, s14;
	[dreg:$0x16] =	wrdreg s4  }
0x26: {  	s7 =	sadd.s32 s12, s28;
	[dreg:$0x17] =	wrdreg s6  }
0x27: {  	[dreg:$0x18] =	wrdreg s7;
	s16 =	sadd.s32 s12, s14  }
0x28: {  	s4 =	sadd.s32 s10, s28;
	[dreg:$0x19] =	wrdreg s16  }
0x29: {  	s6 =	sadd.s32 s10, s14;
	[dreg:$0x1a] =	wrdreg s4  }
0x2a: {  	s7 =	sadd.s32 s11, s28;
	[dreg:$0x1b] =	wrdreg s6  }
0x2b: {  	s10 =	sadd.s32 s11, s14;
	[dreg:$0x1c] =	wrdreg s7  }
0x2c: {  	s11 =	sadd.s32 s13, s28;
	[dreg:$0x1d] =	wrdreg s10  }
0x2d: {  	s12 =	sadd.s32 s13, s14;
	[dreg:$0x1e] =	wrdreg s11  }
0x2e: {  	s2 =	smul.u32 $0x2800, s2;
	s13 =	sadd.s32 s15, s28;
	[dreg:$0x1f] =	wrdreg s12  }
0x2f: {  	[smem:$0x7E3] =	sst s13;
	s7 =	sadd.s32 s15, s14  }
0x30: {  	s4 =	sor.u32 $0x100, s2;
	[smem:$0x7E4] =	sst s7  }
0x31: {  	s6 =	sadd.s32 s20, s14;
	[smem:$0x7EB] =	sst s4  }
0x32: {  	s16 =	sshrl.u32 s2, $0x3;
	s20 =	sadd.s32 $0x20080, s22;
	[smem:$0x7EC] =	sst s6  }
0x33: {  	s10 =	sadd.s32 s17, s16;
	[smem:$0x7F7] =	sst s20  }
0x34: {  	s12 =	sadd.s32 s18, s16;
	[smem:$0x7E5] =	sst s10  }
0x35: {  	s3 =	sadd.s32 s19, s16;
	[smem:$0x7E6] =	sst s12  }
0x36: {  	s11 =	sor.u32 $0x10, s16;
	s7 =	sadd.s32 s5, s14;
	[smem:$0x7E7] =	sst s3  }
0x37: {  	s8 =	simm.s32 $0x13880;
	s13 =	sadd.s32 s17, s11;
	[smem:$0x7ED] =	sst s7  }
0x38: {  	s15 =	sadd.s32 s18, s11;
	s16 =	sadd.s32 s19, s11;
	s11 =	sld [smem:$0x7F0]  }
0x39: {  	s0 =	simm.s32 $0x7;
	s30 =	sor.u32 $0x180, s2;
	[smem:$0x7E8] =	sst s13  }
0x3a: {  	s28 =	smov.u32 s14;
	s6 =	simm.s32 $0x17900;
	[smem:$0x7E9] =	sst s15  }
0x3b: {  	s4 =	simm.s32 $0x4;
	s10 =	sadd.s32 s9, s14;
	[smem:$0x7EA] =	sst s16  }
0x3c: {  	s12 =	sadd.s32 $0x13880, s22;
	s14 =	sadd.s32 $0x13880, s24;
	[smem:$0x7EF] =	sst s10  }
0x3d: {  	s24 =	sadd.s32 $0x13880, s26;
	s26 =	sadd.s32 $0x13880, s31;
	[smem:$0x7F2] =	sst s12  }
0x3e: {  	s31 =	simm.s32 $0x1;
	s7 =	simm.s32 $0x2;
	[smem:$0x7F4] =	sst s14  }
0x3f: {  	s9 =	simm.s32 $0x8;
	s3 =	simm.s32 $0x3;
	[smem:$0x7FA] =	sst s24  }
0x40: {  	s13 =	sadd.s32 $0x13880, s23;
	s15 =	sadd.s32 $0x13880, s25;
	[smem:$0x7FC] =	sst s26  }
0x41: {  	s16 =	sadd.s32 $0x1D880, s22;
	s23 =	sadd.s32 $0x25080, s22;
	[smem:$0x7F3] =	sst s13  }
0x42: {  	s25 =	sadd.s32 $0x13880, s29;
	s14 =	simm.s32 $0x9;
	[smem:$0x7F5] =	sst s15  }
0x43: {  	s12 =	simm.s32 $0x17A80;
	s10 =	simm.s32 $0x17A00;
	[smem:$0x7F6] =	sst s16  }
0x44: {  	s22 =	simm.s32 $0x5;
	s24 =	simm.s32 $0x80;
	[smem:$0x7F9] =	sst s23  }
0x45: {  	s26 =	simm.s32 $0x6;
	s29 =	simm.s32 $0x15880;
	[smem:$0x7FB] =	sst s25  }
0x46: {  	s15 =	simm.s32 $0x17880;
	s16 =	simm.s32 $0x17980;
	s2 =	smax.u32 s11, $0x1  }
0x47: {  	v0 =	vimm.f32 $0.0e+00;
	s13 =	simm.s32 $0x0;
	[smem:$0x7F1] =	sst s2;
	s2 =	simm.s32 $0x17B00  }
.LBB2_1:
0x48: {  	[smem:$0x7E2] =	sst s13;
	s11 =	simm.s32 $0x100;
	s5 =	simm.s32 $0x0  }
.LBB2_2:
0x49: {  	p2 =	sne.s32 s11, $0x4F00;
	[tilespmem:s5+$0x138B0] =	vst v0;
	s13 =	smov.u32 s11;
	s11 =	sadd.s32 $0x100, s11  }
.Ltmp0:
0x4a: {  	[tilespmem:s5+$0x138A0] =	vst v0;
	(pc) =	sbr.rel @p2 .LBB2_2-.Ltmp0, $3  }
0x4b: {  	[tilespmem:s5+$0x13880] =	vst v0  }
0x4c: {  	[tilespmem:s5+$0x13890] =	vst v0;
	_ =	sdelay $0x1  }
0x4d: {  	s5 =	sshra.s32 s13, $0x2  }
0x4e: {  	[tilespmem:s5+$0x138B0] =	vst v0;
	s23 =	rddreg [dreg:$0x12]  }
0x4f: {  	[tilespmem:s5+$0x138A0] =	vst v0;
	s25 =	rddreg [dreg:$0x5]  }
0x50: {  	[tilespmem:s5+$0x13880] =	vst v0;
	s11 =	rddreg [dreg:$0x11];
	s13 =	sshrl.u32 s23, $0x3  }
0x51: {  	[tilespmem:s5+$0x13890] =	vst v0;
	[smem:$0x7DA] =	sst s13  }
0x52: {  	[spmem:s13], [sflag:s11] =	dma.local [hbm:s25], $0x280  }
0x53: {  	_ =	swait.ge [sflag:s14], $0x280  }
0x54: {  	[sflag:s14] =	ssyncset.done $0x0  }
0x55: {  	s20 =	rddreg [dreg:$0x13];
	[sflag:s14] =	ssyncadd.s32 $0xFFFFFD80  }
0x56: {  	[spmem:s20] =	stream.linear.scatter [tilespmem:s8], [sflag:$0x9], $0x1400, $0x38;
	[tilespmem:$0x17B80] =	vst v63  }
0x57: {  	_ =	swait.ge [sflag:s14], $0x1400  }
0x58: {  	s21 =	rddreg [dreg:$0x14]  }
0x59: {  	[sflag:s14] =	ssyncset.done $0x0;
	s25 =	rddreg [dreg:$0x6];
	s23 =	sshrl.u32 s21, $0x3  }
0x5a: {  	[sflag:s14] =	ssyncadd.s32 $0xFFFFEC00;
	[smem:$0x7DB] =	sst s23  }
0x5b: {  	[spmem:s23], [sflag:s11] =	dma.local [hbm:s25], $0x280  }
0x5c: {  	_ =	swait.ge [sflag:s14], $0x280  }
0x5d: {  	[sflag:s14] =	ssyncset.done $0x0  }
0x5e: {  	s20 =	rddreg [dreg:$0x15];
	[sflag:s14] =	ssyncadd.s32 $0xFFFFFD80  }
0x5f: {  	[spmem:s20] =	stream.linear.scatter [tilespmem:s8], [sflag:$0x9], $0x1400, $0x38;
	[tilespmem:$0x17B80] =	vst v63  }
0x60: {  	_ =	swait.ge [sflag:s14], $0x1400  }
0x61: {  	s21 =	rddreg [dreg:$0x16]  }
0x62: {  	[sflag:s14] =	ssyncset.done $0x0;
	s25 =	rddreg [dreg:$0x7];
	s23 =	sshrl.u32 s21, $0x3  }
0x63: {  	[sflag:s14] =	ssyncadd.s32 $0xFFFFEC00;
	[smem:$0x7DC] =	sst s23  }
0x64: {  	[spmem:s23], [sflag:s11] =	dma.local [hbm:s25], $0x280  }
0x65: {  	_ =	swait.ge [sflag:s14], $0x280  }
0x66: {  	[sflag:s14] =	ssyncset.done $0x0  }
0x67: {  	s20 =	rddreg [dreg:$0x17];
	[sflag:s14] =	ssyncadd.s32 $0xFFFFFD80  }
0x68: {  	[spmem:s20] =	stream.linear.scatter [tilespmem:s8], [sflag:$0x9], $0x1400, $0x38;
	[tilespmem:$0x17B80] =	vst v63  }
0x69: {  	_ =	swait.ge [sflag:s14], $0x1400  }
0x6a: {  	s21 =	rddreg [dreg:$0x18]  }
0x6b: {  	[sflag:s14] =	ssyncset.done $0x0;
	s25 =	rddreg [dreg:$0x8];
	s23 =	sshrl.u32 s21, $0x3  }
0x6c: {  	[sflag:s14] =	ssyncadd.s32 $0xFFFFEC00;
	[smem:$0x7DD] =	sst s23  }
0x6d: {  	[spmem:s23], [sflag:s11] =	dma.local [hbm:s25], $0x280  }
0x6e: {  	_ =	swait.ge [sflag:s14], $0x280  }
0x6f: {  	[sflag:s14] =	ssyncset.done $0x0  }
0x70: {  	s20 =	rddreg [dreg:$0x19];
	[sflag:s14] =	ssyncadd.s32 $0xFFFFFD80  }
0x71: {  	[spmem:s20] =	stream.linear.scatter [tilespmem:s8], [sflag:$0x9], $0x1400, $0x38;
	[tilespmem:$0x17B80] =	vst v63  }
0x72: {  	_ =	swait.ge [sflag:s14], $0x1400  }
0x73: {  	s21 =	rddreg [dreg:$0x1a]  }
0x74: {  	[sflag:s14] =	ssyncset.done $0x0;
	s25 =	rddreg [dreg:$0x9];
	s23 =	sshrl.u32 s21, $0x3  }
0x75: {  	[sflag:s14] =	ssyncadd.s32 $0xFFFFEC00;
	[smem:$0x7DE] =	sst s23  }
0x76: {  	[spmem:s23], [sflag:s11] =	dma.local [hbm:s25], $0x280  }
0x77: {  	_ =	swait.ge [sflag:s14], $0x280  }
0x78: {  	[sflag:s14] =	ssyncset.done $0x0  }
0x79: {  	s13 =	rddreg [dreg:$0x1b];
	[sflag:s14] =	ssyncadd.s32 $0xFFFFFD80  }
0x7a: {  	[spmem:s13] =	stream.linear.scatter [tilespmem:s8], [sflag:$0x9], $0x1400, $0x38;
	[tilespmem:$0x17B80] =	vst v63  }
0x7b: {  	_ =	swait.ge [sflag:s14], $0x1400  }
0x7c: {  	s20 =	rddreg [dreg:$0x1c]  }
0x7d: {  	[sflag:s14] =	ssyncset.done $0x0;
	s23 =	rddreg [dreg:$0xa];
	s21 =	sshrl.u32 s20, $0x3  }
0x7e: {  	[sflag:s14] =	ssyncadd.s32 $0xFFFFEC00;
	[smem:$0x7DF] =	sst s21  }
0x7f: {  	[spmem:s21], [sflag:s11] =	dma.local [hbm:s23], $0x280  }
0x80: {  	_ =	swait.ge [sflag:s14], $0x280  }
0x81: {  	[sflag:s14] =	ssyncset.done $0x0  }
0x82: {  	s25 =	rddreg [dreg:$0x1d];
	[sflag:s14] =	ssyncadd.s32 $0xFFFFFD80  }
0x83: {  	[spmem:s25] =	stream.linear.scatter [tilespmem:s8], [sflag:$0x9], $0x1400, $0x38;
	[tilespmem:$0x17B80] =	vst v63  }
0x84: {  	_ =	swait.ge [sflag:s14], $0x1400  }
0x85: {  	s13 =	rddreg [dreg:$0x1e]  }
0x86: {  	[sflag:s14] =	ssyncset.done $0x0;
	s21 =	rddreg [dreg:$0xb];
	s20 =	sshrl.u32 s13, $0x3  }
0x87: {  	[sflag:s14] =	ssyncadd.s32 $0xFFFFEC00;
	[smem:$0x7E0] =	sst s20  }
0x88: {  	[spmem:s20], [sflag:s11] =	dma.local [hbm:s21], $0x280  }
0x89: {  	_ =	swait.ge [sflag:s14], $0x280  }
0x8a: {  	[sflag:s14] =	ssyncset.done $0x0  }
0x8b: {  	s23 =	rddreg [dreg:$0x1f];
	[sflag:s14] =	ssyncadd.s32 $0xFFFFFD80  }
0x8c: {  	[spmem:s23] =	stream.linear.scatter [tilespmem:s8], [sflag:$0x9], $0x1400, $0x38;
	[tilespmem:$0x17B80] =	vst v63  }
0x8d: {  	_ =	swait.ge [sflag:s14], $0x1400  }
0x8e: {  	s5 =	sld [smem:$0x7E3];
	_ =	sdelay $0x2  }
0x8f: {  	[sflag:s14] =	ssyncset.done $0x0;
	s13 =	sshrl.u32 @!p0 s5, $0x3;
	s5 =	rddreg [dreg:$0xc]  }
0x90: {  	[sflag:s14] =	ssyncadd.s32 $0xFFFFEC00;
	[smem:$0x7E1] =	sst s13  }
0x91: {  	[spmem:s13], [sflag:s11] =	dma.local @!p0 [hbm:s5], $0x280  }
0x92: {  	s5 =	simm.s32 @!p0 $0x9  }
0x93: {  	_ =	swait.ge @!p0 [sflag:s5], $0x280  }
0x94: {  	s13 =	sld [smem:$0x7E4]  }
0x95: {  	[sflag:s5] =	ssyncset.done @!p0 $0x0  }
0x96: {  	s11 =	simm.s32 @!p0 $0x13880;
	[sflag:s5] =	ssyncadd.s32 @!p0 $0xFFFFFD80  }
0x97: {  	[spmem:s13] =	stream.linear.scatter @!p0 [tilespmem:s11], [sflag:$0x9], $0x1400, $0x38;
	[tilespmem:$0x17B80] =	vst v63  }
0x98: {  	_ =	swait.ge @!p0 [sflag:s5], $0x1400  }
0x99: {  	[sflag:s5] =	ssyncset.done @!p0 $0x0  }
0x9a: {  	[sflag:s5] =	ssyncadd.s32 @!p0 $0xFFFFEC00  }
0x9b: {  	[bflag:$0x0] =	sbarrier.arrive $0xFFFF  }
0x9c: {  	s25 =	sld [smem:$0x7E5];
	_ =	sdelay $0x1  }
0x9d: {  	s21 =	simm.s32 $0x0;
	s11 =	sld [smem:$0x7E6]  }
0x9e: {  	[tilespmem:s15], [sflag:$0x5] =	stream.linear.gather [hbm4b:s25+s21], $0x80, $0x38;
	[tilespmem:$0x17B80] =	vst v63  }
0x9f: {  	s13 =	sld [smem:$0x7E7]  }
0xa0: {  	[tilespmem:s16], [sflag:$0x7] =	stream.linear.gather [hbm4b:s11+s21], $0x80, $0x38;
	[tilespmem:$0x17B80] =	vst v63  }
0xa1: {  	s14 =	sld [smem:$0x7E8]  }
0xa2: {  	[tilespmem:s12], [sflag:$0x7] =	stream.linear.gather [hbm4b:s13+s21], $0x80, $0x38;
	[tilespmem:$0x17B80] =	vst v63  }
0xa3: {  	s20 =	sld [smem:$0x7E9]  }
0xa4: {  	[tilespmem:s6], [sflag:$0x6] =	stream.linear.gather [hbm4b:s14+s21], $0x80, $0x38;
	[tilespmem:$0x17B80] =	vst v63  }
0xa5: {  	s23 =	sld [smem:$0x7EA]  }
0xa6: {  	[tilespmem:s10], [sflag:$0x8] =	stream.linear.gather [hbm4b:s20+s21], $0x80, $0x38;
	[tilespmem:$0x17B80] =	vst v63  }
0xa7: {  	_ = 	snop  }
0xa8: {  	[tilespmem:s2], [sflag:$0x8] =	stream.linear.gather [hbm4b:s23+s21], $0x80, $0x38;
	[tilespmem:$0x17B80] =	vst v63  }
0xa9: {  	_ =	swait.ge [sflag:s22], $0x80  }
0xaa: {  	[sflag:s22] =	ssyncset.done $0x0  }
0xab: {  	[sflag:s22] =	ssyncadd.s32 $0xFFFFFF80  }
0xac: {  	s25 =	rddreg [dreg:$0x2]  }
0xad: {  	[tilespmem:s8], [sflag:$0x1] =	stream.indirect.gather [spmem:s25], $0x40, s15, s24, $0xb8;
	[tilespmem:$0x17B80] =	vst v63  }
0xae: {  	_ =	swait.ge [sflag:s26], $0x80  }
0xaf: {  	[sflag:s26] =	ssyncset.done $0x0  }
0xb0: {  	s23 =	simm.s32 $0x0;
	[sflag:s26] =	ssyncadd.s32 $0xFFFFFF80  }
0xb1: {  	[tilespmem:s29], [sflag:$0x2] =	stream.indirect.gather [spmem:s25], $0x40, s6, s24, $0xb8;
	[tilespmem:$0x17B80] =	vst v63  }
.LBB2_4:
0xb2: {  	_ =	swait.ge [sflag:s31], $0x2000  }
0xb3: {  	s11 =	sld [smem:$0x7EB];
	_ =	sdelay $0x1  }
0xb4: {  	s5 =	sshll.u32 s23, $0x8  }
0xb5: {  	s11 =	sadd.s32 s5, s11  }
0xb6: {  	[sflag:s31] =	ssyncset.done $0x0;
	s25 =	sshrl.u32 s11, $0x3  }
0xb7: {  	[sflag:s31] =	ssyncadd.s32 $0xFFFFE000;
	s11 =	sadd.s32 s17, s25  }
0xb8: {  	[tilespmem:s15], [sflag:$0x5] =	stream.linear.gather [hbm4b:s11+s21], $0x80, $0x38;
	[tilespmem:$0x17B80] =	vst v63  }
0xb9: {  	_ =	swait.ge [sflag:s0], $0x80  }
0xba: {  	[sflag:s0] =	ssyncset.done $0x0  }
0xbb: {  	[sflag:s0] =	ssyncadd.s32 $0xFFFFFF80  }
0xbc: {  	v1 =	vmov s21;
	_ =	swait.ge [sflag:s0], $0x80  }
0xbd: {  	[sflag:s0] =	ssyncset.done $0x0  }
0xbe: {  	s20 =	simm.s32 $0x138A0;
	[sflag:s0] =	ssyncadd.s32 $0xFFFFFF80  }
0xbf: {  	v3 =	vld [tilespmem:s20+$0xFFFFFFF0]  }
0xc0: {  	v4 =	vld [tilespmem:s20+$0x10]  }
0xc1: {  	v6 =	vld.idx.msk [tilespmem:v1+s12+$0x0], $0xffff  }
0xc2: {  	v1 =	vld [tilespmem:s20+$0xFFFFFFE0]  }
0xc3: {  	v7 =	vld [tilespmem:s20+$0x0];
	_ =	sdelay $0x3  }
0xc4: {  	s13 =	simm.s32 $0x1;
	v2 =	vmul.f32 v1, v6;
	v5 =	vmul.f32 v4, v6  }
0xc5: {  	s11 =	simm.s32 $0x2;
	v1 =	vmov s13;
	v4 =	vmul.f32 v3, v6;
	v3 =	vmul.f32 v7, v6;
	s13 =	simm.s32 $0x138A0  }
.LBB2_5:
0xc6: {  	p2 =	sne.s32 s11, $0x7F  }
0xc7: {  	[tilespmem:s20+$0x10] =	vst v5;
	s13 =	sadd.s32 $0x40, s13;
	s14 =	smov.u32 s11;
	s11 =	sadd.s32 $0x1, s11  }
0xc8: {  	[tilespmem:s20+$0xFFFFFFE0] =	vst v2  }
0xc9: {  	v6 =	vld [tilespmem:s13+$0xFFFFFFF0];
	[tilespmem:s20+$0xFFFFFFF0] =	vst v4  }
0xca: {  	v4 =	vld [tilespmem:s13+$0x10];
	[tilespmem:s20+$0x0] =	vst v3;
	s20 =	smov.u32 s13  }
0xcb: {  	v3 =	vld.idx.msk [tilespmem:v1+s12+$0x0], $0xffff  }
0xcc: {  	v1 =	vld [tilespmem:s13+$0xFFFFFFE0]  }
0xcd: {  	v7 =	vld [tilespmem:s13+$0x0]  }
.Ltmp1:
0xce: {  	(pc) =	sbr.rel @p2 .LBB2_5-.Ltmp1, $3  }
0xcf: {  	_ =	sdelay $0x1  }
0xd0: {  	v5 =	vmul.f32 v4, v3;
	v2 =	vmul.f32 v1, v3  }
0xd1: {  	v4 =	vmul.f32 v6, v3;
	v1 =	vmov s14;
	v3 =	vmul.f32 v7, v3  }
0xd2: {  	[tilespmem:s20+$0x10] =	vst v5  }
0xd3: {  	s11 =	sadd.s32 $0x40, s13;
	[tilespmem:s20+$0xFFFFFFE0] =	vst v2  }
0xd4: {  	v2 =	vld [tilespmem:s11+$0xFFFFFFF0];
	[tilespmem:s20+$0xFFFFFFF0] =	vst v4  }
0xd5: {  	v4 =	vld [tilespmem:s11+$0x10];
	[tilespmem:s20+$0x0] =	vst v3  }
0xd6: {  	v1 =	vld.idx.msk [tilespmem:v1+s12+$0x0], $0xffff  }
0xd7: {  	v3 =	vld [tilespmem:s11+$0xFFFFFFE0];
	_ =	sdelay $0x1  }
0xd8: {  	v5 =	vld [tilespmem:s11+$0x0];
	_ =	sdelay $0x1  }
0xd9: {  	v4 =	vmul.f32 v4, v1  }
0xda: {  	v3 =	vmul.f32 v3, v1  }
0xdb: {  	v2 =	vmul.f32 v2, v1;
	[tilespmem:s11+$0x10] =	vst v4  }
0xdc: {  	v1 =	vmul.f32 v5, v1;
	[tilespmem:s11+$0xFFFFFFE0] =	vst v3  }
0xdd: {  	[tilespmem:s11+$0xFFFFFFF0] =	vst v2  }
0xde: {  	[tilespmem:s11+$0x0] =	vst v1  }
0xdf: {  	[spmem:s28] =	stream.indirect.scatter.add.f32 [tilespmem:s8], [sflag:$0x3], $0x40, s16, s24, $0xb8;
	[tilespmem:$0x17B80] =	vst v63  }
0xe0: {  	s5 =	sadd.s32 s5, s30;
	_ =	swait.ge [sflag:s7], $0x2000  }
0xe1: {  	s5 =	sshrl.u32 s5, $0x3;
	[sflag:s7] =	ssyncset.done $0x0  }
0xe2: {  	s14 =	sadd.s32 s17, s5;
	s20 =	simm.s32 $0x0;
	[sflag:s7] =	ssyncadd.s32 $0xFFFFE000  }
0xe3: {  	[tilespmem:s6], [sflag:$0x6] =	stream.linear.gather [hbm4b:s14+s20], $0x80, $0x38;
	[tilespmem:$0x17B80] =	vst v63  }
0xe4: {  	_ =	swait.ge [sflag:s9], $0x80  }
0xe5: {  	[sflag:s9] =	ssyncset.done $0x0  }
0xe6: {  	[sflag:s9] =	ssyncadd.s32 $0xFFFFFF80  }
0xe7: {  	v1 =	vmov s20;
	_ =	swait.ge [sflag:s9], $0x80  }
0xe8: {  	[sflag:s9] =	ssyncset.done $0x0  }
0xe9: {  	s20 =	simm.s32 $0x158A0;
	[sflag:s9] =	ssyncadd.s32 $0xFFFFFF80  }
0xea: {  	v3 =	vld [tilespmem:s20+$0xFFFFFFF0]  }
0xeb: {  	v4 =	vld [tilespmem:s20+$0x10]  }
0xec: {  	v6 =	vld.idx.msk [tilespmem:v1+s2+$0x0], $0xffff  }
0xed: {  	v1 =	vld [tilespmem:s20+$0xFFFFFFE0]  }
0xee: {  	v7 =	vld [tilespmem:s20+$0x0];
	_ =	sdelay $0x3  }
0xef: {  	s14 =	simm.s32 $0x1;
	v2 =	vmul.f32 v1, v6;
	v5 =	vmul.f32 v4, v6  }
0xf0: {  	s13 =	simm.s32 $0x158A0;
	s11 =	simm.s32 $0x2;
	v1 =	vmov s14;
	v4 =	vmul.f32 v3, v6;
	v3 =	vmul.f32 v7, v6  }
.LBB2_7:
0xf1: {  	p2 =	sne.s32 s11, $0x7F  }
0xf2: {  	[tilespmem:s20+$0x10] =	vst v5;
	s13 =	sadd.s32 $0x40, s13;
	s14 =	smov.u32 s11;
	s11 =	sadd.s32 $0x1, s11  }
0xf3: {  	[tilespmem:s20+$0xFFFFFFE0] =	vst v2  }
0xf4: {  	v6 =	vld [tilespmem:s13+$0xFFFFFFF0];
	[tilespmem:s20+$0xFFFFFFF0] =	vst v4  }
0xf5: {  	v4 =	vld [tilespmem:s13+$0x10];
	[tilespmem:s20+$0x0] =	vst v3;
	s20 =	smov.u32 s13  }
0xf6: {  	v3 =	vld.idx.msk [tilespmem:v1+s2+$0x0], $0xffff  }
0xf7: {  	v1 =	vld [tilespmem:s13+$0xFFFFFFE0]  }
0xf8: {  	v7 =	vld [tilespmem:s13+$0x0]  }
.Ltmp2:
0xf9: {  	(pc) =	sbr.rel @p2 .LBB2_7-.Ltmp2, $3  }
0xfa: {  	_ =	sdelay $0x1  }
0xfb: {  	v5 =	vmul.f32 v4, v3;
	v2 =	vmul.f32 v1, v3  }
0xfc: {  	v4 =	vmul.f32 v6, v3;
	v1 =	vmov s14;
	v3 =	vmul.f32 v7, v3  }
0xfd: {  	[tilespmem:s20+$0x10] =	vst v5  }
0xfe: {  	s11 =	sadd.s32 $0x40, s13;
	[tilespmem:s20+$0xFFFFFFE0] =	vst v2  }
0xff: {  	v2 =	vld [tilespmem:s11+$0xFFFFFFF0];
	[tilespmem:s20+$0xFFFFFFF0] =	vst v4  }
0x100: {  	v4 =	vld [tilespmem:s11+$0x10];
	[tilespmem:s20+$0x0] =	vst v3  }
0x101: {  	v1 =	vld.idx.msk [tilespmem:v1+s2+$0x0], $0xffff  }
0x102: {  	v3 =	vld [tilespmem:s11+$0xFFFFFFE0];
	_ =	sdelay $0x1  }
0x103: {  	v5 =	vld [tilespmem:s11+$0x0];
	_ =	sdelay $0x1  }
0x104: {  	v4 =	vmul.f32 v4, v1  }
0x105: {  	v3 =	vmul.f32 v3, v1  }
0x106: {  	v2 =	vmul.f32 v2, v1;
	[tilespmem:s11+$0x10] =	vst v4  }
0x107: {  	v1 =	vmul.f32 v5, v1;
	[tilespmem:s11+$0xFFFFFFE0] =	vst v3  }
0x108: {  	[tilespmem:s11+$0xFFFFFFF0] =	vst v2  }
0x109: {  	[tilespmem:s11+$0x0] =	vst v1  }
0x10a: {  	[spmem:s28] =	stream.indirect.scatter.add.f32 [tilespmem:s29], [sflag:$0x4], $0x40, s10, s24, $0xb8;
	[tilespmem:$0x17B80] =	vst v63  }
0x10b: {  	_ =	swait.ge [sflag:s3], $0x2000  }
0x10c: {  	[sflag:s3] =	ssyncset.done $0x0  }
0x10d: {  	s20 =	sadd.s32 s18, s25;
	[sflag:s3] =	ssyncadd.s32 $0xFFFFE000  }
0x10e: {  	[tilespmem:s16], [sflag:$0x7] =	stream.linear.gather [hbm4b:s20+s1], $0x80, $0x38;
	[tilespmem:$0x17B80] =	vst v63  }
0x10f: {  	s13 =	sadd.s32 s19, s25  }
0x110: {  	[tilespmem:s12], [sflag:$0x7] =	stream.linear.gather [hbm4b:s13+s1], $0x80, $0x38;
	[tilespmem:$0x17B80] =	vst v63  }
0x111: {  	_ =	swait.ge [sflag:s22], $0x80  }
0x112: {  	[sflag:s22] =	ssyncset.done $0x0  }
0x113: {  	[sflag:s22] =	ssyncadd.s32 $0xFFFFFF80  }
0x114: {  	s14 =	rddreg [dreg:$0x2]  }
0x115: {  	[tilespmem:s8], [sflag:$0x1] =	stream.indirect.gather [spmem:s14], $0x40, s15, s24, $0xb8;
	[tilespmem:$0x17B80] =	vst v63  }
0x116: {  	_ =	swait.ge [sflag:s4], $0x2000  }
0x117: {  	[sflag:s4] =	ssyncset.done $0x0  }
0x118: {  	s23 =	sadd.s32 $0x1, s23;
	s20 =	sadd.s32 s18, s5;
	[sflag:s4] =	ssyncadd.s32 $0xFFFFE000  }
0x119: {  	[tilespmem:s10], [sflag:$0x8] =	stream.linear.gather [hbm4b:s20+s1], $0x80, $0x38;
	[tilespmem:$0x17B80] =	vst v63  }
0x11a: {  	p2 =	sne.s32 s23, $0x27;
	s25 =	sadd.s32 s19, s5  }
0x11b: {  	[tilespmem:s2], [sflag:$0x8] =	stream.linear.gather [hbm4b:s25+s1], $0x80, $0x38;
	[tilespmem:$0x17B80] =	vst v63  }
.Ltmp3:
0x11c: {  	_ = 	snop;
	(pc) =	sbr.rel @p2 .LBB2_4-.Ltmp3, $4  }
0x11d: {  	_ =	swait.ge [sflag:s26], $0x80  }
0x11e: {  	[sflag:s26] =	ssyncset.done $0x0  }
0x11f: {  	[sflag:s26] =	ssyncadd.s32 $0xFFFFFF80  }
0x120: {  	[tilespmem:s29], [sflag:$0x2] =	stream.indirect.gather [spmem:s14], $0x40, s6, s24, $0xb8;
	[tilespmem:$0x17B80] =	vst v63  }
0x121: {  	_ =	swait.ge [sflag:s31], $0x2000  }
0x122: {  	[sflag:s31] =	ssyncset.done $0x0  }
0x123: {  	[sflag:s31] =	ssyncadd.s32 $0xFFFFE000  }
0x124: {  	_ =	swait.ge [sflag:s0], $0x80  }
0x125: {  	[sflag:s0] =	ssyncset.done $0x0  }
0x126: {  	s5 =	simm.s32 $0x0;
	[sflag:s0] =	ssyncadd.s32 $0xFFFFFF80  }
0x127: {  	v1 =	vmov s5;
	_ =	swait.ge [sflag:s0], $0x80  }
0x128: {  	[sflag:s0] =	ssyncset.done $0x0  }
0x129: {  	s5 =	simm.s32 $0x138A0;
	[sflag:s0] =	ssyncadd.s32 $0xFFFFFF80  }
0x12a: {  	v3 =	vld [tilespmem:s5+$0xFFFFFFF0]  }
0x12b: {  	v4 =	vld [tilespmem:s5+$0x10]  }
0x12c: {  	v6 =	vld.idx.msk [tilespmem:v1+s12+$0x0], $0xffff  }
0x12d: {  	v1 =	vld [tilespmem:s5+$0xFFFFFFE0]  }
0x12e: {  	v7 =	vld [tilespmem:s5+$0x0];
	_ =	sdelay $0x3  }
0x12f: {  	s13 =	simm.s32 $0x1;
	v2 =	vmul.f32 v1, v6;
	v5 =	vmul.f32 v4, v6  }
0x130: {  	s11 =	simm.s32 $0x2;
	v1 =	vmov s13;
	v4 =	vmul.f32 v3, v6;
	v3 =	vmul.f32 v7, v6;
	s13 =	simm.s32 $0x138A0  }
.LBB2_10:
0x131: {  	p2 =	sne.s32 s11, $0x7F  }
0x132: {  	[tilespmem:s5+$0x10] =	vst v5;
	s13 =	sadd.s32 $0x40, s13;
	s14 =	smov.u32 s11;
	s11 =	sadd.s32 $0x1, s11  }
0x133: {  	[tilespmem:s5+$0xFFFFFFE0] =	vst v2  }
0x134: {  	v6 =	vld [tilespmem:s13+$0xFFFFFFF0];
	[tilespmem:s5+$0xFFFFFFF0] =	vst v4  }
0x135: {  	v4 =	vld [tilespmem:s13+$0x10];
	[tilespmem:s5+$0x0] =	vst v3;
	s5 =	smov.u32 s13  }
0x136: {  	v3 =	vld.idx.msk [tilespmem:v1+s12+$0x0], $0xffff  }
0x137: {  	v1 =	vld [tilespmem:s13+$0xFFFFFFE0]  }
0x138: {  	v7 =	vld [tilespmem:s13+$0x0]  }
.Ltmp4:
0x139: {  	(pc) =	sbr.rel @p2 .LBB2_10-.Ltmp4, $3  }
0x13a: {  	_ =	sdelay $0x1  }
0x13b: {  	v5 =	vmul.f32 v4, v3;
	v2 =	vmul.f32 v1, v3  }
0x13c: {  	v4 =	vmul.f32 v6, v3;
	v1 =	vmov s14;
	v3 =	vmul.f32 v7, v3  }
0x13d: {  	[tilespmem:s5+$0x10] =	vst v5  }
0x13e: {  	s11 =	sadd.s32 $0x40, s13;
	[tilespmem:s5+$0xFFFFFFE0] =	vst v2  }
0x13f: {  	v2 =	vld [tilespmem:s11+$0xFFFFFFF0];
	[tilespmem:s5+$0xFFFFFFF0] =	vst v4  }
0x140: {  	v4 =	vld [tilespmem:s11+$0x10];
	[tilespmem:s5+$0x0] =	vst v3  }
0x141: {  	v1 =	vld.idx.msk [tilespmem:v1+s12+$0x0], $0xffff  }
0x142: {  	v3 =	vld [tilespmem:s11+$0xFFFFFFE0];
	_ =	sdelay $0x1  }
0x143: {  	v5 =	vld [tilespmem:s11+$0x0];
	_ =	sdelay $0x1  }
0x144: {  	v4 =	vmul.f32 v4, v1  }
0x145: {  	v3 =	vmul.f32 v3, v1  }
0x146: {  	v2 =	vmul.f32 v2, v1;
	[tilespmem:s11+$0x10] =	vst v4  }
0x147: {  	v1 =	vmul.f32 v5, v1;
	[tilespmem:s11+$0xFFFFFFE0] =	vst v3  }
0x148: {  	[tilespmem:s11+$0xFFFFFFF0] =	vst v2  }
0x149: {  	[tilespmem:s11+$0x0] =	vst v1  }
0x14a: {  	[spmem:s28] =	stream.indirect.scatter.add.f32 [tilespmem:s8], [sflag:$0x3], $0x40, s16, s24, $0xb8;
	[tilespmem:$0x17B80] =	vst v63  }
0x14b: {  	_ =	swait.ge [sflag:s7], $0x2000  }
0x14c: {  	[sflag:s7] =	ssyncset.done $0x0  }
0x14d: {  	[sflag:s7] =	ssyncadd.s32 $0xFFFFE000  }
0x14e: {  	_ =	swait.ge [sflag:s9], $0x80  }
0x14f: {  	[sflag:s9] =	ssyncset.done $0x0  }
0x150: {  	s23 =	simm.s32 $0x0;
	[sflag:s9] =	ssyncadd.s32 $0xFFFFFF80  }
0x151: {  	v1 =	vmov s23;
	_ =	swait.ge [sflag:s9], $0x80  }
0x152: {  	[sflag:s9] =	ssyncset.done $0x0  }
0x153: {  	s5 =	simm.s32 $0x158A0;
	[sflag:s9] =	ssyncadd.s32 $0xFFFFFF80  }
0x154: {  	v3 =	vld [tilespmem:s5+$0xFFFFFFF0]  }
0x155: {  	v4 =	vld [tilespmem:s5+$0x10]  }
0x156: {  	v6 =	vld.idx.msk [tilespmem:v1+s2+$0x0], $0xffff  }
0x157: {  	v1 =	vld [tilespmem:s5+$0xFFFFFFE0]  }
0x158: {  	v7 =	vld [tilespmem:s5+$0x0];
	_ =	sdelay $0x3  }
0x159: {  	s25 =	simm.s32 $0x1;
	v2 =	vmul.f32 v1, v6;
	v5 =	vmul.f32 v4, v6  }
0x15a: {  	s13 =	simm.s32 $0x158A0;
	s11 =	simm.s32 $0x2;
	v1 =	vmov s25;
	v4 =	vmul.f32 v3, v6;
	v3 =	vmul.f32 v7, v6  }
.LBB2_12:
0x15b: {  	p2 =	sne.s32 s11, $0x7F  }
0x15c: {  	[tilespmem:s5+$0x10] =	vst v5;
	s13 =	sadd.s32 $0x40, s13;
	s14 =	smov.u32 s11;
	s11 =	sadd.s32 $0x1, s11  }
0x15d: {  	[tilespmem:s5+$0xFFFFFFE0] =	vst v2  }
0x15e: {  	v6 =	vld [tilespmem:s13+$0xFFFFFFF0];
	[tilespmem:s5+$0xFFFFFFF0] =	vst v4  }
0x15f: {  	v4 =	vld [tilespmem:s13+$0x10];
	[tilespmem:s5+$0x0] =	vst v3;
	s5 =	smov.u32 s13  }
0x160: {  	v3 =	vld.idx.msk [tilespmem:v1+s2+$0x0], $0xffff  }
0x161: {  	v1 =	vld [tilespmem:s13+$0xFFFFFFE0]  }
0x162: {  	v7 =	vld [tilespmem:s13+$0x0]  }
.Ltmp5:
0x163: {  	(pc) =	sbr.rel @p2 .LBB2_12-.Ltmp5, $3  }
0x164: {  	_ =	sdelay $0x1  }
0x165: {  	v5 =	vmul.f32 v4, v3;
	v2 =	vmul.f32 v1, v3  }
0x166: {  	v4 =	vmul.f32 v6, v3;
	v1 =	vmov s14;
	v3 =	vmul.f32 v7, v3  }
0x167: {  	[tilespmem:s5+$0x10] =	vst v5  }
0x168: {  	s11 =	sadd.s32 $0x40, s13;
	[tilespmem:s5+$0xFFFFFFE0] =	vst v2  }
0x169: {  	v2 =	vld [tilespmem:s11+$0xFFFFFFF0];
	[tilespmem:s5+$0xFFFFFFF0] =	vst v4  }
0x16a: {  	v4 =	vld [tilespmem:s11+$0x10];
	[tilespmem:s5+$0x0] =	vst v3  }
0x16b: {  	v1 =	vld.idx.msk [tilespmem:v1+s2+$0x0], $0xffff  }
0x16c: {  	v3 =	vld [tilespmem:s11+$0xFFFFFFE0];
	_ =	sdelay $0x1  }
0x16d: {  	v5 =	vld [tilespmem:s11+$0x0];
	_ =	sdelay $0x1  }
0x16e: {  	v4 =	vmul.f32 v4, v1  }
0x16f: {  	v3 =	vmul.f32 v3, v1  }
0x170: {  	v2 =	vmul.f32 v2, v1;
	[tilespmem:s11+$0x10] =	vst v4  }
0x171: {  	v1 =	vmul.f32 v5, v1;
	[tilespmem:s11+$0xFFFFFFE0] =	vst v3  }
0x172: {  	[tilespmem:s11+$0xFFFFFFF0] =	vst v2  }
0x173: {  	[tilespmem:s11+$0x0] =	vst v1  }
0x174: {  	[spmem:s28] =	stream.indirect.scatter.add.f32 [tilespmem:s29], [sflag:$0x4], $0x40, s10, s24, $0xb8;
	[tilespmem:$0x17B80] =	vst v63  }
0x175: {  	_ =	swait.ge [sflag:s3], $0x2000  }
0x176: {  	[sflag:s3] =	ssyncset.done $0x0  }
0x177: {  	[sflag:s3] =	ssyncadd.s32 $0xFFFFE000  }
0x178: {  	_ =	swait.ge [sflag:s4], $0x2000  }
0x179: {  	[sflag:s4] =	ssyncset.done $0x0  }
0x17a: {  	[sflag:s4] =	ssyncadd.s32 $0xFFFFE000  }
0x17b: {  	[bflag:$0x0] =	sbarrier.arrive $0xFFFF  }
0x17c: {  	s20 =	sld [smem:$0x7EC];
	_ =	sdelay $0x1  }
0x17d: {  	s23 =	rddreg [dreg:$0xd]  }
0x17e: {  	s11 =	rddreg [dreg:$0x11];
	s21 =	sshrl.u32 s20, $0x3  }
0x17f: {  	s14 =	simm.s32 $0x9;
	[smem:$0x7D6] =	sst s21  }
0x180: {  	[hbm:s23], [sflag:s11] =	dma.local [spmem:s21], $0x640  }
0x181: {  	_ =	swait.ge [sflag:s14], $0x640  }
0x182: {  	s25 =	sld [smem:$0x7ED];
	_ =	sdelay $0x2  }
0x183: {  	[sflag:s14] =	ssyncset.done $0x0;
	s20 =	rddreg [dreg:$0xe];
	s5 =	sshrl.u32 s25, $0x3  }
0x184: {  	[sflag:s14] =	ssyncadd.s32 $0xFFFFF9C0;
	[smem:$0x7D7] =	sst s5  }
0x185: {  	[hbm:s20], [sflag:s11] =	dma.local [spmem:s5], $0x640  }
0x186: {  	_ =	swait.ge [sflag:s14], $0x640  }
0x187: {  	s21 =	sld [smem:$0x7EE];
	_ =	sdelay $0x2  }
0x188: {  	[sflag:s14] =	ssyncset.done $0x0;
	s25 =	rddreg [dreg:$0xf];
	s23 =	sshrl.u32 s21, $0x3  }
0x189: {  	[sflag:s14] =	ssyncadd.s32 $0xFFFFF9C0;
	[smem:$0x7D8] =	sst s23  }
0x18a: {  	[hbm:s25], [sflag:s11] =	dma.local [spmem:s23], $0x640  }
0x18b: {  	_ =	swait.ge [sflag:s14], $0x640  }
0x18c: {  	s5 =	sld [smem:$0x7EF];
	_ =	sdelay $0x2  }
0x18d: {  	[sflag:s14] =	ssyncset.done $0x0;
	s13 =	sshrl.u32 @!p1 s5, $0x3;
	s5 =	rddreg [dreg:$0x10]  }
0x18e: {  	[sflag:s14] =	ssyncadd.s32 $0xFFFFF9C0;
	[smem:$0x7D9] =	sst s13  }
0x18f: {  	[hbm:s5], [sflag:s11] =	dma.local @!p1 [spmem:s13], $0x640  }
0x190: {  	s5 =	simm.s32 @!p1 $0x9  }
0x191: {  	_ =	swait.ge @!p1 [sflag:s5], $0x640  }
0x192: {  	[sflag:s5] =	ssyncset.done @!p1 $0x0  }
0x193: {  	s11 =	simm.s32 $0x100;
	[sflag:s5] =	ssyncadd.s32 @!p1 $0xFFFFF9C0;
	s5 =	simm.s32 $0x0  }
.LBB2_14:
0x194: {  	p2 =	sne.s32 s11, $0x4F00;
	[tilespmem:s5+$0x138B0] =	vst v0;
	s13 =	smov.u32 s11;
	s11 =	sadd.s32 $0x100, s11  }
.Ltmp6:
0x195: {  	[tilespmem:s5+$0x138A0] =	vst v0;
	(pc) =	sbr.rel @p2 .LBB2_14-.Ltmp6, $3  }
0x196: {  	[tilespmem:s5+$0x13880] =	vst v0  }
0x197: {  	[tilespmem:s5+$0x13890] =	vst v0;
	_ =	sdelay $0x1  }
0x198: {  	s5 =	sshra.s32 s13, $0x2  }
0x199: {  	[tilespmem:s5+$0x138B0] =	vst v0  }
0x19a: {  	[tilespmem:s5+$0x138A0] =	vst v0  }
0x19b: {  	[tilespmem:s5+$0x13880] =	vst v0  }
0x19c: {  	[tilespmem:s5+$0x13890] =	vst v0  }
0x19d: {  	[bflag:$0x0] =	sbarrier.arrive $0xFFFF  }
0x19e: {  	s11 =	sld [smem:$0x7F2]  }
0x19f: {  	s13 =	sld [smem:$0x7DA];
	_ =	sdelay $0x1  }
0x1a0: {  	s5 =	rddreg [dreg:$0x11]  }
0x1a1: {  	[spmem:s13], [sflag:s5] =	dma.local [hbm:s11], $0x280  }
0x1a2: {  	_ =	swait.ge [sflag:s14], $0x280  }
0x1a3: {  	[sflag:s14] =	ssyncset.done $0x0  }
0x1a4: {  	s25 =	rddreg [dreg:$0x13];
	[sflag:s14] =	ssyncadd.s32 $0xFFFFFD80  }
0x1a5: {  	[spmem:s25] =	stream.linear.scatter [tilespmem:s8], [sflag:$0x9], $0x1400, $0x38;
	[tilespmem:$0x17B80] =	vst v63  }
0x1a6: {  	_ =	swait.ge [sflag:s14], $0x1400  }
0x1a7: {  	s13 =	sld [smem:$0x7F3]  }
0x1a8: {  	s20 =	sld [smem:$0x7DB]  }
0x1a9: {  	[sflag:s14] =	ssyncset.done $0x0  }
0x1aa: {  	[sflag:s14] =	ssyncadd.s32 $0xFFFFEC00  }
0x1ab: {  	[spmem:s20], [sflag:s5] =	dma.local [hbm:s13], $0x280  }
0x1ac: {  	_ =	swait.ge [sflag:s14], $0x280  }
0x1ad: {  	[sflag:s14] =	ssyncset.done $0x0  }
0x1ae: {  	s21 =	rddreg [dreg:$0x15];
	[sflag:s14] =	ssyncadd.s32 $0xFFFFFD80  }
0x1af: {  	[spmem:s21] =	stream.linear.scatter [tilespmem:s8], [sflag:$0x9], $0x1400, $0x38;
	[tilespmem:$0x17B80] =	vst v63  }
0x1b0: {  	_ =	swait.ge [sflag:s14], $0x1400  }
0x1b1: {  	s23 =	sld [smem:$0x7F4]  }
0x1b2: {  	s25 =	sld [smem:$0x7DC]  }
0x1b3: {  	[sflag:s14] =	ssyncset.done $0x0  }
0x1b4: {  	[sflag:s14] =	ssyncadd.s32 $0xFFFFEC00  }
0x1b5: {  	[spmem:s25], [sflag:s5] =	dma.local [hbm:s23], $0x280  }
0x1b6: {  	_ =	swait.ge [sflag:s14], $0x280  }
0x1b7: {  	[sflag:s14] =	ssyncset.done $0x0  }
0x1b8: {  	s20 =	rddreg [dreg:$0x17];
	[sflag:s14] =	ssyncadd.s32 $0xFFFFFD80  }
0x1b9: {  	[spmem:s20] =	stream.linear.scatter [tilespmem:s8], [sflag:$0x9], $0x1400, $0x38;
	[tilespmem:$0x17B80] =	vst v63  }
0x1ba: {  	_ =	swait.ge [sflag:s14], $0x1400  }
0x1bb: {  	s21 =	sld [smem:$0x7F5]  }
0x1bc: {  	s23 =	sld [smem:$0x7DD]  }
0x1bd: {  	[sflag:s14] =	ssyncset.done $0x0  }
0x1be: {  	[sflag:s14] =	ssyncadd.s32 $0xFFFFEC00  }
0x1bf: {  	[spmem:s23], [sflag:s5] =	dma.local [hbm:s21], $0x280  }
0x1c0: {  	_ =	swait.ge [sflag:s14], $0x280  }
0x1c1: {  	[sflag:s14] =	ssyncset.done $0x0  }
0x1c2: {  	s25 =	rddreg [dreg:$0x19];
	[sflag:s14] =	ssyncadd.s32 $0xFFFFFD80  }
0x1c3: {  	[spmem:s25] =	stream.linear.scatter [tilespmem:s8], [sflag:$0x9], $0x1400, $0x38;
	[tilespmem:$0x17B80] =	vst v63  }
0x1c4: {  	_ =	swait.ge [sflag:s14], $0x1400  }
0x1c5: {  	s13 =	sld [smem:$0x7F6]  }
0x1c6: {  	s20 =	sld [smem:$0x7DE]  }
0x1c7: {  	[sflag:s14] =	ssyncset.done $0x0  }
0x1c8: {  	[sflag:s14] =	ssyncadd.s32 $0xFFFFEC00  }
0x1c9: {  	[spmem:s20], [sflag:s5] =	dma.local [hbm:s13], $0x280  }
0x1ca: {  	_ =	swait.ge [sflag:s14], $0x280  }
0x1cb: {  	[sflag:s14] =	ssyncset.done $0x0  }
0x1cc: {  	s21 =	rddreg [dreg:$0x1b];
	[sflag:s14] =	ssyncadd.s32 $0xFFFFFD80  }
0x1cd: {  	[spmem:s21] =	stream.linear.scatter [tilespmem:s8], [sflag:$0x9], $0x1400, $0x38;
	[tilespmem:$0x17B80] =	vst v63  }
0x1ce: {  	_ =	swait.ge [sflag:s14], $0x1400  }
0x1cf: {  	s23 =	sld [smem:$0x7F7]  }
0x1d0: {  	s25 =	sld [smem:$0x7DF]  }
0x1d1: {  	[sflag:s14] =	ssyncset.done $0x0  }
0x1d2: {  	[sflag:s14] =	ssyncadd.s32 $0xFFFFEC00  }
0x1d3: {  	[spmem:s25], [sflag:s5] =	dma.local [hbm:s23], $0x280  }
0x1d4: {  	_ =	swait.ge [sflag:s14], $0x280  }
0x1d5: {  	[sflag:s14] =	ssyncset.done $0x0  }
0x1d6: {  	s13 =	rddreg [dreg:$0x1d];
	[sflag:s14] =	ssyncadd.s32 $0xFFFFFD80  }
0x1d7: {  	[spmem:s13] =	stream.linear.scatter [tilespmem:s8], [sflag:$0x9], $0x1400, $0x38;
	[tilespmem:$0x17B80] =	vst v63  }
0x1d8: {  	_ =	swait.ge [sflag:s14], $0x1400  }
0x1d9: {  	s20 =	sld [smem:$0x7F8]  }
0x1da: {  	s21 =	sld [smem:$0x7E0]  }
0x1db: {  	[sflag:s14] =	ssyncset.done $0x0  }
0x1dc: {  	[sflag:s14] =	ssyncadd.s32 $0xFFFFEC00  }
0x1dd: {  	[spmem:s21], [sflag:s5] =	dma.local [hbm:s20], $0x280  }
0x1de: {  	_ =	swait.ge [sflag:s14], $0x280  }
0x1df: {  	[sflag:s14] =	ssyncset.done $0x0  }
0x1e0: {  	s23 =	rddreg [dreg:$0x1f];
	[sflag:s14] =	ssyncadd.s32 $0xFFFFFD80  }
0x1e1: {  	[spmem:s23] =	stream.linear.scatter [tilespmem:s8], [sflag:$0x9], $0x1400, $0x38;
	[tilespmem:$0x17B80] =	vst v63  }
0x1e2: {  	_ =	swait.ge [sflag:s14], $0x1400  }
0x1e3: {  	s11 =	sld [smem:$0x7F9]  }
0x1e4: {  	s13 =	sld [smem:$0x7E1]  }
0x1e5: {  	[sflag:s14] =	ssyncset.done $0x0  }
0x1e6: {  	[sflag:s14] =	ssyncadd.s32 $0xFFFFEC00  }
0x1e7: {  	[spmem:s13], [sflag:s5] =	dma.local @!p0 [hbm:s11], $0x280  }
0x1e8: {  	s5 =	simm.s32 @!p0 $0x9  }
0x1e9: {  	_ =	swait.ge @!p0 [sflag:s5], $0x280  }
0x1ea: {  	s13 =	sld [smem:$0x7E4]  }
0x1eb: {  	[sflag:s5] =	ssyncset.done @!p0 $0x0  }
0x1ec: {  	s11 =	simm.s32 @!p0 $0x13880;
	[sflag:s5] =	ssyncadd.s32 @!p0 $0xFFFFFD80  }
0x1ed: {  	[spmem:s13] =	stream.linear.scatter @!p0 [tilespmem:s11], [sflag:$0x9], $0x1400, $0x38;
	[tilespmem:$0x17B80] =	vst v63  }
0x1ee: {  	_ =	swait.ge @!p0 [sflag:s5], $0x1400  }
0x1ef: {  	[sflag:s5] =	ssyncset.done @!p0 $0x0  }
0x1f0: {  	[sflag:s5] =	ssyncadd.s32 @!p0 $0xFFFFEC00  }
0x1f1: {  	[bflag:$0x0] =	sbarrier.arrive $0xFFFF  }
0x1f2: {  	s25 =	sld [smem:$0x7E5];
	_ =	sdelay $0x1  }
0x1f3: {  	s21 =	simm.s32 $0x0;
	s11 =	sld [smem:$0x7E6]  }
0x1f4: {  	[tilespmem:s15], [sflag:$0x5] =	stream.linear.gather [hbm4b:s25+s21], $0x80, $0x38;
	[tilespmem:$0x17B80] =	vst v63  }
0x1f5: {  	s13 =	sld [smem:$0x7E7]  }
0x1f6: {  	[tilespmem:s16], [sflag:$0x7] =	stream.linear.gather [hbm4b:s11+s21], $0x80, $0x38;
	[tilespmem:$0x17B80] =	vst v63  }
0x1f7: {  	s14 =	sld [smem:$0x7E8]  }
0x1f8: {  	[tilespmem:s12], [sflag:$0x7] =	stream.linear.gather [hbm4b:s13+s21], $0x80, $0x38;
	[tilespmem:$0x17B80] =	vst v63  }
0x1f9: {  	s20 =	sld [smem:$0x7E9]  }
0x1fa: {  	[tilespmem:s6], [sflag:$0x6] =	stream.linear.gather [hbm4b:s14+s21], $0x80, $0x38;
	[tilespmem:$0x17B80] =	vst v63  }
0x1fb: {  	s23 =	sld [smem:$0x7EA]  }
0x1fc: {  	[tilespmem:s10], [sflag:$0x8] =	stream.linear.gather [hbm4b:s20+s21], $0x80, $0x38;
	[tilespmem:$0x17B80] =	vst v63  }
0x1fd: {  	_ = 	snop  }
0x1fe: {  	[tilespmem:s2], [sflag:$0x8] =	stream.linear.gather [hbm4b:s23+s21], $0x80, $0x38;
	[tilespmem:$0x17B80] =	vst v63  }
0x1ff: {  	_ =	swait.ge [sflag:s22], $0x80  }
0x200: {  	[sflag:s22] =	ssyncset.done $0x0  }
0x201: {  	[sflag:s22] =	ssyncadd.s32 $0xFFFFFF80  }
0x202: {  	s25 =	rddreg [dreg:$0x2]  }
0x203: {  	[tilespmem:s8], [sflag:$0x1] =	stream.indirect.gather [spmem:s25], $0x40, s15, s24, $0xb8;
	[tilespmem:$0x17B80] =	vst v63  }
0x204: {  	_ =	swait.ge [sflag:s26], $0x80  }
0x205: {  	[sflag:s26] =	ssyncset.done $0x0  }
0x206: {  	s23 =	simm.s32 $0x0;
	[sflag:s26] =	ssyncadd.s32 $0xFFFFFF80  }
0x207: {  	[tilespmem:s29], [sflag:$0x2] =	stream.indirect.gather [spmem:s25], $0x40, s6, s24, $0xb8;
	[tilespmem:$0x17B80] =	vst v63  }
.LBB2_16:
0x208: {  	_ =	swait.ge [sflag:s31], $0x2000  }
0x209: {  	s11 =	sld [smem:$0x7EB];
	_ =	sdelay $0x1  }
0x20a: {  	s5 =	sshll.u32 s23, $0x8  }
0x20b: {  	s11 =	sadd.s32 s5, s11  }
0x20c: {  	[sflag:s31] =	ssyncset.done $0x0;
	s25 =	sshrl.u32 s11, $0x3  }
0x20d: {  	[sflag:s31] =	ssyncadd.s32 $0xFFFFE000;
	s11 =	sadd.s32 s17, s25  }
0x20e: {  	[tilespmem:s15], [sflag:$0x5] =	stream.linear.gather [hbm4b:s11+s21], $0x80, $0x38;
	[tilespmem:$0x17B80] =	vst v63  }
0x20f: {  	_ =	swait.ge [sflag:s0], $0x80  }
0x210: {  	[sflag:s0] =	ssyncset.done $0x0  }
0x211: {  	[sflag:s0] =	ssyncadd.s32 $0xFFFFFF80  }
0x212: {  	v1 =	vmov s21;
	_ =	swait.ge [sflag:s0], $0x80  }
0x213: {  	[sflag:s0] =	ssyncset.done $0x0  }
0x214: {  	s20 =	simm.s32 $0x138A0;
	[sflag:s0] =	ssyncadd.s32 $0xFFFFFF80  }
0x215: {  	v3 =	vld [tilespmem:s20+$0xFFFFFFF0]  }
0x216: {  	v4 =	vld [tilespmem:s20+$0x10]  }
0x217: {  	v6 =	vld.idx.msk [tilespmem:v1+s12+$0x0], $0xffff  }
0x218: {  	v1 =	vld [tilespmem:s20+$0xFFFFFFE0]  }
0x219: {  	v7 =	vld [tilespmem:s20+$0x0];
	_ =	sdelay $0x3  }
0x21a: {  	s13 =	simm.s32 $0x1;
	v2 =	vmul.f32 v1, v6;
	v5 =	vmul.f32 v4, v6  }
0x21b: {  	s11 =	simm.s32 $0x2;
	v1 =	vmov s13;
	v4 =	vmul.f32 v3, v6;
	v3 =	vmul.f32 v7, v6;
	s13 =	simm.s32 $0x138A0  }
.LBB2_17:
0x21c: {  	p2 =	sne.s32 s11, $0x7F  }
0x21d: {  	[tilespmem:s20+$0x10] =	vst v5;
	s13 =	sadd.s32 $0x40, s13;
	s14 =	smov.u32 s11;
	s11 =	sadd.s32 $0x1, s11  }
0x21e: {  	[tilespmem:s20+$0xFFFFFFE0] =	vst v2  }
0x21f: {  	v6 =	vld [tilespmem:s13+$0xFFFFFFF0];
	[tilespmem:s20+$0xFFFFFFF0] =	vst v4  }
0x220: {  	v4 =	vld [tilespmem:s13+$0x10];
	[tilespmem:s20+$0x0] =	vst v3;
	s20 =	smov.u32 s13  }
0x221: {  	v3 =	vld.idx.msk [tilespmem:v1+s12+$0x0], $0xffff  }
0x222: {  	v1 =	vld [tilespmem:s13+$0xFFFFFFE0]  }
0x223: {  	v7 =	vld [tilespmem:s13+$0x0]  }
.Ltmp7:
0x224: {  	(pc) =	sbr.rel @p2 .LBB2_17-.Ltmp7, $3  }
0x225: {  	_ =	sdelay $0x1  }
0x226: {  	v5 =	vmul.f32 v4, v3;
	v2 =	vmul.f32 v1, v3  }
0x227: {  	v4 =	vmul.f32 v6, v3;
	v1 =	vmov s14;
	v3 =	vmul.f32 v7, v3  }
0x228: {  	[tilespmem:s20+$0x10] =	vst v5  }
0x229: {  	s11 =	sadd.s32 $0x40, s13;
	[tilespmem:s20+$0xFFFFFFE0] =	vst v2  }
0x22a: {  	v2 =	vld [tilespmem:s11+$0xFFFFFFF0];
	[tilespmem:s20+$0xFFFFFFF0] =	vst v4  }
0x22b: {  	v4 =	vld [tilespmem:s11+$0x10];
	[tilespmem:s20+$0x0] =	vst v3  }
0x22c: {  	v1 =	vld.idx.msk [tilespmem:v1+s12+$0x0], $0xffff  }
0x22d: {  	v3 =	vld [tilespmem:s11+$0xFFFFFFE0];
	_ =	sdelay $0x1  }
0x22e: {  	v5 =	vld [tilespmem:s11+$0x0];
	_ =	sdelay $0x1  }
0x22f: {  	v4 =	vmul.f32 v4, v1  }
0x230: {  	v3 =	vmul.f32 v3, v1  }
0x231: {  	v2 =	vmul.f32 v2, v1;
	[tilespmem:s11+$0x10] =	vst v4  }
0x232: {  	v1 =	vmul.f32 v5, v1;
	[tilespmem:s11+$0xFFFFFFE0] =	vst v3  }
0x233: {  	[tilespmem:s11+$0xFFFFFFF0] =	vst v2  }
0x234: {  	[tilespmem:s11+$0x0] =	vst v1  }
0x235: {  	[spmem:s28] =	stream.indirect.scatter.add.f32 [tilespmem:s8], [sflag:$0x3], $0x40, s16, s24, $0xb8;
	[tilespmem:$0x17B80] =	vst v63  }
0x236: {  	s5 =	sadd.s32 s5, s30;
	_ =	swait.ge [sflag:s7], $0x2000  }
0x237: {  	s5 =	sshrl.u32 s5, $0x3;
	[sflag:s7] =	ssyncset.done $0x0  }
0x238: {  	s14 =	sadd.s32 s17, s5;
	s20 =	simm.s32 $0x0;
	[sflag:s7] =	ssyncadd.s32 $0xFFFFE000  }
0x239: {  	[tilespmem:s6], [sflag:$0x6] =	stream.linear.gather [hbm4b:s14+s20], $0x80, $0x38;
	[tilespmem:$0x17B80] =	vst v63  }
0x23a: {  	_ =	swait.ge [sflag:s9], $0x80  }
0x23b: {  	[sflag:s9] =	ssyncset.done $0x0  }
0x23c: {  	[sflag:s9] =	ssyncadd.s32 $0xFFFFFF80  }
0x23d: {  	v1 =	vmov s20;
	_ =	swait.ge [sflag:s9], $0x80  }
0x23e: {  	[sflag:s9] =	ssyncset.done $0x0  }
0x23f: {  	s20 =	simm.s32 $0x158A0;
	[sflag:s9] =	ssyncadd.s32 $0xFFFFFF80  }
0x240: {  	v3 =	vld [tilespmem:s20+$0xFFFFFFF0]  }
0x241: {  	v4 =	vld [tilespmem:s20+$0x10]  }
0x242: {  	v6 =	vld.idx.msk [tilespmem:v1+s2+$0x0], $0xffff  }
0x243: {  	v1 =	vld [tilespmem:s20+$0xFFFFFFE0]  }
0x244: {  	v7 =	vld [tilespmem:s20+$0x0];
	_ =	sdelay $0x3  }
0x245: {  	s14 =	simm.s32 $0x1;
	v2 =	vmul.f32 v1, v6;
	v5 =	vmul.f32 v4, v6  }
0x246: {  	s13 =	simm.s32 $0x158A0;
	s11 =	simm.s32 $0x2;
	v1 =	vmov s14;
	v4 =	vmul.f32 v3, v6;
	v3 =	vmul.f32 v7, v6  }
.LBB2_19:
0x247: {  	p2 =	sne.s32 s11, $0x7F  }
0x248: {  	[tilespmem:s20+$0x10] =	vst v5;
	s13 =	sadd.s32 $0x40, s13;
	s14 =	smov.u32 s11;
	s11 =	sadd.s32 $0x1, s11  }
0x249: {  	[tilespmem:s20+$0xFFFFFFE0] =	vst v2  }
0x24a: {  	v6 =	vld [tilespmem:s13+$0xFFFFFFF0];
	[tilespmem:s20+$0xFFFFFFF0] =	vst v4  }
0x24b: {  	v4 =	vld [tilespmem:s13+$0x10];
	[tilespmem:s20+$0x0] =	vst v3;
	s20 =	smov.u32 s13  }
0x24c: {  	v3 =	vld.idx.msk [tilespmem:v1+s2+$0x0], $0xffff  }
0x24d: {  	v1 =	vld [tilespmem:s13+$0xFFFFFFE0]  }
0x24e: {  	v7 =	vld [tilespmem:s13+$0x0]  }
.Ltmp8:
0x24f: {  	(pc) =	sbr.rel @p2 .LBB2_19-.Ltmp8, $3  }
0x250: {  	_ =	sdelay $0x1  }
0x251: {  	v5 =	vmul.f32 v4, v3;
	v2 =	vmul.f32 v1, v3  }
0x252: {  	v4 =	vmul.f32 v6, v3;
	v1 =	vmov s14;
	v3 =	vmul.f32 v7, v3  }
0x253: {  	[tilespmem:s20+$0x10] =	vst v5  }
0x254: {  	s11 =	sadd.s32 $0x40, s13;
	[tilespmem:s20+$0xFFFFFFE0] =	vst v2  }
0x255: {  	v2 =	vld [tilespmem:s11+$0xFFFFFFF0];
	[tilespmem:s20+$0xFFFFFFF0] =	vst v4  }
0x256: {  	v4 =	vld [tilespmem:s11+$0x10];
	[tilespmem:s20+$0x0] =	vst v3  }
0x257: {  	v1 =	vld.idx.msk [tilespmem:v1+s2+$0x0], $0xffff  }
0x258: {  	v3 =	vld [tilespmem:s11+$0xFFFFFFE0];
	_ =	sdelay $0x1  }
0x259: {  	v5 =	vld [tilespmem:s11+$0x0];
	_ =	sdelay $0x1  }
0x25a: {  	v4 =	vmul.f32 v4, v1  }
0x25b: {  	v3 =	vmul.f32 v3, v1  }
0x25c: {  	v2 =	vmul.f32 v2, v1;
	[tilespmem:s11+$0x10] =	vst v4  }
0x25d: {  	v1 =	vmul.f32 v5, v1;
	[tilespmem:s11+$0xFFFFFFE0] =	vst v3  }
0x25e: {  	[tilespmem:s11+$0xFFFFFFF0] =	vst v2  }
0x25f: {  	[tilespmem:s11+$0x0] =	vst v1  }
0x260: {  	[spmem:s28] =	stream.indirect.scatter.add.f32 [tilespmem:s29], [sflag:$0x4], $0x40, s10, s24, $0xb8;
	[tilespmem:$0x17B80] =	vst v63  }
0x261: {  	_ =	swait.ge [sflag:s3], $0x2000  }
0x262: {  	[sflag:s3] =	ssyncset.done $0x0  }
0x263: {  	s20 =	sadd.s32 s18, s25;
	[sflag:s3] =	ssyncadd.s32 $0xFFFFE000  }
0x264: {  	[tilespmem:s16], [sflag:$0x7] =	stream.linear.gather [hbm4b:s20+s1], $0x80, $0x38;
	[tilespmem:$0x17B80] =	vst v63  }
0x265: {  	s13 =	sadd.s32 s19, s25  }
0x266: {  	[tilespmem:s12], [sflag:$0x7] =	stream.linear.gather [hbm4b:s13+s1], $0x80, $0x38;
	[tilespmem:$0x17B80] =	vst v63  }
0x267: {  	_ =	swait.ge [sflag:s22], $0x80  }
0x268: {  	[sflag:s22] =	ssyncset.done $0x0  }
0x269: {  	[sflag:s22] =	ssyncadd.s32 $0xFFFFFF80  }
0x26a: {  	s14 =	rddreg [dreg:$0x2]  }
0x26b: {  	[tilespmem:s8], [sflag:$0x1] =	stream.indirect.gather [spmem:s14], $0x40, s15, s24, $0xb8;
	[tilespmem:$0x17B80] =	vst v63  }
0x26c: {  	_ =	swait.ge [sflag:s4], $0x2000  }
0x26d: {  	[sflag:s4] =	ssyncset.done $0x0  }
0x26e: {  	s23 =	sadd.s32 $0x1, s23;
	s20 =	sadd.s32 s18, s5;
	[sflag:s4] =	ssyncadd.s32 $0xFFFFE000  }
0x26f: {  	[tilespmem:s10], [sflag:$0x8] =	stream.linear.gather [hbm4b:s20+s1], $0x80, $0x38;
	[tilespmem:$0x17B80] =	vst v63  }
0x270: {  	p2 =	sne.s32 s23, $0x27;
	s25 =	sadd.s32 s19, s5  }
0x271: {  	[tilespmem:s2], [sflag:$0x8] =	stream.linear.gather [hbm4b:s25+s1], $0x80, $0x38;
	[tilespmem:$0x17B80] =	vst v63  }
.Ltmp9:
0x272: {  	_ = 	snop;
	(pc) =	sbr.rel @p2 .LBB2_16-.Ltmp9, $4  }
0x273: {  	_ =	swait.ge [sflag:s26], $0x80  }
0x274: {  	[sflag:s26] =	ssyncset.done $0x0  }
0x275: {  	[sflag:s26] =	ssyncadd.s32 $0xFFFFFF80  }
0x276: {  	[tilespmem:s29], [sflag:$0x2] =	stream.indirect.gather [spmem:s14], $0x40, s6, s24, $0xb8;
	[tilespmem:$0x17B80] =	vst v63  }
0x277: {  	_ =	swait.ge [sflag:s31], $0x2000  }
0x278: {  	[sflag:s31] =	ssyncset.done $0x0  }
0x279: {  	[sflag:s31] =	ssyncadd.s32 $0xFFFFE000  }
0x27a: {  	_ =	swait.ge [sflag:s0], $0x80  }
0x27b: {  	[sflag:s0] =	ssyncset.done $0x0  }
0x27c: {  	s5 =	simm.s32 $0x0;
	[sflag:s0] =	ssyncadd.s32 $0xFFFFFF80  }
0x27d: {  	v1 =	vmov s5;
	_ =	swait.ge [sflag:s0], $0x80  }
0x27e: {  	[sflag:s0] =	ssyncset.done $0x0  }
0x27f: {  	s5 =	simm.s32 $0x138A0;
	[sflag:s0] =	ssyncadd.s32 $0xFFFFFF80  }
0x280: {  	v3 =	vld [tilespmem:s5+$0xFFFFFFF0]  }
0x281: {  	v4 =	vld [tilespmem:s5+$0x10]  }
0x282: {  	v6 =	vld.idx.msk [tilespmem:v1+s12+$0x0], $0xffff  }
0x283: {  	v1 =	vld [tilespmem:s5+$0xFFFFFFE0]  }
0x284: {  	v7 =	vld [tilespmem:s5+$0x0];
	_ =	sdelay $0x3  }
0x285: {  	s13 =	simm.s32 $0x1;
	v2 =	vmul.f32 v1, v6;
	v5 =	vmul.f32 v4, v6  }
0x286: {  	s11 =	simm.s32 $0x2;
	v1 =	vmov s13;
	v4 =	vmul.f32 v3, v6;
	v3 =	vmul.f32 v7, v6;
	s13 =	simm.s32 $0x138A0  }
.LBB2_22:
0x287: {  	p2 =	sne.s32 s11, $0x7F  }
0x288: {  	[tilespmem:s5+$0x10] =	vst v5;
	s13 =	sadd.s32 $0x40, s13;
	s14 =	smov.u32 s11;
	s11 =	sadd.s32 $0x1, s11  }
0x289: {  	[tilespmem:s5+$0xFFFFFFE0] =	vst v2  }
0x28a: {  	v6 =	vld [tilespmem:s13+$0xFFFFFFF0];
	[tilespmem:s5+$0xFFFFFFF0] =	vst v4  }
0x28b: {  	v4 =	vld [tilespmem:s13+$0x10];
	[tilespmem:s5+$0x0] =	vst v3;
	s5 =	smov.u32 s13  }
0x28c: {  	v3 =	vld.idx.msk [tilespmem:v1+s12+$0x0], $0xffff  }
0x28d: {  	v1 =	vld [tilespmem:s13+$0xFFFFFFE0]  }
0x28e: {  	v7 =	vld [tilespmem:s13+$0x0]  }
.Ltmp10:
0x28f: {  	(pc) =	sbr.rel @p2 .LBB2_22-.Ltmp10, $3  }
0x290: {  	_ =	sdelay $0x1  }
0x291: {  	v5 =	vmul.f32 v4, v3;
	v2 =	vmul.f32 v1, v3  }
0x292: {  	v4 =	vmul.f32 v6, v3;
	v1 =	vmov s14;
	v3 =	vmul.f32 v7, v3  }
0x293: {  	[tilespmem:s5+$0x10] =	vst v5  }
0x294: {  	s11 =	sadd.s32 $0x40, s13;
	[tilespmem:s5+$0xFFFFFFE0] =	vst v2  }
0x295: {  	v2 =	vld [tilespmem:s11+$0xFFFFFFF0];
	[tilespmem:s5+$0xFFFFFFF0] =	vst v4  }
0x296: {  	v4 =	vld [tilespmem:s11+$0x10];
	[tilespmem:s5+$0x0] =	vst v3  }
0x297: {  	v1 =	vld.idx.msk [tilespmem:v1+s12+$0x0], $0xffff  }
0x298: {  	v3 =	vld [tilespmem:s11+$0xFFFFFFE0];
	_ =	sdelay $0x1  }
0x299: {  	v5 =	vld [tilespmem:s11+$0x0];
	_ =	sdelay $0x1  }
0x29a: {  	v4 =	vmul.f32 v4, v1  }
0x29b: {  	v3 =	vmul.f32 v3, v1  }
0x29c: {  	v2 =	vmul.f32 v2, v1;
	[tilespmem:s11+$0x10] =	vst v4  }
0x29d: {  	v1 =	vmul.f32 v5, v1;
	[tilespmem:s11+$0xFFFFFFE0] =	vst v3  }
0x29e: {  	[tilespmem:s11+$0xFFFFFFF0] =	vst v2  }
0x29f: {  	[tilespmem:s11+$0x0] =	vst v1  }
0x2a0: {  	[spmem:s28] =	stream.indirect.scatter.add.f32 [tilespmem:s8], [sflag:$0x3], $0x40, s16, s24, $0xb8;
	[tilespmem:$0x17B80] =	vst v63  }
0x2a1: {  	_ =	swait.ge [sflag:s7], $0x2000  }
0x2a2: {  	[sflag:s7] =	ssyncset.done $0x0  }
0x2a3: {  	[sflag:s7] =	ssyncadd.s32 $0xFFFFE000  }
0x2a4: {  	_ =	swait.ge [sflag:s9], $0x80  }
0x2a5: {  	[sflag:s9] =	ssyncset.done $0x0  }
0x2a6: {  	s23 =	simm.s32 $0x0;
	[sflag:s9] =	ssyncadd.s32 $0xFFFFFF80  }
0x2a7: {  	v1 =	vmov s23;
	_ =	swait.ge [sflag:s9], $0x80  }
0x2a8: {  	[sflag:s9] =	ssyncset.done $0x0  }
0x2a9: {  	s5 =	simm.s32 $0x158A0;
	[sflag:s9] =	ssyncadd.s32 $0xFFFFFF80  }
0x2aa: {  	v3 =	vld [tilespmem:s5+$0xFFFFFFF0]  }
0x2ab: {  	v4 =	vld [tilespmem:s5+$0x10]  }
0x2ac: {  	v6 =	vld.idx.msk [tilespmem:v1+s2+$0x0], $0xffff  }
0x2ad: {  	v1 =	vld [tilespmem:s5+$0xFFFFFFE0]  }
0x2ae: {  	v7 =	vld [tilespmem:s5+$0x0];
	_ =	sdelay $0x3  }
0x2af: {  	s25 =	simm.s32 $0x1;
	v2 =	vmul.f32 v1, v6;
	v5 =	vmul.f32 v4, v6  }
0x2b0: {  	s13 =	simm.s32 $0x158A0;
	s11 =	simm.s32 $0x2;
	v1 =	vmov s25;
	v4 =	vmul.f32 v3, v6;
	v3 =	vmul.f32 v7, v6  }
.LBB2_24:
0x2b1: {  	p2 =	sne.s32 s11, $0x7F  }
0x2b2: {  	[tilespmem:s5+$0x10] =	vst v5;
	s13 =	sadd.s32 $0x40, s13;
	s14 =	smov.u32 s11;
	s11 =	sadd.s32 $0x1, s11  }
0x2b3: {  	[tilespmem:s5+$0xFFFFFFE0] =	vst v2  }
0x2b4: {  	v6 =	vld [tilespmem:s13+$0xFFFFFFF0];
	[tilespmem:s5+$0xFFFFFFF0] =	vst v4  }
0x2b5: {  	v4 =	vld [tilespmem:s13+$0x10];
	[tilespmem:s5+$0x0] =	vst v3;
	s5 =	smov.u32 s13  }
0x2b6: {  	v3 =	vld.idx.msk [tilespmem:v1+s2+$0x0], $0xffff  }
0x2b7: {  	v1 =	vld [tilespmem:s13+$0xFFFFFFE0]  }
0x2b8: {  	v7 =	vld [tilespmem:s13+$0x0]  }
.Ltmp11:
0x2b9: {  	(pc) =	sbr.rel @p2 .LBB2_24-.Ltmp11, $3  }
0x2ba: {  	_ =	sdelay $0x1  }
0x2bb: {  	v5 =	vmul.f32 v4, v3;
	v2 =	vmul.f32 v1, v3  }
0x2bc: {  	v4 =	vmul.f32 v6, v3;
	v1 =	vmov s14;
	v3 =	vmul.f32 v7, v3  }
0x2bd: {  	[tilespmem:s5+$0x10] =	vst v5  }
0x2be: {  	s11 =	sadd.s32 $0x40, s13;
	[tilespmem:s5+$0xFFFFFFE0] =	vst v2  }
0x2bf: {  	v2 =	vld [tilespmem:s11+$0xFFFFFFF0];
	[tilespmem:s5+$0xFFFFFFF0] =	vst v4  }
0x2c0: {  	v4 =	vld [tilespmem:s11+$0x10];
	[tilespmem:s5+$0x0] =	vst v3  }
0x2c1: {  	v1 =	vld.idx.msk [tilespmem:v1+s2+$0x0], $0xffff  }
0x2c2: {  	v3 =	vld [tilespmem:s11+$0xFFFFFFE0];
	_ =	sdelay $0x1  }
0x2c3: {  	v5 =	vld [tilespmem:s11+$0x0];
	_ =	sdelay $0x1  }
0x2c4: {  	v4 =	vmul.f32 v4, v1  }
0x2c5: {  	v3 =	vmul.f32 v3, v1  }
0x2c6: {  	v2 =	vmul.f32 v2, v1;
	[tilespmem:s11+$0x10] =	vst v4  }
0x2c7: {  	v1 =	vmul.f32 v5, v1;
	[tilespmem:s11+$0xFFFFFFE0] =	vst v3  }
0x2c8: {  	[tilespmem:s11+$0xFFFFFFF0] =	vst v2  }
0x2c9: {  	[tilespmem:s11+$0x0] =	vst v1  }
0x2ca: {  	[spmem:s28] =	stream.indirect.scatter.add.f32 [tilespmem:s29], [sflag:$0x4], $0x40, s10, s24, $0xb8;
	[tilespmem:$0x17B80] =	vst v63  }
0x2cb: {  	_ =	swait.ge [sflag:s3], $0x2000  }
0x2cc: {  	[sflag:s3] =	ssyncset.done $0x0  }
0x2cd: {  	[sflag:s3] =	ssyncadd.s32 $0xFFFFE000  }
0x2ce: {  	_ =	swait.ge [sflag:s4], $0x2000  }
0x2cf: {  	[sflag:s4] =	ssyncset.done $0x0  }
0x2d0: {  	[sflag:s4] =	ssyncadd.s32 $0xFFFFE000  }
0x2d1: {  	[bflag:$0x0] =	sbarrier.arrive $0xFFFF  }
0x2d2: {  	s20 =	sld [smem:$0x7FA]  }
0x2d3: {  	s21 =	sld [smem:$0x7D6];
	_ =	sdelay $0x1  }
0x2d4: {  	s14 =	simm.s32 $0x9;
	s5 =	rddreg [dreg:$0x11]  }
0x2d5: {  	[hbm:s20], [sflag:s5] =	dma.local [spmem:s21], $0x640  }
0x2d6: {  	_ =	swait.ge [sflag:s14], $0x640  }
0x2d7: {  	s23 =	sld [smem:$0x7FB]  }
0x2d8: {  	s25 =	sld [smem:$0x7D7]  }
0x2d9: {  	[sflag:s14] =	ssyncset.done $0x0  }
0x2da: {  	[sflag:s14] =	ssyncadd.s32 $0xFFFFF9C0  }
0x2db: {  	[hbm:s23], [sflag:s5] =	dma.local [spmem:s25], $0x640  }
0x2dc: {  	_ =	swait.ge [sflag:s14], $0x640  }
0x2dd: {  	s20 =	sld [smem:$0x7FC]  }
0x2de: {  	s21 =	sld [smem:$0x7D8]  }
0x2df: {  	[sflag:s14] =	ssyncset.done $0x0  }
0x2e0: {  	[sflag:s14] =	ssyncadd.s32 $0xFFFFF9C0  }
0x2e1: {  	[hbm:s20], [sflag:s5] =	dma.local [spmem:s21], $0x640  }
0x2e2: {  	_ =	swait.ge [sflag:s14], $0x640  }
0x2e3: {  	s11 =	sld [smem:$0x7FD]  }
0x2e4: {  	s13 =	sld [smem:$0x7D9]  }
0x2e5: {  	[sflag:s14] =	ssyncset.done $0x0  }
0x2e6: {  	[sflag:s14] =	ssyncadd.s32 $0xFFFFF9C0  }
0x2e7: {  	[hbm:s11], [sflag:s5] =	dma.local @!p1 [spmem:s13], $0x640  }
0x2e8: {  	s5 =	simm.s32 @!p1 $0x9  }
0x2e9: {  	_ =	swait.ge @!p1 [sflag:s5], $0x640  }
0x2ea: {  	s23 =	sld [smem:$0x7E2]  }
0x2eb: {  	s25 =	sld [smem:$0x7F1];
	_ =	sdelay $0x1  }
0x2ec: {  	s13 =	sadd.s32 $0x1, s23  }
0x2ed: {  	p2 =	sne.s32 s13, s25  }
.Ltmp12:
0x2ee: {  	_ = 	snop;
	(pc) =	sbr.rel @p2 .LBB2_1-.Ltmp12, $3  }
0x2ef: {  	_ =	sdelay $0x1  }
0x2f0: {  	[sflag:s5] =	ssyncset.done @!p1 $0x0  }
0x2f1: {  	[sflag:s5] =	ssyncadd.s32 @!p1 $0xFFFFF9C0  }
0x2f2: {  	_ =	sfence.sel $0x180000  }
0x2f3: {  	[bflag:$0x0] =	sbarrier.arrive $0xFFFF  }
0x2f4: {  	_ =	strace $0x90000047  }
0x2f5: {  	s0 =	stileid.u32;
	[bflag:$0x2] =	sbarrier.arrive $0xFFFF  }
0x2f6: {  	p0 =	sne.s32 s0, $0x0;
	s0 =	rddreg [dreg:$0x4]  }
0x2f7: {  	s0 =	sadd.s32 @!p0 $0x100000, s0  }
0x2f8: {  	[sflag:s0] =	ssyncadd.tile.s32 @!p0 $0x1;
	_ =	shalt  }
.Lfunc_end2:
_tile_overlayer_lowered:
.L_overlay_start_2:
0x2f9: {  	(tag) =	ssettag $0x2  }
0x2fa: {  	s0 =	rddreg [dreg:$0x0];
	s2 =	stileid.u32  }
0x2fb: {  	s1 =	rddreg [dreg:$0x1];
	p0 =	sne.s32 s2, $0x0  }
0x2fc: {  	s3 =	rddreg [dreg:$0x2];
	[bflag:$0x3] =	sbarrier.arrive $0xFFFF;
	s2 =	simm.s32 @!p0 $0x1C09  }
0x2fd: {  	[timem:s3], [sflag:s2] =	dma.local @!p0 [hbm:s0], s1  }
0x2fe: {  	s0 =	simm.s32 @!p0 $0x9  }
0x2ff: {  	_ =	swait.ge @!p0 [sflag:s0], s1  }
0x300: {  	s1 =	ssub.s32 @!p0 $0x0, s1;
	[sflag:s0] =	ssyncset.done @!p0 $0x0  }
0x301: {  	[sflag:s0] =	ssyncadd.s32 @!p0 s1  }
0x302: {  	[bflag:$0x3] =	sbarrier.arrive $0xFFFF  }
0x303: {  	_ =	shalt  }

</sc_bundles>
